<compile_context>
chip_gen: v7x
topology: tpu7x:2x2x1
jax: 0.10.2.dev20260603
libtpu: 0.0.44.dev20260713+nightly
codegen_flags: <defaults>
</compile_context>

<pallas_src>
import functools

import jax
import jax.numpy as jnp
from jax import lax
from jax.experimental import pallas as pl
from jax.experimental.pallas import tpu as pltpu
from jax.experimental.pallas import tpu_sc as plsc

N = 10000
E = 320000
F = 128
H = 64
OUT = 64
B = 64
GH = 32
FH = 64

NC = 2
NS = 16
CHUNK = 128
NCH = -(-E // (NC * NS * CHUNK))
EPAD = NC * NS * NCH * CHUNK
NPAD = -(-N // (NS * 8)) * NS * 8
ROWS_PER_TILE = NPAD // NS


def _edge_agg_body(y_hbm, src_hbm, dst_hbm, zeros_hbm, out_hbm,
                   src_v, dst_v, rows_v, acc_sh, sem):
    c = lax.axis_index("c")
    s = lax.axis_index("s")
    pltpu.sync_copy(zeros_hbm.at[pl.ds(s * ROWS_PER_TILE, ROWS_PER_TILE)],
                    acc_sh.at[pl.ds(s * ROWS_PER_TILE, ROWS_PER_TILE)])
    pltpu.sync_copy(src_hbm.at[c, s], src_v)
    pltpu.sync_copy(dst_hbm.at[c, s], dst_v)
    plsc.subcore_barrier()

    def body(j, carry):
        pltpu.async_copy(y_hbm.at[src_v.at[j]], rows_v, sem).wait()
        pltpu.sync_copy(rows_v, acc_sh.at[dst_v.at[j]], add=True)
        return carry

    lax.fori_loop(0, NCH, body, 0)
    plsc.subcore_barrier()
    pltpu.sync_copy(acc_sh.at[pl.ds(s * ROWS_PER_TILE, ROWS_PER_TILE)],
                    out_hbm.at[c, pl.ds(s * ROWS_PER_TILE, ROWS_PER_TILE)])


@functools.cache
def _make_edge_agg(width):
    return pl.kernel(
        _edge_agg_body,
        out_type=jax.ShapeDtypeStruct((NC, NPAD, width), jnp.float32),
        mesh=plsc.VectorSubcoreMesh(core_axis_name="c", subcore_axis_name="s",
                                    num_cores=NC, num_subcores=NS),
        scratch_types=[
            pltpu.VMEM((NCH, CHUNK), jnp.int32),
            pltpu.VMEM((NCH, CHUNK), jnp.int32),
            pltpu.VMEM((CHUNK, width), jnp.float32),
            pltpu.VMEM_SHARED((NPAD, width), jnp.float32),
            pltpu.SemaphoreType.DMA,
        ],
        compiler_params=pltpu.CompilerParams(use_tc_tiling_on_sc=False),
        name=f"edge_agg_{width}",
    )


def _edge_agg(y, src, dst, zeros):
    return _make_edge_agg(y.shape[-1])(y, src, dst, zeros)


def _prep_edges(edge_index):
    ei = edge_index.astype(jnp.int32)
    pad = EPAD - E
    src = jnp.concatenate([ei[0], jnp.zeros((pad,), jnp.int32)])
    dst = jnp.concatenate(
        [ei[1], N + (jnp.arange(pad, dtype=jnp.int32) % (NPAD - N))])
    return (src.reshape(NC, NS, NCH, CHUNK), dst.reshape(NC, NS, NCH, CHUNK))


def _bn_relu(z, g, bt):
    mu = jnp.mean(z, axis=0, keepdims=True)
    var = jnp.mean((z - mu) * (z - mu), axis=0, keepdims=True)
    return jnp.maximum(g * (z - mu) * lax.rsqrt(var + 1e-5) + bt, 0.0)


def _conv_bn_relu(acc_ref, x_ref, wrel_ref, wroot_ref, b_ref, g_ref, bt_ref):
    acc = acc_ref[...]
    z = (jnp.dot(acc[0, :N] + acc[1, :N], wrel_ref[...],
                 preferred_element_type=jnp.float32)
         + jnp.dot(x_ref[...], wroot_ref[...],
                   preferred_element_type=jnp.float32)
         + b_ref[...])
    return _bn_relu(z, g_ref[...], bt_ref[...])


def _tc_mid_body(acc_ref, x_ref, wrel_ref, wroot_ref, b_ref, g_ref, bt_ref,
                 h_ref):
    h_ref[...] = _conv_bn_relu(acc_ref, x_ref, wrel_ref, wroot_ref, b_ref,
                               g_ref, bt_ref)


def _tc_mid(acc, x, wrel, wroot, b, g, bt):
    return pl.pallas_call(
        _tc_mid_body,
        out_shape=jax.ShapeDtypeStruct((N, wrel.shape[1]), jnp.float32),
    )(acc, x, wrel, wroot, b.reshape(1, -1), g.reshape(1, -1),
      bt.reshape(1, -1))




def _tc_pool_body(acc_ref, x_ref, wrel_ref, wroot_ref, b_ref, g_ref, bt_ref,
                  gw1_ref, gb1_ref, gw2_ref, gb2_ref, batch_ref, e_ref):
    h = _conv_bn_relu(acc_ref, x_ref, wrel_ref, wroot_ref, b_ref, g_ref,
                      bt_ref)
    t = jnp.maximum(jnp.dot(h, gw1_ref[...],
                            preferred_element_type=jnp.float32) + gb1_ref[...],
                    0.0)
    gate = jnp.maximum(jnp.dot(t, gw2_ref[...],
                               preferred_element_type=jnp.float32)
                       + gb2_ref[...], 0.0)
    oh = batch_ref[...] == lax.broadcasted_iota(jnp.int32, (1, B), 1)
    ohf = oh.astype(jnp.float32)
    m = jnp.max(jnp.where(oh, gate, -1e30), axis=0, keepdims=True)
    m_node = jnp.sum(ohf * m, axis=1, keepdims=True)
    e = jnp.exp(gate - m_node)
    seg = jnp.sum(ohf * e, axis=0, keepdims=True)
    s_node = jnp.sum(ohf * seg, axis=1, keepdims=True)
    a = e / (s_node + 1e-16)
    e_ref[...] = lax.dot_general(ohf, a * h, (((0,), (0,)), ((), ())),
                                 preferred_element_type=jnp.float32,
                                 precision=lax.Precision.HIGHEST)


def _tc_pool(acc, x, batch, p):
    return pl.pallas_call(
        _tc_pool_body,
        out_shape=jax.ShapeDtypeStruct((B, OUT), jnp.float32),
    )(acc, x, p['c3_Wrel'], p['c3_Wroot'], p['c3_b'].reshape(1, -1),
      p['n3_g'].reshape(1, -1), p['n3_b'].reshape(1, -1),
      p['g_W1'], p['g_b1'].reshape(1, -1), p['g_W2'], p['g_b2'].reshape(1, -1),
      batch.astype(jnp.int32).reshape(N, 1))


def _tc_final_body(e1_ref, e2_ref, w1_ref, b1_ref, w2_ref, b2_ref, o_ref):
    d = jnp.abs(e1_ref[...] - e2_ref[...])
    t = jnp.maximum(jnp.dot(d, w1_ref[...],
                            preferred_element_type=jnp.float32) + b1_ref[...],
                    0.0)
    o_ref[...] = (jnp.dot(t, w2_ref[...], preferred_element_type=jnp.float32)
                  + b2_ref[...])


def _tc_final(e1, e2, p):
    return pl.pallas_call(
        _tc_final_body,
        out_shape=jax.ShapeDtypeStruct((B, 1), jnp.float32),
    )(e1, e2, p['f_W1'], p['f_b1'].reshape(1, -1),
      p['f_W2'], p['f_b2'].reshape(1, -1))


def kernel(x1, edge_index1, batch1, x2, edge_index2, batch2, params):
    p = params
    zeros_f = jnp.zeros((NPAD, F), jnp.float32)
    zeros_h = jnp.zeros((NPAD, H), jnp.float32)
    s1, d1 = _prep_edges(edge_index1)
    s2, d2 = _prep_edges(edge_index2)

    aa = _edge_agg(x1, s1, d1, zeros_f)
    ab = _edge_agg(x2, s2, d2, zeros_f)
    ha = _tc_mid(aa, x1, p['c1_Wrel'], p['c1_Wroot'], p['c1_b'], p['n1_g'], p['n1_b'])
    hb = _tc_mid(ab, x2, p['c1_Wrel'], p['c1_Wroot'], p['c1_b'], p['n1_g'], p['n1_b'])
    aa = _edge_agg(ha, s1, d1, zeros_h)
    ab = _edge_agg(hb, s2, d2, zeros_h)
    ha = _tc_mid(aa, ha, p['c2_Wrel'], p['c2_Wroot'], p['c2_b'], p['n2_g'], p['n2_b'])
    hb = _tc_mid(ab, hb, p['c2_Wrel'], p['c2_Wroot'], p['c2_b'], p['n2_g'], p['n2_b'])
    aa = _edge_agg(ha, s1, d1, zeros_h)
    ab = _edge_agg(hb, s2, d2, zeros_h)
    e1 = _tc_pool(aa, ha, batch1, p)
    e2 = _tc_pool(ab, hb, batch2, p)
    return _tc_final(e1, e2, p)

# --- scband reference (transcript-rebuilt; emitter-appended) ---
"""Pipeline reference for scband-gcnsiamese2-8624294331071 (READ-ONLY COPY).

The authoritative reference and input builder live on the scoring server;
editing this copy changes nothing except your own understanding.
"""

import jax, jax.numpy as jnp
import numpy as np

N = 10000
E = 320000
F = 128
H = 64
OUT = 64
B = 64
GH = 32
FH = 64


def setup_inputs(seed: int = 0) -> dict:
    key = jax.random.key(seed)
    ks = jax.random.split(key, 40)
    x1 = jax.random.normal(ks[0], (N, F), dtype=jnp.float32)
    x2 = jax.random.normal(ks[1], (N, F), dtype=jnp.float32)
    edge_index1 = jax.random.randint(ks[2], (2, E), 0, N, dtype=jnp.int64) if jax.config.jax_enable_x64 else jax.random.randint(ks[2], (2, E), 0, N).astype(jnp.int32)
    edge_index2 = jax.random.randint(ks[3], (2, E), 0, N).astype(edge_index1.dtype)
    batch1 = jnp.sort(jax.random.randint(ks[4], (N,), 0, B)).astype(edge_index1.dtype)
    batch2 = jnp.sort(jax.random.randint(ks[5], (N,), 0, B)).astype(edge_index1.dtype)

    def w(k, shape, fan_in):
        return jax.random.normal(k, shape, dtype=jnp.float32) * (1.0 / np.sqrt(fan_in))

    params = {
        'c1_Wrel': w(ks[6], (F, H), F), 'c1_Wroot': w(ks[7], (F, H), F), 'c1_b': jnp.zeros((H,), jnp.float32),
        'c2_Wrel': w(ks[8], (H, H), H), 'c2_Wroot': w(ks[9], (H, H), H), 'c2_b': jnp.zeros((H,), jnp.float32),
        'c3_Wrel': w(ks[10], (H, OUT), H), 'c3_Wroot': w(ks[11], (H, OUT), H), 'c3_b': jnp.zeros((OUT,), jnp.float32),
        'n1_g': jnp.ones((H,), jnp.float32), 'n1_b': jnp.zeros((H,), jnp.float32),
        'n2_g': jnp.ones((H,), jnp.float32), 'n2_b': jnp.zeros((H,), jnp.float32),
        'n3_g': jnp.ones((OUT,), jnp.float32), 'n3_b': jnp.zeros((OUT,), jnp.float32),
        'g_W1': w(ks[12], (OUT, GH), OUT), 'g_b1': jnp.zeros((GH,), jnp.float32),
        'g_W2': w(ks[13], (GH, 1), GH), 'g_b2': jnp.zeros((1,), jnp.float32),
        'f_W1': w(ks[14], (OUT, FH), OUT), 'f_b1': jnp.zeros((FH,), jnp.float32),
        'f_W2': w(ks[15], (FH, 1), FH), 'f_b2': jnp.zeros((1,), jnp.float32),
    }
    return {'x1': x1, 'edge_index1': edge_index1, 'batch1': batch1,
            'x2': x2, 'edge_index2': edge_index2, 'batch2': batch2,
            'params': params}


def _graph_conv(x, ei, Wrel, Wroot, b):
    # PyG GraphConv: lin_rel(sum_{j in N(i)} x_j) + lin_root(x_i)
    agg = jax.ops.segment_sum(x[ei[0]], ei[1], num_segments=x.shape[0])
    return agg @ Wrel + x @ Wroot + b


def _batch_norm(x, g, b):
    mu = jnp.mean(x, axis=0)
    var = jnp.var(x, axis=0)
    return g * (x - mu) * jax.lax.rsqrt(var + 1e-5) + b


def _embed(x, ei, batch, p):
    h = jax.nn.relu(_batch_norm(_graph_conv(x, ei, p['c1_Wrel'], p['c1_Wroot'], p['c1_b']), p['n1_g'], p['n1_b']))
    h = jax.nn.relu(_batch_norm(_graph_conv(h, ei, p['c2_Wrel'], p['c2_Wroot'], p['c2_b']), p['n2_g'], p['n2_b']))
    h = jax.nn.relu(_batch_norm(_graph_conv(h, ei, p['c3_Wrel'], p['c3_Wroot'], p['c3_b']), p['n3_g'], p['n3_b']))
    # GlobalAttentionSelect with pool_ref='last': gate from final node features
    gate = jax.nn.relu(jax.nn.relu(h @ p['g_W1'] + p['g_b1']) @ p['g_W2'] + p['g_b2'])  # [N,1], final_relu=True
    m = jax.ops.segment_max(gate, batch, num_segments=B)
    e = jnp.exp(gate - m[batch])
    s = jax.ops.segment_sum(e, batch, num_segments=B)
    a = e / (s[batch] + 1e-16)
    return jax.ops.segment_sum(a * h, batch, num_segments=B)  # [B, OUT]


def reference(x1, edge_index1, batch1, x2, edge_index2, batch2, params):
    e1 = _embed(x1, edge_index1, batch1, params)
    e2 = _embed(x2, edge_index2, batch2, params)
    d = jnp.abs(e1 - e2)  # final_out_join='abs'
    out = jax.nn.relu(d @ params['f_W1'] + params['f_b1']) @ params['f_W2'] + params['f_b2']
    return out  # [B, 1]


if False:  # reference __main__ guard neutralized (emitter)
    inp = setup_inputs()
    o = reference(**inp)
    print(o.shape)

if __name__ == "__main__":
    import jax
    _d = setup_inputs()
    print(jax.jit(kernel)(*tuple(_d.values())))

</pallas_src>

<mosaic_0001>
#map = affine_map<(d0, d1) -> (0, 0)>
#map1 = affine_map<(d0, d1) -> (0, 0, 0, 0)>
#map2 = affine_map<(d0, d1) -> (0, 0, 0)>
module attributes {stable_mosaic.version = 14 : i64} {
  func.func @edge_agg_64(%arg0: i32, %arg1: i32, %arg2: memref<10000x64xf32, #tpu.memory_space<hbm>>, %arg3: memref<2x16x79x128xi32, #tpu.memory_space<hbm>>, %arg4: memref<2x16x79x128xi32, #tpu.memory_space<hbm>>, %arg5: memref<10112x64xf32, #tpu.memory_space<hbm>>, %arg6: memref<2x10112x64xf32, #tpu.memory_space<hbm>>, %arg7: memref<79x128xi32, #tpu.memory_space<vmem>>, %arg8: memref<79x128xi32, #tpu.memory_space<vmem>>, %arg9: memref<128x64xf32, #tpu.memory_space<vmem>>, %arg10: memref<10112x64xf32, #tpu.memory_space<vmem_shared>>, %arg11: memref<!tpu.dma_semaphore, #tpu.memory_space<semaphore_mem>>) attributes {dimension_semantics = [#tpu.dimension_semantics<core_parallel>, #tpu.dimension_semantics<subcore_parallel>], iteration_bounds = array<i64: 2, 16>, scalar_prefetch = 0 : i64, scratch_operands = 5 : i64, tpu.core_type = #tpu.core_type<sc_vector_subcore>, window_params = [{transform_indices = #map}, {transform_indices = #map1}, {transform_indices = #map1}, {transform_indices = #map}, {transform_indices = #map2}]} {
    %mul3A = arith.constant 632 : i32
    %mul3A_0 = arith.muli %arg1, %mul3A : i32
    %mul3A_1 = arith.constant 632 : i32
    %mul3A_2 = arith.muli %arg1, %mul3A_1 : i32
    "tpu.region"() ({
      %run_scoped3A = tpu.sem_alloc : memref<!tpu.dma_semaphore, #tpu.memory_space<semaphore_mem>>
      %dma_start3A = arith.constant 0 : i32
      %dma_start3A_13 = tpu.memref_slice %arg10[%mul3A_2, %dma_start3A] : memref<10112x64xf32, #tpu.memory_space<vmem_shared>> -> memref<632x64xf32, #tpu.memory_space<vmem_shared>>
      %dma_start3A_14 = arith.constant 0 : i32
      %dma_start3A_15 = tpu.memref_slice %arg5[%mul3A_0, %dma_start3A_14] : memref<10112x64xf32, #tpu.memory_space<hbm>> -> memref<632x64xf32, #tpu.memory_space<hbm>>
      tpu.enqueue_dma source(%dma_start3A_15 : memref<632x64xf32, #tpu.memory_space<hbm>>) target(%dma_start3A_13 : memref<632x64xf32, #tpu.memory_space<vmem_shared>>) target_semaphore(%run_scoped3A : memref<!tpu.dma_semaphore, #tpu.memory_space<semaphore_mem>>)
      %dma_wait3A = arith.constant 0 : i32
      %dma_wait3A_16 = tpu.memref_slice %arg10[%mul3A_2, %dma_wait3A] : memref<10112x64xf32, #tpu.memory_space<vmem_shared>> -> memref<632x64xf32, #tpu.memory_space<vmem_shared>>
      %dma_wait3A_17 = arith.constant 0 : i32
      %dma_wait3A_18 = tpu.memref_slice %arg5[%mul3A_0, %dma_wait3A_17] : memref<10112x64xf32, #tpu.memory_space<hbm>> -> memref<632x64xf32, #tpu.memory_space<hbm>>
      tpu.wait_dma2 semaphore(%run_scoped3A : memref<!tpu.dma_semaphore, #tpu.memory_space<semaphore_mem>>) src(%dma_wait3A_18 : memref<632x64xf32, #tpu.memory_space<hbm>>) dst(%dma_wait3A_16 : memref<632x64xf32, #tpu.memory_space<vmem_shared>>)
      tpu.yield
    }) : () -> ()
    "tpu.region"() ({
      %run_scoped3A = tpu.sem_alloc : memref<!tpu.dma_semaphore, #tpu.memory_space<semaphore_mem>>
      %dma_start3A = arith.constant 0 : i32
      %dma_start3A_13 = arith.constant 0 : i32
      %dma_start3A_14 = tpu.memref_slice %arg3[%arg0, %arg1, %dma_start3A, %dma_start3A_13] : memref<2x16x79x128xi32, #tpu.memory_space<hbm>> -> memref<1x1x79x128xi32, #tpu.memory_space<hbm>>
      %dma_start3A_15 = tpu.memref_squeeze %dma_start3A_14 : memref<1x1x79x128xi32, #tpu.memory_space<hbm>> -> memref<79x128xi32, #tpu.memory_space<hbm>>
      %dma_start3A_16 = arith.constant 0 : i32
      %dma_start3A_17 = arith.constant 0 : i32
      %dma_start3A_18 = tpu.memref_slice %arg3[%arg0, %arg1, %dma_start3A_16, %dma_start3A_17] : memref<2x16x79x128xi32, #tpu.memory_space<hbm>> -> memref<1x1x79x128xi32, #tpu.memory_space<hbm>>
      %dma_start3A_19 = tpu.memref_squeeze %dma_start3A_18 : memref<1x1x79x128xi32, #tpu.memory_space<hbm>> -> memref<79x128xi32, #tpu.memory_space<hbm>>
      tpu.enqueue_dma source(%dma_start3A_19 : memref<79x128xi32, #tpu.memory_space<hbm>>) target(%arg7 : memref<79x128xi32, #tpu.memory_space<vmem>>) target_semaphore(%run_scoped3A : memref<!tpu.dma_semaphore, #tpu.memory_space<semaphore_mem>>)
      %dma_wait3A = arith.constant 0 : i32
      %dma_wait3A_20 = arith.constant 0 : i32
      %dma_wait3A_21 = tpu.memref_slice %arg3[%arg0, %arg1, %dma_wait3A, %dma_wait3A_20] : memref<2x16x79x128xi32, #tpu.memory_space<hbm>> -> memref<1x1x79x128xi32, #tpu.memory_space<hbm>>
      %dma_wait3A_22 = tpu.memref_squeeze %dma_wait3A_21 : memref<1x1x79x128xi32, #tpu.memory_space<hbm>> -> memref<79x128xi32, #tpu.memory_space<hbm>>
      %dma_wait3A_23 = arith.constant 0 : i32
      %dma_wait3A_24 = arith.constant 0 : i32
      %dma_wait3A_25 = tpu.memref_slice %arg3[%arg0, %arg1, %dma_wait3A_23, %dma_wait3A_24] : memref<2x16x79x128xi32, #tpu.memory_space<hbm>> -> memref<1x1x79x128xi32, #tpu.memory_space<hbm>>
      %dma_wait3A_26 = tpu.memref_squeeze %dma_wait3A_25 : memref<1x1x79x128xi32, #tpu.memory_space<hbm>> -> memref<79x128xi32, #tpu.memory_space<hbm>>
      tpu.wait_dma2 semaphore(%run_scoped3A : memref<!tpu.dma_semaphore, #tpu.memory_space<semaphore_mem>>) src(%dma_wait3A_26 : memref<79x128xi32, #tpu.memory_space<hbm>>) dst(%arg7 : memref<79x128xi32, #tpu.memory_space<vmem>>)
      tpu.yield
    }) : () -> ()
    "tpu.region"() ({
      %run_scoped3A = tpu.sem_alloc : memref<!tpu.dma_semaphore, #tpu.memory_space<semaphore_mem>>
      %dma_start3A = arith.constant 0 : i32
      %dma_start3A_13 = arith.constant 0 : i32
      %dma_start3A_14 = tpu.memref_slice %arg4[%arg0, %arg1, %dma_start3A, %dma_start3A_13] : memref<2x16x79x128xi32, #tpu.memory_space<hbm>> -> memref<1x1x79x128xi32, #tpu.memory_space<hbm>>
      %dma_start3A_15 = tpu.memref_squeeze %dma_start3A_14 : memref<1x1x79x128xi32, #tpu.memory_space<hbm>> -> memref<79x128xi32, #tpu.memory_space<hbm>>
      %dma_start3A_16 = arith.constant 0 : i32
      %dma_start3A_17 = arith.constant 0 : i32
      %dma_start3A_18 = tpu.memref_slice %arg4[%arg0, %arg1, %dma_start3A_16, %dma_start3A_17] : memref<2x16x79x128xi32, #tpu.memory_space<hbm>> -> memref<1x1x79x128xi32, #tpu.memory_space<hbm>>
      %dma_start3A_19 = tpu.memref_squeeze %dma_start3A_18 : memref<1x1x79x128xi32, #tpu.memory_space<hbm>> -> memref<79x128xi32, #tpu.memory_space<hbm>>
      tpu.enqueue_dma source(%dma_start3A_19 : memref<79x128xi32, #tpu.memory_space<hbm>>) target(%arg8 : memref<79x128xi32, #tpu.memory_space<vmem>>) target_semaphore(%run_scoped3A : memref<!tpu.dma_semaphore, #tpu.memory_space<semaphore_mem>>)
      %dma_wait3A = arith.constant 0 : i32
      %dma_wait3A_20 = arith.constant 0 : i32
      %dma_wait3A_21 = tpu.memref_slice %arg4[%arg0, %arg1, %dma_wait3A, %dma_wait3A_20] : memref<2x16x79x128xi32, #tpu.memory_space<hbm>> -> memref<1x1x79x128xi32, #tpu.memory_space<hbm>>
      %dma_wait3A_22 = tpu.memref_squeeze %dma_wait3A_21 : memref<1x1x79x128xi32, #tpu.memory_space<hbm>> -> memref<79x128xi32, #tpu.memory_space<hbm>>
      %dma_wait3A_23 = arith.constant 0 : i32
      %dma_wait3A_24 = arith.constant 0 : i32
      %dma_wait3A_25 = tpu.memref_slice %arg4[%arg0, %arg1, %dma_wait3A_23, %dma_wait3A_24] : memref<2x16x79x128xi32, #tpu.memory_space<hbm>> -> memref<1x1x79x128xi32, #tpu.memory_space<hbm>>
      %dma_wait3A_26 = tpu.memref_squeeze %dma_wait3A_25 : memref<1x1x79x128xi32, #tpu.memory_space<hbm>> -> memref<79x128xi32, #tpu.memory_space<hbm>>
      tpu.wait_dma2 semaphore(%run_scoped3A : memref<!tpu.dma_semaphore, #tpu.memory_space<semaphore_mem>>) src(%dma_wait3A_26 : memref<79x128xi32, #tpu.memory_space<hbm>>) dst(%arg8 : memref<79x128xi32, #tpu.memory_space<vmem>>)
      tpu.yield
    }) : () -> ()
    %barrier3A = arith.constant 0 : index
    tpu.barrier barrier_id(%barrier3A)
    %scan3A = arith.constant 0 : i32
    %scan3A_3 = arith.constant 0 : i32
    %scan3A_4 = arith.constant 79 : i32
    %scan3A_5 = arith.addi %scan3A_3, %scan3A_4 : i32
    %scan3A_6 = arith.constant 1 : i32
    scf.for %scan3A_13 = %scan3A_3 to %scan3A_5 step %scan3A_6  : i32 {
      %dma_start3A = arith.constant 0 : i32
      %dma_start3A_14 = tpu.memref_slice %arg7[%scan3A_13, %dma_start3A] : memref<79x128xi32, #tpu.memory_space<vmem>> -> memref<1x128xi32, #tpu.memory_space<vmem>>
      %dma_start3A_15 = tpu.memref_squeeze %dma_start3A_14 : memref<1x128xi32, #tpu.memory_space<vmem>> -> memref<128xi32, #tpu.memory_space<vmem>>
      %dma_start3A_16 = arith.constant 0 : i32
      %dma_start3A_17 = arith.constant 0 : i32
      %dma_start3A_18 = tpu.memref_slice %arg2[%dma_start3A_16, %dma_start3A_17] : memref<10000x64xf32, #tpu.memory_space<hbm>> -> memref<10000x64xf32, #tpu.memory_space<hbm>>
      tpu.enqueue_indirect_dma source(%dma_start3A_18 : memref<10000x64xf32, #tpu.memory_space<hbm>>) target(%arg9 : memref<128x64xf32, #tpu.memory_space<vmem>>) offsets(%dma_start3A_15 : memref<128xi32, #tpu.memory_space<vmem>>) semaphore(%arg11 : memref<!tpu.dma_semaphore, #tpu.memory_space<semaphore_mem>>)
      %dma_wait3A = arith.constant 0 : i32
      %dma_wait3A_19 = tpu.memref_slice %arg7[%scan3A_13, %dma_wait3A] : memref<79x128xi32, #tpu.memory_space<vmem>> -> memref<1x128xi32, #tpu.memory_space<vmem>>
      %dma_wait3A_20 = tpu.memref_squeeze %dma_wait3A_19 : memref<1x128xi32, #tpu.memory_space<vmem>> -> memref<128xi32, #tpu.memory_space<vmem>>
      %dma_wait3A_21 = arith.constant 0 : i32
      %dma_wait3A_22 = arith.constant 0 : i32
      %dma_wait3A_23 = tpu.memref_slice %arg2[%dma_wait3A_21, %dma_wait3A_22] : memref<10000x64xf32, #tpu.memory_space<hbm>> -> memref<10000x64xf32, #tpu.memory_space<hbm>>
      tpu.wait_indirect_dma semaphore(%arg11 : memref<!tpu.dma_semaphore, #tpu.memory_space<semaphore_mem>>) src(%dma_wait3A_23 : memref<10000x64xf32, #tpu.memory_space<hbm>>) dst(%arg9 : memref<128x64xf32, #tpu.memory_space<vmem>>)
      "tpu.region"() ({
        %run_scoped3A = tpu.sem_alloc : memref<!tpu.dma_semaphore, #tpu.memory_space<semaphore_mem>>
        %dma_start3A_24 = arith.constant 0 : i32
        %dma_start3A_25 = tpu.memref_slice %arg8[%scan3A_13, %dma_start3A_24] : memref<79x128xi32, #tpu.memory_space<vmem>> -> memref<1x128xi32, #tpu.memory_space<vmem>>
        %dma_start3A_26 = tpu.memref_squeeze %dma_start3A_25 : memref<1x128xi32, #tpu.memory_space<vmem>> -> memref<128xi32, #tpu.memory_space<vmem>>
        %dma_start3A_27 = arith.constant 0 : i32
        %dma_start3A_28 = arith.constant 0 : i32
        %dma_start3A_29 = tpu.memref_slice %arg10[%dma_start3A_27, %dma_start3A_28] : memref<10112x64xf32, #tpu.memory_space<vmem_shared>> -> memref<10112x64xf32, #tpu.memory_space<vmem_shared>>
        tpu.enqueue_indirect_dma source(%arg9 : memref<128x64xf32, #tpu.memory_space<vmem>>) target(%dma_start3A_29 : memref<10112x64xf32, #tpu.memory_space<vmem_shared>>) offsets(%dma_start3A_26 : memref<128xi32, #tpu.memory_space<vmem>>) semaphore(%run_scoped3A : memref<!tpu.dma_semaphore, #tpu.memory_space<semaphore_mem>>) {add = true}
        %dma_wait3A_30 = arith.constant 0 : i32
        %dma_wait3A_31 = tpu.memref_slice %arg8[%scan3A_13, %dma_wait3A_30] : memref<79x128xi32, #tpu.memory_space<vmem>> -> memref<1x128xi32, #tpu.memory_space<vmem>>
        %dma_wait3A_32 = tpu.memref_squeeze %dma_wait3A_31 : memref<1x128xi32, #tpu.memory_space<vmem>> -> memref<128xi32, #tpu.memory_space<vmem>>
        %dma_wait3A_33 = arith.constant 0 : i32
        %dma_wait3A_34 = arith.constant 0 : i32
        %dma_wait3A_35 = tpu.memref_slice %arg10[%dma_wait3A_33, %dma_wait3A_34] : memref<10112x64xf32, #tpu.memory_space<vmem_shared>> -> memref<10112x64xf32, #tpu.memory_space<vmem_shared>>
        tpu.wait_indirect_dma semaphore(%run_scoped3A : memref<!tpu.dma_semaphore, #tpu.memory_space<semaphore_mem>>) src(%arg9 : memref<128x64xf32, #tpu.memory_space<vmem>>) dst(%dma_wait3A_35 : memref<10112x64xf32, #tpu.memory_space<vmem_shared>>)
        tpu.yield
      }) : () -> ()
    }
    %scan3A_7 = arith.constant 79 : i32
    %barrier3A_8 = arith.constant 0 : index
    tpu.barrier barrier_id(%barrier3A_8)
    %mul3A_9 = arith.constant 632 : i32
    %mul3A_10 = arith.muli %arg1, %mul3A_9 : i32
    %mul3A_11 = arith.constant 632 : i32
    %mul3A_12 = arith.muli %arg1, %mul3A_11 : i32
    "tpu.region"() ({
      %run_scoped3A = tpu.sem_alloc : memref<!tpu.dma_semaphore, #tpu.memory_space<semaphore_mem>>
      %dma_start3A = arith.constant 0 : i32
      %dma_start3A_13 = tpu.memref_slice %arg6[%arg0, %mul3A_12, %dma_start3A] : memref<2x10112x64xf32, #tpu.memory_space<hbm>> -> memref<1x632x64xf32, #tpu.memory_space<hbm>>
      %dma_start3A_14 = tpu.memref_squeeze %dma_start3A_13 : memref<1x632x64xf32, #tpu.memory_space<hbm>> -> memref<632x64xf32, #tpu.memory_space<hbm>>
      %dma_start3A_15 = arith.constant 0 : i32
      %dma_start3A_16 = tpu.memref_slice %arg10[%mul3A_10, %dma_start3A_15] : memref<10112x64xf32, #tpu.memory_space<vmem_shared>> -> memref<632x64xf32, #tpu.memory_space<vmem_shared>>
      tpu.enqueue_dma source(%dma_start3A_16 : memref<632x64xf32, #tpu.memory_space<vmem_shared>>) target(%dma_start3A_14 : memref<632x64xf32, #tpu.memory_space<hbm>>) target_semaphore(%run_scoped3A : memref<!tpu.dma_semaphore, #tpu.memory_space<semaphore_mem>>)
      %dma_wait3A = arith.constant 0 : i32
      %dma_wait3A_17 = tpu.memref_slice %arg6[%arg0, %mul3A_12, %dma_wait3A] : memref<2x10112x64xf32, #tpu.memory_space<hbm>> -> memref<1x632x64xf32, #tpu.memory_space<hbm>>
      %dma_wait3A_18 = tpu.memref_squeeze %dma_wait3A_17 : memref<1x632x64xf32, #tpu.memory_space<hbm>> -> memref<632x64xf32, #tpu.memory_space<hbm>>
      %dma_wait3A_19 = arith.constant 0 : i32
      %dma_wait3A_20 = tpu.memref_slice %arg10[%mul3A_10, %dma_wait3A_19] : memref<10112x64xf32, #tpu.memory_space<vmem_shared>> -> memref<632x64xf32, #tpu.memory_space<vmem_shared>>
      tpu.wait_dma2 semaphore(%run_scoped3A : memref<!tpu.dma_semaphore, #tpu.memory_space<semaphore_mem>>) src(%dma_wait3A_20 : memref<632x64xf32, #tpu.memory_space<vmem_shared>>) dst(%dma_wait3A_18 : memref<632x64xf32, #tpu.memory_space<hbm>>)
      tpu.yield
    }) : () -> ()
    return
  }
}

#map = affine_map<(d0, d1) -> (0, 0)>
#map1 = affine_map<(d0, d1) -> (0, 0, 0, 0)>
#map2 = affine_map<(d0, d1) -> (0, 0, 0)>
module attributes {stable_mosaic.version = 14 : i64} {
  func.func @edge_agg_128(%arg0: i32, %arg1: i32, %arg2: memref<10000x128xf32, #tpu.memory_space<hbm>>, %arg3: memref<2x16x79x128xi32, #tpu.memory_space<hbm>>, %arg4: memref<2x16x79x128xi32, #tpu.memory_space<hbm>>, %arg5: memref<10112x128xf32, #tpu.memory_space<hbm>>, %arg6: memref<2x10112x128xf32, #tpu.memory_space<hbm>>, %arg7: memref<79x128xi32, #tpu.memory_space<vmem>>, %arg8: memref<79x128xi32, #tpu.memory_space<vmem>>, %arg9: memref<128x128xf32, #tpu.memory_space<vmem>>, %arg10: memref<10112x128xf32, #tpu.memory_space<vmem_shared>>, %arg11: memref<!tpu.dma_semaphore, #tpu.memory_space<semaphore_mem>>) attributes {dimension_semantics = [#tpu.dimension_semantics<core_parallel>, #tpu.dimension_semantics<subcore_parallel>], iteration_bounds = array<i64: 2, 16>, scalar_prefetch = 0 : i64, scratch_operands = 5 : i64, tpu.core_type = #tpu.core_type<sc_vector_subcore>, window_params = [{transform_indices = #map}, {transform_indices = #map1}, {transform_indices = #map1}, {transform_indices = #map}, {transform_indices = #map2}]} {
    %mul3A = arith.constant 632 : i32
    %mul3A_0 = arith.muli %arg1, %mul3A : i32
    %mul3A_1 = arith.constant 632 : i32
    %mul3A_2 = arith.muli %arg1, %mul3A_1 : i32
    "tpu.region"() ({
      %run_scoped3A = tpu.sem_alloc : memref<!tpu.dma_semaphore, #tpu.memory_space<semaphore_mem>>
      %dma_start3A = arith.constant 0 : i32
      %dma_start3A_13 = tpu.memref_slice %arg10[%mul3A_2, %dma_start3A] : memref<10112x128xf32, #tpu.memory_space<vmem_shared>> -> memref<632x128xf32, #tpu.memory_space<vmem_shared>>
      %dma_start3A_14 = arith.constant 0 : i32
      %dma_start3A_15 = tpu.memref_slice %arg5[%mul3A_0, %dma_start3A_14] : memref<10112x128xf32, #tpu.memory_space<hbm>> -> memref<632x128xf32, #tpu.memory_space<hbm>>
      tpu.enqueue_dma source(%dma_start3A_15 : memref<632x128xf32, #tpu.memory_space<hbm>>) target(%dma_start3A_13 : memref<632x128xf32, #tpu.memory_space<vmem_shared>>) target_semaphore(%run_scoped3A : memref<!tpu.dma_semaphore, #tpu.memory_space<semaphore_mem>>)
      %dma_wait3A = arith.constant 0 : i32
      %dma_wait3A_16 = tpu.memref_slice %arg10[%mul3A_2, %dma_wait3A] : memref<10112x128xf32, #tpu.memory_space<vmem_shared>> -> memref<632x128xf32, #tpu.memory_space<vmem_shared>>
      %dma_wait3A_17 = arith.constant 0 : i32
      %dma_wait3A_18 = tpu.memref_slice %arg5[%mul3A_0, %dma_wait3A_17] : memref<10112x128xf32, #tpu.memory_space<hbm>> -> memref<632x128xf32, #tpu.memory_space<hbm>>
      tpu.wait_dma2 semaphore(%run_scoped3A : memref<!tpu.dma_semaphore, #tpu.memory_space<semaphore_mem>>) src(%dma_wait3A_18 : memref<632x128xf32, #tpu.memory_space<hbm>>) dst(%dma_wait3A_16 : memref<632x128xf32, #tpu.memory_space<vmem_shared>>)
      tpu.yield
    }) : () -> ()
    "tpu.region"() ({
      %run_scoped3A = tpu.sem_alloc : memref<!tpu.dma_semaphore, #tpu.memory_space<semaphore_mem>>
      %dma_start3A = arith.constant 0 : i32
      %dma_start3A_13 = arith.constant 0 : i32
      %dma_start3A_14 = tpu.memref_slice %arg3[%arg0, %arg1, %dma_start3A, %dma_start3A_13] : memref<2x16x79x128xi32, #tpu.memory_space<hbm>> -> memref<1x1x79x128xi32, #tpu.memory_space<hbm>>
      %dma_start3A_15 = tpu.memref_squeeze %dma_start3A_14 : memref<1x1x79x128xi32, #tpu.memory_space<hbm>> -> memref<79x128xi32, #tpu.memory_space<hbm>>
      %dma_start3A_16 = arith.constant 0 : i32
      %dma_start3A_17 = arith.constant 0 : i32
      %dma_start3A_18 = tpu.memref_slice %arg3[%arg0, %arg1, %dma_start3A_16, %dma_start3A_17] : memref<2x16x79x128xi32, #tpu.memory_space<hbm>> -> memref<1x1x79x128xi32, #tpu.memory_space<hbm>>
      %dma_start3A_19 = tpu.memref_squeeze %dma_start3A_18 : memref<1x1x79x128xi32, #tpu.memory_space<hbm>> -> memref<79x128xi32, #tpu.memory_space<hbm>>
      tpu.enqueue_dma source(%dma_start3A_19 : memref<79x128xi32, #tpu.memory_space<hbm>>) target(%arg7 : memref<79x128xi32, #tpu.memory_space<vmem>>) target_semaphore(%run_scoped3A : memref<!tpu.dma_semaphore, #tpu.memory_space<semaphore_mem>>)
      %dma_wait3A = arith.constant 0 : i32
      %dma_wait3A_20 = arith.constant 0 : i32
      %dma_wait3A_21 = tpu.memref_slice %arg3[%arg0, %arg1, %dma_wait3A, %dma_wait3A_20] : memref<2x16x79x128xi32, #tpu.memory_space<hbm>> -> memref<1x1x79x128xi32, #tpu.memory_space<hbm>>
      %dma_wait3A_22 = tpu.memref_squeeze %dma_wait3A_21 : memref<1x1x79x128xi32, #tpu.memory_space<hbm>> -> memref<79x128xi32, #tpu.memory_space<hbm>>
      %dma_wait3A_23 = arith.constant 0 : i32
      %dma_wait3A_24 = arith.constant 0 : i32
      %dma_wait3A_25 = tpu.memref_slice %arg3[%arg0, %arg1, %dma_wait3A_23, %dma_wait3A_24] : memref<2x16x79x128xi32, #tpu.memory_space<hbm>> -> memref<1x1x79x128xi32, #tpu.memory_space<hbm>>
      %dma_wait3A_26 = tpu.memref_squeeze %dma_wait3A_25 : memref<1x1x79x128xi32, #tpu.memory_space<hbm>> -> memref<79x128xi32, #tpu.memory_space<hbm>>
      tpu.wait_dma2 semaphore(%run_scoped3A : memref<!tpu.dma_semaphore, #tpu.memory_space<semaphore_mem>>) src(%dma_wait3A_26 : memref<79x128xi32, #tpu.memory_space<hbm>>) dst(%arg7 : memref<79x128xi32, #tpu.memory_space<vmem>>)
      tpu.yield
    }) : () -> ()
    "tpu.region"() ({
      %run_scoped3A = tpu.sem_alloc : memref<!tpu.dma_semaphore, #tpu.memory_space<semaphore_mem>>
      %dma_start3A = arith.constant 0 : i32
      %dma_start3A_13 = arith.constant 0 : i32
      %dma_start3A_14 = tpu.memref_slice %arg4[%arg0, %arg1, %dma_start3A, %dma_start3A_13] : memref<2x16x79x128xi32, #tpu.memory_space<hbm>> -> memref<1x1x79x128xi32, #tpu.memory_space<hbm>>
      %dma_start3A_15 = tpu.memref_squeeze %dma_start3A_14 : memref<1x1x79x128xi32, #tpu.memory_space<hbm>> -> memref<79x128xi32, #tpu.memory_space<hbm>>
      %dma_start3A_16 = arith.constant 0 : i32
      %dma_start3A_17 = arith.constant 0 : i32
      %dma_start3A_18 = tpu.memref_slice %arg4[%arg0, %arg1, %dma_start3A_16, %dma_start3A_17] : memref<2x16x79x128xi32, #tpu.memory_space<hbm>> -> memref<1x1x79x128xi32, #tpu.memory_space<hbm>>
      %dma_start3A_19 = tpu.memref_squeeze %dma_start3A_18 : memref<1x1x79x128xi32, #tpu.memory_space<hbm>> -> memref<79x128xi32, #tpu.memory_space<hbm>>
      tpu.enqueue_dma source(%dma_start3A_19 : memref<79x128xi32, #tpu.memory_space<hbm>>) target(%arg8 : memref<79x128xi32, #tpu.memory_space<vmem>>) target_semaphore(%run_scoped3A : memref<!tpu.dma_semaphore, #tpu.memory_space<semaphore_mem>>)
      %dma_wait3A = arith.constant 0 : i32
      %dma_wait3A_20 = arith.constant 0 : i32
      %dma_wait3A_21 = tpu.memref_slice %arg4[%arg0, %arg1, %dma_wait3A, %dma_wait3A_20] : memref<2x16x79x128xi32, #tpu.memory_space<hbm>> -> memref<1x1x79x128xi32, #tpu.memory_space<hbm>>
      %dma_wait3A_22 = tpu.memref_squeeze %dma_wait3A_21 : memref<1x1x79x128xi32, #tpu.memory_space<hbm>> -> memref<79x128xi32, #tpu.memory_space<hbm>>
      %dma_wait3A_23 = arith.constant 0 : i32
      %dma_wait3A_24 = arith.constant 0 : i32
      %dma_wait3A_25 = tpu.memref_slice %arg4[%arg0, %arg1, %dma_wait3A_23, %dma_wait3A_24] : memref<2x16x79x128xi32, #tpu.memory_space<hbm>> -> memref<1x1x79x128xi32, #tpu.memory_space<hbm>>
      %dma_wait3A_26 = tpu.memref_squeeze %dma_wait3A_25 : memref<1x1x79x128xi32, #tpu.memory_space<hbm>> -> memref<79x128xi32, #tpu.memory_space<hbm>>
      tpu.wait_dma2 semaphore(%run_scoped3A : memref<!tpu.dma_semaphore, #tpu.memory_space<semaphore_mem>>) src(%dma_wait3A_26 : memref<79x128xi32, #tpu.memory_space<hbm>>) dst(%arg8 : memref<79x128xi32, #tpu.memory_space<vmem>>)
      tpu.yield
    }) : () -> ()
    %barrier3A = arith.constant 0 : index
    tpu.barrier barrier_id(%barrier3A)
    %scan3A = arith.constant 0 : i32
    %scan3A_3 = arith.constant 0 : i32
    %scan3A_4 = arith.constant 79 : i32
    %scan3A_5 = arith.addi %scan3A_3, %scan3A_4 : i32
    %scan3A_6 = arith.constant 1 : i32
    scf.for %scan3A_13 = %scan3A_3 to %scan3A_5 step %scan3A_6  : i32 {
      %dma_start3A = arith.constant 0 : i32
      %dma_start3A_14 = tpu.memref_slice %arg7[%scan3A_13, %dma_start3A] : memref<79x128xi32, #tpu.memory_space<vmem>> -> memref<1x128xi32, #tpu.memory_space<vmem>>
      %dma_start3A_15 = tpu.memref_squeeze %dma_start3A_14 : memref<1x128xi32, #tpu.memory_space<vmem>> -> memref<128xi32, #tpu.memory_space<vmem>>
      %dma_start3A_16 = arith.constant 0 : i32
      %dma_start3A_17 = arith.constant 0 : i32
      %dma_start3A_18 = tpu.memref_slice %arg2[%dma_start3A_16, %dma_start3A_17] : memref<10000x128xf32, #tpu.memory_space<hbm>> -> memref<10000x128xf32, #tpu.memory_space<hbm>>
      tpu.enqueue_indirect_dma source(%dma_start3A_18 : memref<10000x128xf32, #tpu.memory_space<hbm>>) target(%arg9 : memref<128x128xf32, #tpu.memory_space<vmem>>) offsets(%dma_start3A_15 : memref<128xi32, #tpu.memory_space<vmem>>) semaphore(%arg11 : memref<!tpu.dma_semaphore, #tpu.memory_space<semaphore_mem>>)
      %dma_wait3A = arith.constant 0 : i32
      %dma_wait3A_19 = tpu.memref_slice %arg7[%scan3A_13, %dma_wait3A] : memref<79x128xi32, #tpu.memory_space<vmem>> -> memref<1x128xi32, #tpu.memory_space<vmem>>
      %dma_wait3A_20 = tpu.memref_squeeze %dma_wait3A_19 : memref<1x128xi32, #tpu.memory_space<vmem>> -> memref<128xi32, #tpu.memory_space<vmem>>
      %dma_wait3A_21 = arith.constant 0 : i32
      %dma_wait3A_22 = arith.constant 0 : i32
      %dma_wait3A_23 = tpu.memref_slice %arg2[%dma_wait3A_21, %dma_wait3A_22] : memref<10000x128xf32, #tpu.memory_space<hbm>> -> memref<10000x128xf32, #tpu.memory_space<hbm>>
      tpu.wait_indirect_dma semaphore(%arg11 : memref<!tpu.dma_semaphore, #tpu.memory_space<semaphore_mem>>) src(%dma_wait3A_23 : memref<10000x128xf32, #tpu.memory_space<hbm>>) dst(%arg9 : memref<128x128xf32, #tpu.memory_space<vmem>>)
      "tpu.region"() ({
        %run_scoped3A = tpu.sem_alloc : memref<!tpu.dma_semaphore, #tpu.memory_space<semaphore_mem>>
        %dma_start3A_24 = arith.constant 0 : i32
        %dma_start3A_25 = tpu.memref_slice %arg8[%scan3A_13, %dma_start3A_24] : memref<79x128xi32, #tpu.memory_space<vmem>> -> memref<1x128xi32, #tpu.memory_space<vmem>>
        %dma_start3A_26 = tpu.memref_squeeze %dma_start3A_25 : memref<1x128xi32, #tpu.memory_space<vmem>> -> memref<128xi32, #tpu.memory_space<vmem>>
        %dma_start3A_27 = arith.constant 0 : i32
        %dma_start3A_28 = arith.constant 0 : i32
        %dma_start3A_29 = tpu.memref_slice %arg10[%dma_start3A_27, %dma_start3A_28] : memref<10112x128xf32, #tpu.memory_space<vmem_shared>> -> memref<10112x128xf32, #tpu.memory_space<vmem_shared>>
        tpu.enqueue_indirect_dma source(%arg9 : memref<128x128xf32, #tpu.memory_space<vmem>>) target(%dma_start3A_29 : memref<10112x128xf32, #tpu.memory_space<vmem_shared>>) offsets(%dma_start3A_26 : memref<128xi32, #tpu.memory_space<vmem>>) semaphore(%run_scoped3A : memref<!tpu.dma_semaphore, #tpu.memory_space<semaphore_mem>>) {add = true}
        %dma_wait3A_30 = arith.constant 0 : i32
        %dma_wait3A_31 = tpu.memref_slice %arg8[%scan3A_13, %dma_wait3A_30] : memref<79x128xi32, #tpu.memory_space<vmem>> -> memref<1x128xi32, #tpu.memory_space<vmem>>
        %dma_wait3A_32 = tpu.memref_squeeze %dma_wait3A_31 : memref<1x128xi32, #tpu.memory_space<vmem>> -> memref<128xi32, #tpu.memory_space<vmem>>
        %dma_wait3A_33 = arith.constant 0 : i32
        %dma_wait3A_34 = arith.constant 0 : i32
        %dma_wait3A_35 = tpu.memref_slice %arg10[%dma_wait3A_33, %dma_wait3A_34] : memref<10112x128xf32, #tpu.memory_space<vmem_shared>> -> memref<10112x128xf32, #tpu.memory_space<vmem_shared>>
        tpu.wait_indirect_dma semaphore(%run_scoped3A : memref<!tpu.dma_semaphore, #tpu.memory_space<semaphore_mem>>) src(%arg9 : memref<128x128xf32, #tpu.memory_space<vmem>>) dst(%dma_wait3A_35 : memref<10112x128xf32, #tpu.memory_space<vmem_shared>>)
        tpu.yield
      }) : () -> ()
    }
    %scan3A_7 = arith.constant 79 : i32
    %barrier3A_8 = arith.constant 0 : index
    tpu.barrier barrier_id(%barrier3A_8)
    %mul3A_9 = arith.constant 632 : i32
    %mul3A_10 = arith.muli %arg1, %mul3A_9 : i32
    %mul3A_11 = arith.constant 632 : i32
    %mul3A_12 = arith.muli %arg1, %mul3A_11 : i32
    "tpu.region"() ({
      %run_scoped3A = tpu.sem_alloc : memref<!tpu.dma_semaphore, #tpu.memory_space<semaphore_mem>>
      %dma_start3A = arith.constant 0 : i32
      %dma_start3A_13 = tpu.memref_slice %arg6[%arg0, %mul3A_12, %dma_start3A] : memref<2x10112x128xf32, #tpu.memory_space<hbm>> -> memref<1x632x128xf32, #tpu.memory_space<hbm>>
      %dma_start3A_14 = tpu.memref_squeeze %dma_start3A_13 : memref<1x632x128xf32, #tpu.memory_space<hbm>> -> memref<632x128xf32, #tpu.memory_space<hbm>>
      %dma_start3A_15 = arith.constant 0 : i32
      %dma_start3A_16 = tpu.memref_slice %arg10[%mul3A_10, %dma_start3A_15] : memref<10112x128xf32, #tpu.memory_space<vmem_shared>> -> memref<632x128xf32, #tpu.memory_space<vmem_shared>>
      tpu.enqueue_dma source(%dma_start3A_16 : memref<632x128xf32, #tpu.memory_space<vmem_shared>>) target(%dma_start3A_14 : memref<632x128xf32, #tpu.memory_space<hbm>>) target_semaphore(%run_scoped3A : memref<!tpu.dma_semaphore, #tpu.memory_space<semaphore_mem>>)
      %dma_wait3A = arith.constant 0 : i32
      %dma_wait3A_17 = tpu.memref_slice %arg6[%arg0, %mul3A_12, %dma_wait3A] : memref<2x10112x128xf32, #tpu.memory_space<hbm>> -> memref<1x632x128xf32, #tpu.memory_space<hbm>>
      %dma_wait3A_18 = tpu.memref_squeeze %dma_wait3A_17 : memref<1x632x128xf32, #tpu.memory_space<hbm>> -> memref<632x128xf32, #tpu.memory_space<hbm>>
      %dma_wait3A_19 = arith.constant 0 : i32
      %dma_wait3A_20 = tpu.memref_slice %arg10[%mul3A_10, %dma_wait3A_19] : memref<10112x128xf32, #tpu.memory_space<vmem_shared>> -> memref<632x128xf32, #tpu.memory_space<vmem_shared>>
      tpu.wait_dma2 semaphore(%run_scoped3A : memref<!tpu.dma_semaphore, #tpu.memory_space<semaphore_mem>>) src(%dma_wait3A_20 : memref<632x128xf32, #tpu.memory_space<vmem_shared>>) dst(%dma_wait3A_18 : memref<632x128xf32, #tpu.memory_space<hbm>>)
      tpu.yield
    }) : () -> ()
    return
  }
}

#map = affine_map<(d0, d1) -> (0, 0)>
#map1 = affine_map<(d0, d1) -> (0, 0, 0, 0)>
#map2 = affine_map<(d0, d1) -> (0, 0, 0)>
module attributes {stable_mosaic.version = 14 : i64} {
  func.func @edge_agg_128(%arg0: i32, %arg1: i32, %arg2: memref<10000x128xf32, #tpu.memory_space<hbm>>, %arg3: memref<2x16x79x128xi32, #tpu.memory_space<hbm>>, %arg4: memref<2x16x79x128xi32, #tpu.memory_space<hbm>>, %arg5: memref<10112x128xf32, #tpu.memory_space<hbm>>, %arg6: memref<2x10112x128xf32, #tpu.memory_space<hbm>>, %arg7: memref<79x128xi32, #tpu.memory_space<vmem>>, %arg8: memref<79x128xi32, #tpu.memory_space<vmem>>, %arg9: memref<128x128xf32, #tpu.memory_space<vmem>>, %arg10: memref<10112x128xf32, #tpu.memory_space<vmem_shared>>, %arg11: memref<!tpu.dma_semaphore, #tpu.memory_space<semaphore_mem>>) attributes {dimension_semantics = [#tpu.dimension_semantics<core_parallel>, #tpu.dimension_semantics<subcore_parallel>], iteration_bounds = array<i64: 2, 16>, scalar_prefetch = 0 : i64, scratch_operands = 5 : i64, tpu.core_type = #tpu.core_type<sc_vector_subcore>, window_params = [{transform_indices = #map}, {transform_indices = #map1}, {transform_indices = #map1}, {transform_indices = #map}, {transform_indices = #map2}]} {
    %mul3A = arith.constant 632 : i32
    %mul3A_0 = arith.muli %arg1, %mul3A : i32
    %mul3A_1 = arith.constant 632 : i32
    %mul3A_2 = arith.muli %arg1, %mul3A_1 : i32
    "tpu.region"() ({
      %run_scoped3A = tpu.sem_alloc : memref<!tpu.dma_semaphore, #tpu.memory_space<semaphore_mem>>
      %dma_start3A = arith.constant 0 : i32
      %dma_start3A_13 = tpu.memref_slice %arg10[%mul3A_2, %dma_start3A] : memref<10112x128xf32, #tpu.memory_space<vmem_shared>> -> memref<632x128xf32, #tpu.memory_space<vmem_shared>>
      %dma_start3A_14 = arith.constant 0 : i32
      %dma_start3A_15 = tpu.memref_slice %arg5[%mul3A_0, %dma_start3A_14] : memref<10112x128xf32, #tpu.memory_space<hbm>> -> memref<632x128xf32, #tpu.memory_space<hbm>>
      tpu.enqueue_dma source(%dma_start3A_15 : memref<632x128xf32, #tpu.memory_space<hbm>>) target(%dma_start3A_13 : memref<632x128xf32, #tpu.memory_space<vmem_shared>>) target_semaphore(%run_scoped3A : memref<!tpu.dma_semaphore, #tpu.memory_space<semaphore_mem>>)
      %dma_wait3A = arith.constant 0 : i32
      %dma_wait3A_16 = tpu.memref_slice %arg10[%mul3A_2, %dma_wait3A] : memref<10112x128xf32, #tpu.memory_space<vmem_shared>> -> memref<632x128xf32, #tpu.memory_space<vmem_shared>>
      %dma_wait3A_17 = arith.constant 0 : i32
      %dma_wait3A_18 = tpu.memref_slice %arg5[%mul3A_0, %dma_wait3A_17] : memref<10112x128xf32, #tpu.memory_space<hbm>> -> memref<632x128xf32, #tpu.memory_space<hbm>>
      tpu.wait_dma2 semaphore(%run_scoped3A : memref<!tpu.dma_semaphore, #tpu.memory_space<semaphore_mem>>) src(%dma_wait3A_18 : memref<632x128xf32, #tpu.memory_space<hbm>>) dst(%dma_wait3A_16 : memref<632x128xf32, #tpu.memory_space<vmem_shared>>)
      tpu.yield
    }) : () -> ()
    "tpu.region"() ({
      %run_scoped3A = tpu.sem_alloc : memref<!tpu.dma_semaphore, #tpu.memory_space<semaphore_mem>>
      %dma_start3A = arith.constant 0 : i32
      %dma_start3A_13 = arith.constant 0 : i32
      %dma_start3A_14 = tpu.memref_slice %arg3[%arg0, %arg1, %dma_start3A, %dma_start3A_13] : memref<2x16x79x128xi32, #tpu.memory_space<hbm>> -> memref<1x1x79x128xi32, #tpu.memory_space<hbm>>
      %dma_start3A_15 = tpu.memref_squeeze %dma_start3A_14 : memref<1x1x79x128xi32, #tpu.memory_space<hbm>> -> memref<79x128xi32, #tpu.memory_space<hbm>>
      %dma_start3A_16 = arith.constant 0 : i32
      %dma_start3A_17 = arith.constant 0 : i32
      %dma_start3A_18 = tpu.memref_slice %arg3[%arg0, %arg1, %dma_start3A_16, %dma_start3A_17] : memref<2x16x79x128xi32, #tpu.memory_space<hbm>> -> memref<1x1x79x128xi32, #tpu.memory_space<hbm>>
      %dma_start3A_19 = tpu.memref_squeeze %dma_start3A_18 : memref<1x1x79x128xi32, #tpu.memory_space<hbm>> -> memref<79x128xi32, #tpu.memory_space<hbm>>
      tpu.enqueue_dma source(%dma_start3A_19 : memref<79x128xi32, #tpu.memory_space<hbm>>) target(%arg7 : memref<79x128xi32, #tpu.memory_space<vmem>>) target_semaphore(%run_scoped3A : memref<!tpu.dma_semaphore, #tpu.memory_space<semaphore_mem>>)
      %dma_wait3A = arith.constant 0 : i32
      %dma_wait3A_20 = arith.constant 0 : i32
      %dma_wait3A_21 = tpu.memref_slice %arg3[%arg0, %arg1, %dma_wait3A, %dma_wait3A_20] : memref<2x16x79x128xi32, #tpu.memory_space<hbm>> -> memref<1x1x79x128xi32, #tpu.memory_space<hbm>>
      %dma_wait3A_22 = tpu.memref_squeeze %dma_wait3A_21 : memref<1x1x79x128xi32, #tpu.memory_space<hbm>> -> memref<79x128xi32, #tpu.memory_space<hbm>>
      %dma_wait3A_23 = arith.constant 0 : i32
      %dma_wait3A_24 = arith.constant 0 : i32
      %dma_wait3A_25 = tpu.memref_slice %arg3[%arg0, %arg1, %dma_wait3A_23, %dma_wait3A_24] : memref<2x16x79x128xi32, #tpu.memory_space<hbm>> -> memref<1x1x79x128xi32, #tpu.memory_space<hbm>>
      %dma_wait3A_26 = tpu.memref_squeeze %dma_wait3A_25 : memref<1x1x79x128xi32, #tpu.memory_space<hbm>> -> memref<79x128xi32, #tpu.memory_space<hbm>>
      tpu.wait_dma2 semaphore(%run_scoped3A : memref<!tpu.dma_semaphore, #tpu.memory_space<semaphore_mem>>) src(%dma_wait3A_26 : memref<79x128xi32, #tpu.memory_space<hbm>>) dst(%arg7 : memref<79x128xi32, #tpu.memory_space<vmem>>)
      tpu.yield
    }) : () -> ()
    "tpu.region"() ({
      %run_scoped3A = tpu.sem_alloc : memref<!tpu.dma_semaphore, #tpu.memory_space<semaphore_mem>>
      %dma_start3A = arith.constant 0 : i32
      %dma_start3A_13 = arith.constant 0 : i32
      %dma_start3A_14 = tpu.memref_slice %arg4[%arg0, %arg1, %dma_start3A, %dma_start3A_13] : memref<2x16x79x128xi32, #tpu.memory_space<hbm>> -> memref<1x1x79x128xi32, #tpu.memory_space<hbm>>
      %dma_start3A_15 = tpu.memref_squeeze %dma_start3A_14 : memref<1x1x79x128xi32, #tpu.memory_space<hbm>> -> memref<79x128xi32, #tpu.memory_space<hbm>>
      %dma_start3A_16 = arith.constant 0 : i32
      %dma_start3A_17 = arith.constant 0 : i32
      %dma_start3A_18 = tpu.memref_slice %arg4[%arg0, %arg1, %dma_start3A_16, %dma_start3A_17] : memref<2x16x79x128xi32, #tpu.memory_space<hbm>> -> memref<1x1x79x128xi32, #tpu.memory_space<hbm>>
      %dma_start3A_19 = tpu.memref_squeeze %dma_start3A_18 : memref<1x1x79x128xi32, #tpu.memory_space<hbm>> -> memref<79x128xi32, #tpu.memory_space<hbm>>
      tpu.enqueue_dma source(%dma_start3A_19 : memref<79x128xi32, #tpu.memory_space<hbm>>) target(%arg8 : memref<79x128xi32, #tpu.memory_space<vmem>>) target_semaphore(%run_scoped3A : memref<!tpu.dma_semaphore, #tpu.memory_space<semaphore_mem>>)
      %dma_wait3A = arith.constant 0 : i32
      %dma_wait3A_20 = arith.constant 0 : i32
      %dma_wait3A_21 = tpu.memref_slice %arg4[%arg0, %arg1, %dma_wait3A, %dma_wait3A_20] : memref<2x16x79x128xi32, #tpu.memory_space<hbm>> -> memref<1x1x79x128xi32, #tpu.memory_space<hbm>>
      %dma_wait3A_22 = tpu.memref_squeeze %dma_wait3A_21 : memref<1x1x79x128xi32, #tpu.memory_space<hbm>> -> memref<79x128xi32, #tpu.memory_space<hbm>>
      %dma_wait3A_23 = arith.constant 0 : i32
      %dma_wait3A_24 = arith.constant 0 : i32
      %dma_wait3A_25 = tpu.memref_slice %arg4[%arg0, %arg1, %dma_wait3A_23, %dma_wait3A_24] : memref<2x16x79x128xi32, #tpu.memory_space<hbm>> -> memref<1x1x79x128xi32, #tpu.memory_space<hbm>>
      %dma_wait3A_26 = tpu.memref_squeeze %dma_wait3A_25 : memref<1x1x79x128xi32, #tpu.memory_space<hbm>> -> memref<79x128xi32, #tpu.memory_space<hbm>>
      tpu.wait_dma2 semaphore(%run_scoped3A : memref<!tpu.dma_semaphore, #tpu.memory_space<semaphore_mem>>) src(%dma_wait3A_26 : memref<79x128xi32, #tpu.memory_space<hbm>>) dst(%arg8 : memref<79x128xi32, #tpu.memory_space<vmem>>)
      tpu.yield
    }) : () -> ()
    %barrier3A = arith.constant 0 : index
    tpu.barrier barrier_id(%barrier3A)
    %scan3A = arith.constant 0 : i32
    %scan3A_3 = arith.constant 0 : i32
    %scan3A_4 = arith.constant 79 : i32
    %scan3A_5 = arith.addi %scan3A_3, %scan3A_4 : i32
    %scan3A_6 = arith.constant 1 : i32
    scf.for %scan3A_13 = %scan3A_3 to %scan3A_5 step %scan3A_6  : i32 {
      %dma_start3A = arith.constant 0 : i32
      %dma_start3A_14 = tpu.memref_slice %arg7[%scan3A_13, %dma_start3A] : memref<79x128xi32, #tpu.memory_space<vmem>> -> memref<1x128xi32, #tpu.memory_space<vmem>>
      %dma_start3A_15 = tpu.memref_squeeze %dma_start3A_14 : memref<1x128xi32, #tpu.memory_space<vmem>> -> memref<128xi32, #tpu.memory_space<vmem>>
      %dma_start3A_16 = arith.constant 0 : i32
      %dma_start3A_17 = arith.constant 0 : i32
      %dma_start3A_18 = tpu.memref_slice %arg2[%dma_start3A_16, %dma_start3A_17] : memref<10000x128xf32, #tpu.memory_space<hbm>> -> memref<10000x128xf32, #tpu.memory_space<hbm>>
      tpu.enqueue_indirect_dma source(%dma_start3A_18 : memref<10000x128xf32, #tpu.memory_space<hbm>>) target(%arg9 : memref<128x128xf32, #tpu.memory_space<vmem>>) offsets(%dma_start3A_15 : memref<128xi32, #tpu.memory_space<vmem>>) semaphore(%arg11 : memref<!tpu.dma_semaphore, #tpu.memory_space<semaphore_mem>>)
      %dma_wait3A = arith.constant 0 : i32
      %dma_wait3A_19 = tpu.memref_slice %arg7[%scan3A_13, %dma_wait3A] : memref<79x128xi32, #tpu.memory_space<vmem>> -> memref<1x128xi32, #tpu.memory_space<vmem>>
      %dma_wait3A_20 = tpu.memref_squeeze %dma_wait3A_19 : memref<1x128xi32, #tpu.memory_space<vmem>> -> memref<128xi32, #tpu.memory_space<vmem>>
      %dma_wait3A_21 = arith.constant 0 : i32
      %dma_wait3A_22 = arith.constant 0 : i32
      %dma_wait3A_23 = tpu.memref_slice %arg2[%dma_wait3A_21, %dma_wait3A_22] : memref<10000x128xf32, #tpu.memory_space<hbm>> -> memref<10000x128xf32, #tpu.memory_space<hbm>>
      tpu.wait_indirect_dma semaphore(%arg11 : memref<!tpu.dma_semaphore, #tpu.memory_space<semaphore_mem>>) src(%dma_wait3A_23 : memref<10000x128xf32, #tpu.memory_space<hbm>>) dst(%arg9 : memref<128x128xf32, #tpu.memory_space<vmem>>)
      "tpu.region"() ({
        %run_scoped3A = tpu.sem_alloc : memref<!tpu.dma_semaphore, #tpu.memory_space<semaphore_mem>>
        %dma_start3A_24 = arith.constant 0 : i32
        %dma_start3A_25 = tpu.memref_slice %arg8[%scan3A_13, %dma_start3A_24] : memref<79x128xi32, #tpu.memory_space<vmem>> -> memref<1x128xi32, #tpu.memory_space<vmem>>
        %dma_start3A_26 = tpu.memref_squeeze %dma_start3A_25 : memref<1x128xi32, #tpu.memory_space<vmem>> -> memref<128xi32, #tpu.memory_space<vmem>>
        %dma_start3A_27 = arith.constant 0 : i32
        %dma_start3A_28 = arith.constant 0 : i32
        %dma_start3A_29 = tpu.memref_slice %arg10[%dma_start3A_27, %dma_start3A_28] : memref<10112x128xf32, #tpu.memory_space<vmem_shared>> -> memref<10112x128xf32, #tpu.memory_space<vmem_shared>>
        tpu.enqueue_indirect_dma source(%arg9 : memref<128x128xf32, #tpu.memory_space<vmem>>) target(%dma_start3A_29 : memref<10112x128xf32, #tpu.memory_space<vmem_shared>>) offsets(%dma_start3A_26 : memref<128xi32, #tpu.memory_space<vmem>>) semaphore(%run_scoped3A : memref<!tpu.dma_semaphore, #tpu.memory_space<semaphore_mem>>) {add = true}
        %dma_wait3A_30 = arith.constant 0 : i32
        %dma_wait3A_31 = tpu.memref_slice %arg8[%scan3A_13, %dma_wait3A_30] : memref<79x128xi32, #tpu.memory_space<vmem>> -> memref<1x128xi32, #tpu.memory_space<vmem>>
        %dma_wait3A_32 = tpu.memref_squeeze %dma_wait3A_31 : memref<1x128xi32, #tpu.memory_space<vmem>> -> memref<128xi32, #tpu.memory_space<vmem>>
        %dma_wait3A_33 = arith.constant 0 : i32
        %dma_wait3A_34 = arith.constant 0 : i32
        %dma_wait3A_35 = tpu.memref_slice %arg10[%dma_wait3A_33, %dma_wait3A_34] : memref<10112x128xf32, #tpu.memory_space<vmem_shared>> -> memref<10112x128xf32, #tpu.memory_space<vmem_shared>>
        tpu.wait_indirect_dma semaphore(%run_scoped3A : memref<!tpu.dma_semaphore, #tpu.memory_space<semaphore_mem>>) src(%arg9 : memref<128x128xf32, #tpu.memory_space<vmem>>) dst(%dma_wait3A_35 : memref<10112x128xf32, #tpu.memory_space<vmem_shared>>)
        tpu.yield
      }) : () -> ()
    }
    %scan3A_7 = arith.constant 79 : i32
    %barrier3A_8 = arith.constant 0 : index
    tpu.barrier barrier_id(%barrier3A_8)
    %mul3A_9 = arith.constant 632 : i32
    %mul3A_10 = arith.muli %arg1, %mul3A_9 : i32
    %mul3A_11 = arith.constant 632 : i32
    %mul3A_12 = arith.muli %arg1, %mul3A_11 : i32
    "tpu.region"() ({
      %run_scoped3A = tpu.sem_alloc : memref<!tpu.dma_semaphore, #tpu.memory_space<semaphore_mem>>
      %dma_start3A = arith.constant 0 : i32
      %dma_start3A_13 = tpu.memref_slice %arg6[%arg0, %mul3A_12, %dma_start3A] : memref<2x10112x128xf32, #tpu.memory_space<hbm>> -> memref<1x632x128xf32, #tpu.memory_space<hbm>>
      %dma_start3A_14 = tpu.memref_squeeze %dma_start3A_13 : memref<1x632x128xf32, #tpu.memory_space<hbm>> -> memref<632x128xf32, #tpu.memory_space<hbm>>
      %dma_start3A_15 = arith.constant 0 : i32
      %dma_start3A_16 = tpu.memref_slice %arg10[%mul3A_10, %dma_start3A_15] : memref<10112x128xf32, #tpu.memory_space<vmem_shared>> -> memref<632x128xf32, #tpu.memory_space<vmem_shared>>
      tpu.enqueue_dma source(%dma_start3A_16 : memref<632x128xf32, #tpu.memory_space<vmem_shared>>) target(%dma_start3A_14 : memref<632x128xf32, #tpu.memory_space<hbm>>) target_semaphore(%run_scoped3A : memref<!tpu.dma_semaphore, #tpu.memory_space<semaphore_mem>>)
      %dma_wait3A = arith.constant 0 : i32
      %dma_wait3A_17 = tpu.memref_slice %arg6[%arg0, %mul3A_12, %dma_wait3A] : memref<2x10112x128xf32, #tpu.memory_space<hbm>> -> memref<1x632x128xf32, #tpu.memory_space<hbm>>
      %dma_wait3A_18 = tpu.memref_squeeze %dma_wait3A_17 : memref<1x632x128xf32, #tpu.memory_space<hbm>> -> memref<632x128xf32, #tpu.memory_space<hbm>>
      %dma_wait3A_19 = arith.constant 0 : i32
      %dma_wait3A_20 = tpu.memref_slice %arg10[%mul3A_10, %dma_wait3A_19] : memref<10112x128xf32, #tpu.memory_space<vmem_shared>> -> memref<632x128xf32, #tpu.memory_space<vmem_shared>>
      tpu.wait_dma2 semaphore(%run_scoped3A : memref<!tpu.dma_semaphore, #tpu.memory_space<semaphore_mem>>) src(%dma_wait3A_20 : memref<632x128xf32, #tpu.memory_space<vmem_shared>>) dst(%dma_wait3A_18 : memref<632x128xf32, #tpu.memory_space<hbm>>)
      tpu.yield
    }) : () -> ()
    return
  }
}

#map = affine_map<(d0, d1) -> (0, 0)>
#map1 = affine_map<(d0, d1) -> (0, 0, 0, 0)>
#map2 = affine_map<(d0, d1) -> (0, 0, 0)>
module attributes {stable_mosaic.version = 14 : i64} {
  func.func @edge_agg_64(%arg0: i32, %arg1: i32, %arg2: memref<10000x64xf32, #tpu.memory_space<hbm>>, %arg3: memref<2x16x79x128xi32, #tpu.memory_space<hbm>>, %arg4: memref<2x16x79x128xi32, #tpu.memory_space<hbm>>, %arg5: memref<10112x64xf32, #tpu.memory_space<hbm>>, %arg6: memref<2x10112x64xf32, #tpu.memory_space<hbm>>, %arg7: memref<79x128xi32, #tpu.memory_space<vmem>>, %arg8: memref<79x128xi32, #tpu.memory_space<vmem>>, %arg9: memref<128x64xf32, #tpu.memory_space<vmem>>, %arg10: memref<10112x64xf32, #tpu.memory_space<vmem_shared>>, %arg11: memref<!tpu.dma_semaphore, #tpu.memory_space<semaphore_mem>>) attributes {dimension_semantics = [#tpu.dimension_semantics<core_parallel>, #tpu.dimension_semantics<subcore_parallel>], iteration_bounds = array<i64: 2, 16>, scalar_prefetch = 0 : i64, scratch_operands = 5 : i64, tpu.core_type = #tpu.core_type<sc_vector_subcore>, window_params = [{transform_indices = #map}, {transform_indices = #map1}, {transform_indices = #map1}, {transform_indices = #map}, {transform_indices = #map2}]} {
    %mul3A = arith.constant 632 : i32
    %mul3A_0 = arith.muli %arg1, %mul3A : i32
    %mul3A_1 = arith.constant 632 : i32
    %mul3A_2 = arith.muli %arg1, %mul3A_1 : i32
    "tpu.region"() ({
      %run_scoped3A = tpu.sem_alloc : memref<!tpu.dma_semaphore, #tpu.memory_space<semaphore_mem>>
      %dma_start3A = arith.constant 0 : i32
      %dma_start3A_13 = tpu.memref_slice %arg10[%mul3A_2, %dma_start3A] : memref<10112x64xf32, #tpu.memory_space<vmem_shared>> -> memref<632x64xf32, #tpu.memory_space<vmem_shared>>
      %dma_start3A_14 = arith.constant 0 : i32
      %dma_start3A_15 = tpu.memref_slice %arg5[%mul3A_0, %dma_start3A_14] : memref<10112x64xf32, #tpu.memory_space<hbm>> -> memref<632x64xf32, #tpu.memory_space<hbm>>
      tpu.enqueue_dma source(%dma_start3A_15 : memref<632x64xf32, #tpu.memory_space<hbm>>) target(%dma_start3A_13 : memref<632x64xf32, #tpu.memory_space<vmem_shared>>) target_semaphore(%run_scoped3A : memref<!tpu.dma_semaphore, #tpu.memory_space<semaphore_mem>>)
      %dma_wait3A = arith.constant 0 : i32
      %dma_wait3A_16 = tpu.memref_slice %arg10[%mul3A_2, %dma_wait3A] : memref<10112x64xf32, #tpu.memory_space<vmem_shared>> -> memref<632x64xf32, #tpu.memory_space<vmem_shared>>
      %dma_wait3A_17 = arith.constant 0 : i32
      %dma_wait3A_18 = tpu.memref_slice %arg5[%mul3A_0, %dma_wait3A_17] : memref<10112x64xf32, #tpu.memory_space<hbm>> -> memref<632x64xf32, #tpu.memory_space<hbm>>
      tpu.wait_dma2 semaphore(%run_scoped3A : memref<!tpu.dma_semaphore, #tpu.memory_space<semaphore_mem>>) src(%dma_wait3A_18 : memref<632x64xf32, #tpu.memory_space<hbm>>) dst(%dma_wait3A_16 : memref<632x64xf32, #tpu.memory_space<vmem_shared>>)
      tpu.yield
    }) : () -> ()
    "tpu.region"() ({
      %run_scoped3A = tpu.sem_alloc : memref<!tpu.dma_semaphore, #tpu.memory_space<semaphore_mem>>
      %dma_start3A = arith.constant 0 : i32
      %dma_start3A_13 = arith.constant 0 : i32
      %dma_start3A_14 = tpu.memref_slice %arg3[%arg0, %arg1, %dma_start3A, %dma_start3A_13] : memref<2x16x79x128xi32, #tpu.memory_space<hbm>> -> memref<1x1x79x128xi32, #tpu.memory_space<hbm>>
      %dma_start3A_15 = tpu.memref_squeeze %dma_start3A_14 : memref<1x1x79x128xi32, #tpu.memory_space<hbm>> -> memref<79x128xi32, #tpu.memory_space<hbm>>
      %dma_start3A_16 = arith.constant 0 : i32
      %dma_start3A_17 = arith.constant 0 : i32
      %dma_start3A_18 = tpu.memref_slice %arg3[%arg0, %arg1, %dma_start3A_16, %dma_start3A_17] : memref<2x16x79x128xi32, #tpu.memory_space<hbm>> -> memref<1x1x79x128xi32, #tpu.memory_space<hbm>>
      %dma_start3A_19 = tpu.memref_squeeze %dma_start3A_18 : memref<1x1x79x128xi32, #tpu.memory_space<hbm>> -> memref<79x128xi32, #tpu.memory_space<hbm>>
      tpu.enqueue_dma source(%dma_start3A_19 : memref<79x128xi32, #tpu.memory_space<hbm>>) target(%arg7 : memref<79x128xi32, #tpu.memory_space<vmem>>) target_semaphore(%run_scoped3A : memref<!tpu.dma_semaphore, #tpu.memory_space<semaphore_mem>>)
      %dma_wait3A = arith.constant 0 : i32
      %dma_wait3A_20 = arith.constant 0 : i32
      %dma_wait3A_21 = tpu.memref_slice %arg3[%arg0, %arg1, %dma_wait3A, %dma_wait3A_20] : memref<2x16x79x128xi32, #tpu.memory_space<hbm>> -> memref<1x1x79x128xi32, #tpu.memory_space<hbm>>
      %dma_wait3A_22 = tpu.memref_squeeze %dma_wait3A_21 : memref<1x1x79x128xi32, #tpu.memory_space<hbm>> -> memref<79x128xi32, #tpu.memory_space<hbm>>
      %dma_wait3A_23 = arith.constant 0 : i32
      %dma_wait3A_24 = arith.constant 0 : i32
      %dma_wait3A_25 = tpu.memref_slice %arg3[%arg0, %arg1, %dma_wait3A_23, %dma_wait3A_24] : memref<2x16x79x128xi32, #tpu.memory_space<hbm>> -> memref<1x1x79x128xi32, #tpu.memory_space<hbm>>
      %dma_wait3A_26 = tpu.memref_squeeze %dma_wait3A_25 : memref<1x1x79x128xi32, #tpu.memory_space<hbm>> -> memref<79x128xi32, #tpu.memory_space<hbm>>
      tpu.wait_dma2 semaphore(%run_scoped3A : memref<!tpu.dma_semaphore, #tpu.memory_space<semaphore_mem>>) src(%dma_wait3A_26 : memref<79x128xi32, #tpu.memory_space<hbm>>) dst(%arg7 : memref<79x128xi32, #tpu.memory_space<vmem>>)
      tpu.yield
    }) : () -> ()
    "tpu.region"() ({
      %run_scoped3A = tpu.sem_alloc : memref<!tpu.dma_semaphore, #tpu.memory_space<semaphore_mem>>
      %dma_start3A = arith.constant 0 : i32
      %dma_start3A_13 = arith.constant 0 : i32
      %dma_start3A_14 = tpu.memref_slice %arg4[%arg0, %arg1, %dma_start3A, %dma_start3A_13] : memref<2x16x79x128xi32, #tpu.memory_space<hbm>> -> memref<1x1x79x128xi32, #tpu.memory_space<hbm>>
      %dma_start3A_15 = tpu.memref_squeeze %dma_start3A_14 : memref<1x1x79x128xi32, #tpu.memory_space<hbm>> -> memref<79x128xi32, #tpu.memory_space<hbm>>
      %dma_start3A_16 = arith.constant 0 : i32
      %dma_start3A_17 = arith.constant 0 : i32
      %dma_start3A_18 = tpu.memref_slice %arg4[%arg0, %arg1, %dma_start3A_16, %dma_start3A_17] : memref<2x16x79x128xi32, #tpu.memory_space<hbm>> -> memref<1x1x79x128xi32, #tpu.memory_space<hbm>>
      %dma_start3A_19 = tpu.memref_squeeze %dma_start3A_18 : memref<1x1x79x128xi32, #tpu.memory_space<hbm>> -> memref<79x128xi32, #tpu.memory_space<hbm>>
      tpu.enqueue_dma source(%dma_start3A_19 : memref<79x128xi32, #tpu.memory_space<hbm>>) target(%arg8 : memref<79x128xi32, #tpu.memory_space<vmem>>) target_semaphore(%run_scoped3A : memref<!tpu.dma_semaphore, #tpu.memory_space<semaphore_mem>>)
      %dma_wait3A = arith.constant 0 : i32
      %dma_wait3A_20 = arith.constant 0 : i32
      %dma_wait3A_21 = tpu.memref_slice %arg4[%arg0, %arg1, %dma_wait3A, %dma_wait3A_20] : memref<2x16x79x128xi32, #tpu.memory_space<hbm>> -> memref<1x1x79x128xi32, #tpu.memory_space<hbm>>
      %dma_wait3A_22 = tpu.memref_squeeze %dma_wait3A_21 : memref<1x1x79x128xi32, #tpu.memory_space<hbm>> -> memref<79x128xi32, #tpu.memory_space<hbm>>
      %dma_wait3A_23 = arith.constant 0 : i32
      %dma_wait3A_24 = arith.constant 0 : i32
      %dma_wait3A_25 = tpu.memref_slice %arg4[%arg0, %arg1, %dma_wait3A_23, %dma_wait3A_24] : memref<2x16x79x128xi32, #tpu.memory_space<hbm>> -> memref<1x1x79x128xi32, #tpu.memory_space<hbm>>
      %dma_wait3A_26 = tpu.memref_squeeze %dma_wait3A_25 : memref<1x1x79x128xi32, #tpu.memory_space<hbm>> -> memref<79x128xi32, #tpu.memory_space<hbm>>
      tpu.wait_dma2 semaphore(%run_scoped3A : memref<!tpu.dma_semaphore, #tpu.memory_space<semaphore_mem>>) src(%dma_wait3A_26 : memref<79x128xi32, #tpu.memory_space<hbm>>) dst(%arg8 : memref<79x128xi32, #tpu.memory_space<vmem>>)
      tpu.yield
    }) : () -> ()
    %barrier3A = arith.constant 0 : index
    tpu.barrier barrier_id(%barrier3A)
    %scan3A = arith.constant 0 : i32
    %scan3A_3 = arith.constant 0 : i32
    %scan3A_4 = arith.constant 79 : i32
    %scan3A_5 = arith.addi %scan3A_3, %scan3A_4 : i32
    %scan3A_6 = arith.constant 1 : i32
    scf.for %scan3A_13 = %scan3A_3 to %scan3A_5 step %scan3A_6  : i32 {
      %dma_start3A = arith.constant 0 : i32
      %dma_start3A_14 = tpu.memref_slice %arg7[%scan3A_13, %dma_start3A] : memref<79x128xi32, #tpu.memory_space<vmem>> -> memref<1x128xi32, #tpu.memory_space<vmem>>
      %dma_start3A_15 = tpu.memref_squeeze %dma_start3A_14 : memref<1x128xi32, #tpu.memory_space<vmem>> -> memref<128xi32, #tpu.memory_space<vmem>>
      %dma_start3A_16 = arith.constant 0 : i32
      %dma_start3A_17 = arith.constant 0 : i32
      %dma_start3A_18 = tpu.memref_slice %arg2[%dma_start3A_16, %dma_start3A_17] : memref<10000x64xf32, #tpu.memory_space<hbm>> -> memref<10000x64xf32, #tpu.memory_space<hbm>>
      tpu.enqueue_indirect_dma source(%dma_start3A_18 : memref<10000x64xf32, #tpu.memory_space<hbm>>) target(%arg9 : memref<128x64xf32, #tpu.memory_space<vmem>>) offsets(%dma_start3A_15 : memref<128xi32, #tpu.memory_space<vmem>>) semaphore(%arg11 : memref<!tpu.dma_semaphore, #tpu.memory_space<semaphore_mem>>)
      %dma_wait3A = arith.constant 0 : i32
      %dma_wait3A_19 = tpu.memref_slice %arg7[%scan3A_13, %dma_wait3A] : memref<79x128xi32, #tpu.memory_space<vmem>> -> memref<1x128xi32, #tpu.memory_space<vmem>>
      %dma_wait3A_20 = tpu.memref_squeeze %dma_wait3A_19 : memref<1x128xi32, #tpu.memory_space<vmem>> -> memref<128xi32, #tpu.memory_space<vmem>>
      %dma_wait3A_21 = arith.constant 0 : i32
      %dma_wait3A_22 = arith.constant 0 : i32
      %dma_wait3A_23 = tpu.memref_slice %arg2[%dma_wait3A_21, %dma_wait3A_22] : memref<10000x64xf32, #tpu.memory_space<hbm>> -> memref<10000x64xf32, #tpu.memory_space<hbm>>
      tpu.wait_indirect_dma semaphore(%arg11 : memref<!tpu.dma_semaphore, #tpu.memory_space<semaphore_mem>>) src(%dma_wait3A_23 : memref<10000x64xf32, #tpu.memory_space<hbm>>) dst(%arg9 : memref<128x64xf32, #tpu.memory_space<vmem>>)
      "tpu.region"() ({
        %run_scoped3A = tpu.sem_alloc : memref<!tpu.dma_semaphore, #tpu.memory_space<semaphore_mem>>
        %dma_start3A_24 = arith.constant 0 : i32
        %dma_start3A_25 = tpu.memref_slice %arg8[%scan3A_13, %dma_start3A_24] : memref<79x128xi32, #tpu.memory_space<vmem>> -> memref<1x128xi32, #tpu.memory_space<vmem>>
        %dma_start3A_26 = tpu.memref_squeeze %dma_start3A_25 : memref<1x128xi32, #tpu.memory_space<vmem>> -> memref<128xi32, #tpu.memory_space<vmem>>
        %dma_start3A_27 = arith.constant 0 : i32
        %dma_start3A_28 = arith.constant 0 : i32
        %dma_start3A_29 = tpu.memref_slice %arg10[%dma_start3A_27, %dma_start3A_28] : memref<10112x64xf32, #tpu.memory_space<vmem_shared>> -> memref<10112x64xf32, #tpu.memory_space<vmem_shared>>
        tpu.enqueue_indirect_dma source(%arg9 : memref<128x64xf32, #tpu.memory_space<vmem>>) target(%dma_start3A_29 : memref<10112x64xf32, #tpu.memory_space<vmem_shared>>) offsets(%dma_start3A_26 : memref<128xi32, #tpu.memory_space<vmem>>) semaphore(%run_scoped3A : memref<!tpu.dma_semaphore, #tpu.memory_space<semaphore_mem>>) {add = true}
        %dma_wait3A_30 = arith.constant 0 : i32
        %dma_wait3A_31 = tpu.memref_slice %arg8[%scan3A_13, %dma_wait3A_30] : memref<79x128xi32, #tpu.memory_space<vmem>> -> memref<1x128xi32, #tpu.memory_space<vmem>>
        %dma_wait3A_32 = tpu.memref_squeeze %dma_wait3A_31 : memref<1x128xi32, #tpu.memory_space<vmem>> -> memref<128xi32, #tpu.memory_space<vmem>>
        %dma_wait3A_33 = arith.constant 0 : i32
        %dma_wait3A_34 = arith.constant 0 : i32
        %dma_wait3A_35 = tpu.memref_slice %arg10[%dma_wait3A_33, %dma_wait3A_34] : memref<10112x64xf32, #tpu.memory_space<vmem_shared>> -> memref<10112x64xf32, #tpu.memory_space<vmem_shared>>
        tpu.wait_indirect_dma semaphore(%run_scoped3A : memref<!tpu.dma_semaphore, #tpu.memory_space<semaphore_mem>>) src(%arg9 : memref<128x64xf32, #tpu.memory_space<vmem>>) dst(%dma_wait3A_35 : memref<10112x64xf32, #tpu.memory_space<vmem_shared>>)
        tpu.yield
      }) : () -> ()
    }
    %scan3A_7 = arith.constant 79 : i32
    %barrier3A_8 = arith.constant 0 : index
    tpu.barrier barrier_id(%barrier3A_8)
    %mul3A_9 = arith.constant 632 : i32
    %mul3A_10 = arith.muli %arg1, %mul3A_9 : i32
    %mul3A_11 = arith.constant 632 : i32
    %mul3A_12 = arith.muli %arg1, %mul3A_11 : i32
    "tpu.region"() ({
      %run_scoped3A = tpu.sem_alloc : memref<!tpu.dma_semaphore, #tpu.memory_space<semaphore_mem>>
      %dma_start3A = arith.constant 0 : i32
      %dma_start3A_13 = tpu.memref_slice %arg6[%arg0, %mul3A_12, %dma_start3A] : memref<2x10112x64xf32, #tpu.memory_space<hbm>> -> memref<1x632x64xf32, #tpu.memory_space<hbm>>
      %dma_start3A_14 = tpu.memref_squeeze %dma_start3A_13 : memref<1x632x64xf32, #tpu.memory_space<hbm>> -> memref<632x64xf32, #tpu.memory_space<hbm>>
      %dma_start3A_15 = arith.constant 0 : i32
      %dma_start3A_16 = tpu.memref_slice %arg10[%mul3A_10, %dma_start3A_15] : memref<10112x64xf32, #tpu.memory_space<vmem_shared>> -> memref<632x64xf32, #tpu.memory_space<vmem_shared>>
      tpu.enqueue_dma source(%dma_start3A_16 : memref<632x64xf32, #tpu.memory_space<vmem_shared>>) target(%dma_start3A_14 : memref<632x64xf32, #tpu.memory_space<hbm>>) target_semaphore(%run_scoped3A : memref<!tpu.dma_semaphore, #tpu.memory_space<semaphore_mem>>)
      %dma_wait3A = arith.constant 0 : i32
      %dma_wait3A_17 = tpu.memref_slice %arg6[%arg0, %mul3A_12, %dma_wait3A] : memref<2x10112x64xf32, #tpu.memory_space<hbm>> -> memref<1x632x64xf32, #tpu.memory_space<hbm>>
      %dma_wait3A_18 = tpu.memref_squeeze %dma_wait3A_17 : memref<1x632x64xf32, #tpu.memory_space<hbm>> -> memref<632x64xf32, #tpu.memory_space<hbm>>
      %dma_wait3A_19 = arith.constant 0 : i32
      %dma_wait3A_20 = tpu.memref_slice %arg10[%mul3A_10, %dma_wait3A_19] : memref<10112x64xf32, #tpu.memory_space<vmem_shared>> -> memref<632x64xf32, #tpu.memory_space<vmem_shared>>
      tpu.wait_dma2 semaphore(%run_scoped3A : memref<!tpu.dma_semaphore, #tpu.memory_space<semaphore_mem>>) src(%dma_wait3A_20 : memref<632x64xf32, #tpu.memory_space<vmem_shared>>) dst(%dma_wait3A_18 : memref<632x64xf32, #tpu.memory_space<hbm>>)
      tpu.yield
    }) : () -> ()
    return
  }
}

#map = affine_map<(d0, d1) -> (0, 0)>
#map1 = affine_map<(d0, d1) -> (0, 0, 0, 0)>
#map2 = affine_map<(d0, d1) -> (0, 0, 0)>
module attributes {stable_mosaic.version = 14 : i64} {
  func.func @edge_agg_64(%arg0: i32, %arg1: i32, %arg2: memref<10000x64xf32, #tpu.memory_space<hbm>>, %arg3: memref<2x16x79x128xi32, #tpu.memory_space<hbm>>, %arg4: memref<2x16x79x128xi32, #tpu.memory_space<hbm>>, %arg5: memref<10112x64xf32, #tpu.memory_space<hbm>>, %arg6: memref<2x10112x64xf32, #tpu.memory_space<hbm>>, %arg7: memref<79x128xi32, #tpu.memory_space<vmem>>, %arg8: memref<79x128xi32, #tpu.memory_space<vmem>>, %arg9: memref<128x64xf32, #tpu.memory_space<vmem>>, %arg10: memref<10112x64xf32, #tpu.memory_space<vmem_shared>>, %arg11: memref<!tpu.dma_semaphore, #tpu.memory_space<semaphore_mem>>) attributes {dimension_semantics = [#tpu.dimension_semantics<core_parallel>, #tpu.dimension_semantics<subcore_parallel>], iteration_bounds = array<i64: 2, 16>, scalar_prefetch = 0 : i64, scratch_operands = 5 : i64, tpu.core_type = #tpu.core_type<sc_vector_subcore>, window_params = [{transform_indices = #map}, {transform_indices = #map1}, {transform_indices = #map1}, {transform_indices = #map}, {transform_indices = #map2}]} {
    %mul3A = arith.constant 632 : i32
    %mul3A_0 = arith.muli %arg1, %mul3A : i32
    %mul3A_1 = arith.constant 632 : i32
    %mul3A_2 = arith.muli %arg1, %mul3A_1 : i32
    "tpu.region"() ({
      %run_scoped3A = tpu.sem_alloc : memref<!tpu.dma_semaphore, #tpu.memory_space<semaphore_mem>>
      %dma_start3A = arith.constant 0 : i32
      %dma_start3A_13 = tpu.memref_slice %arg10[%mul3A_2, %dma_start3A] : memref<10112x64xf32, #tpu.memory_space<vmem_shared>> -> memref<632x64xf32, #tpu.memory_space<vmem_shared>>
      %dma_start3A_14 = arith.constant 0 : i32
      %dma_start3A_15 = tpu.memref_slice %arg5[%mul3A_0, %dma_start3A_14] : memref<10112x64xf32, #tpu.memory_space<hbm>> -> memref<632x64xf32, #tpu.memory_space<hbm>>
      tpu.enqueue_dma source(%dma_start3A_15 : memref<632x64xf32, #tpu.memory_space<hbm>>) target(%dma_start3A_13 : memref<632x64xf32, #tpu.memory_space<vmem_shared>>) target_semaphore(%run_scoped3A : memref<!tpu.dma_semaphore, #tpu.memory_space<semaphore_mem>>)
      %dma_wait3A = arith.constant 0 : i32
      %dma_wait3A_16 = tpu.memref_slice %arg10[%mul3A_2, %dma_wait3A] : memref<10112x64xf32, #tpu.memory_space<vmem_shared>> -> memref<632x64xf32, #tpu.memory_space<vmem_shared>>
      %dma_wait3A_17 = arith.constant 0 : i32
      %dma_wait3A_18 = tpu.memref_slice %arg5[%mul3A_0, %dma_wait3A_17] : memref<10112x64xf32, #tpu.memory_space<hbm>> -> memref<632x64xf32, #tpu.memory_space<hbm>>
      tpu.wait_dma2 semaphore(%run_scoped3A : memref<!tpu.dma_semaphore, #tpu.memory_space<semaphore_mem>>) src(%dma_wait3A_18 : memref<632x64xf32, #tpu.memory_space<hbm>>) dst(%dma_wait3A_16 : memref<632x64xf32, #tpu.memory_space<vmem_shared>>)
      tpu.yield
    }) : () -> ()
    "tpu.region"() ({
      %run_scoped3A = tpu.sem_alloc : memref<!tpu.dma_semaphore, #tpu.memory_space<semaphore_mem>>
      %dma_start3A = arith.constant 0 : i32
      %dma_start3A_13 = arith.constant 0 : i32
      %dma_start3A_14 = tpu.memref_slice %arg3[%arg0, %arg1, %dma_start3A, %dma_start3A_13] : memref<2x16x79x128xi32, #tpu.memory_space<hbm>> -> memref<1x1x79x128xi32, #tpu.memory_space<hbm>>
      %dma_start3A_15 = tpu.memref_squeeze %dma_start3A_14 : memref<1x1x79x128xi32, #tpu.memory_space<hbm>> -> memref<79x128xi32, #tpu.memory_space<hbm>>
      %dma_start3A_16 = arith.constant 0 : i32
      %dma_start3A_17 = arith.constant 0 : i32
      %dma_start3A_18 = tpu.memref_slice %arg3[%arg0, %arg1, %dma_start3A_16, %dma_start3A_17] : memref<2x16x79x128xi32, #tpu.memory_space<hbm>> -> memref<1x1x79x128xi32, #tpu.memory_space<hbm>>
      %dma_start3A_19 = tpu.memref_squeeze %dma_start3A_18 : memref<1x1x79x128xi32, #tpu.memory_space<hbm>> -> memref<79x128xi32, #tpu.memory_space<hbm>>
      tpu.enqueue_dma source(%dma_start3A_19 : memref<79x128xi32, #tpu.memory_space<hbm>>) target(%arg7 : memref<79x128xi32, #tpu.memory_space<vmem>>) target_semaphore(%run_scoped3A : memref<!tpu.dma_semaphore, #tpu.memory_space<semaphore_mem>>)
      %dma_wait3A = arith.constant 0 : i32
      %dma_wait3A_20 = arith.constant 0 : i32
      %dma_wait3A_21 = tpu.memref_slice %arg3[%arg0, %arg1, %dma_wait3A, %dma_wait3A_20] : memref<2x16x79x128xi32, #tpu.memory_space<hbm>> -> memref<1x1x79x128xi32, #tpu.memory_space<hbm>>
      %dma_wait3A_22 = tpu.memref_squeeze %dma_wait3A_21 : memref<1x1x79x128xi32, #tpu.memory_space<hbm>> -> memref<79x128xi32, #tpu.memory_space<hbm>>
      %dma_wait3A_23 = arith.constant 0 : i32
      %dma_wait3A_24 = arith.constant 0 : i32
      %dma_wait3A_25 = tpu.memref_slice %arg3[%arg0, %arg1, %dma_wait3A_23, %dma_wait3A_24] : memref<2x16x79x128xi32, #tpu.memory_space<hbm>> -> memref<1x1x79x128xi32, #tpu.memory_space<hbm>>
      %dma_wait3A_26 = tpu.memref_squeeze %dma_wait3A_25 : memref<1x1x79x128xi32, #tpu.memory_space<hbm>> -> memref<79x128xi32, #tpu.memory_space<hbm>>
      tpu.wait_dma2 semaphore(%run_scoped3A : memref<!tpu.dma_semaphore, #tpu.memory_space<semaphore_mem>>) src(%dma_wait3A_26 : memref<79x128xi32, #tpu.memory_space<hbm>>) dst(%arg7 : memref<79x128xi32, #tpu.memory_space<vmem>>)
      tpu.yield
    }) : () -> ()
    "tpu.region"() ({
      %run_scoped3A = tpu.sem_alloc : memref<!tpu.dma_semaphore, #tpu.memory_space<semaphore_mem>>
      %dma_start3A = arith.constant 0 : i32
      %dma_start3A_13 = arith.constant 0 : i32
      %dma_start3A_14 = tpu.memref_slice %arg4[%arg0, %arg1, %dma_start3A, %dma_start3A_13] : memref<2x16x79x128xi32, #tpu.memory_space<hbm>> -> memref<1x1x79x128xi32, #tpu.memory_space<hbm>>
      %dma_start3A_15 = tpu.memref_squeeze %dma_start3A_14 : memref<1x1x79x128xi32, #tpu.memory_space<hbm>> -> memref<79x128xi32, #tpu.memory_space<hbm>>
      %dma_start3A_16 = arith.constant 0 : i32
      %dma_start3A_17 = arith.constant 0 : i32
      %dma_start3A_18 = tpu.memref_slice %arg4[%arg0, %arg1, %dma_start3A_16, %dma_start3A_17] : memref<2x16x79x128xi32, #tpu.memory_space<hbm>> -> memref<1x1x79x128xi32, #tpu.memory_space<hbm>>
      %dma_start3A_19 = tpu.memref_squeeze %dma_start3A_18 : memref<1x1x79x128xi32, #tpu.memory_space<hbm>> -> memref<79x128xi32, #tpu.memory_space<hbm>>
      tpu.enqueue_dma source(%dma_start3A_19 : memref<79x128xi32, #tpu.memory_space<hbm>>) target(%arg8 : memref<79x128xi32, #tpu.memory_space<vmem>>) target_semaphore(%run_scoped3A : memref<!tpu.dma_semaphore, #tpu.memory_space<semaphore_mem>>)
      %dma_wait3A = arith.constant 0 : i32
      %dma_wait3A_20 = arith.constant 0 : i32
      %dma_wait3A_21 = tpu.memref_slice %arg4[%arg0, %arg1, %dma_wait3A, %dma_wait3A_20] : memref<2x16x79x128xi32, #tpu.memory_space<hbm>> -> memref<1x1x79x128xi32, #tpu.memory_space<hbm>>
      %dma_wait3A_22 = tpu.memref_squeeze %dma_wait3A_21 : memref<1x1x79x128xi32, #tpu.memory_space<hbm>> -> memref<79x128xi32, #tpu.memory_space<hbm>>
      %dma_wait3A_23 = arith.constant 0 : i32
      %dma_wait3A_24 = arith.constant 0 : i32
      %dma_wait3A_25 = tpu.memref_slice %arg4[%arg0, %arg1, %dma_wait3A_23, %dma_wait3A_24] : memref<2x16x79x128xi32, #tpu.memory_space<hbm>> -> memref<1x1x79x128xi32, #tpu.memory_space<hbm>>
      %dma_wait3A_26 = tpu.memref_squeeze %dma_wait3A_25 : memref<1x1x79x128xi32, #tpu.memory_space<hbm>> -> memref<79x128xi32, #tpu.memory_space<hbm>>
      tpu.wait_dma2 semaphore(%run_scoped3A : memref<!tpu.dma_semaphore, #tpu.memory_space<semaphore_mem>>) src(%dma_wait3A_26 : memref<79x128xi32, #tpu.memory_space<hbm>>) dst(%arg8 : memref<79x128xi32, #tpu.memory_space<vmem>>)
      tpu.yield
    }) : () -> ()
    %barrier3A = arith.constant 0 : index
    tpu.barrier barrier_id(%barrier3A)
    %scan3A = arith.constant 0 : i32
    %scan3A_3 = arith.constant 0 : i32
    %scan3A_4 = arith.constant 79 : i32
    %scan3A_5 = arith.addi %scan3A_3, %scan3A_4 : i32
    %scan3A_6 = arith.constant 1 : i32
    scf.for %scan3A_13 = %scan3A_3 to %scan3A_5 step %scan3A_6  : i32 {
      %dma_start3A = arith.constant 0 : i32
      %dma_start3A_14 = tpu.memref_slice %arg7[%scan3A_13, %dma_start3A] : memref<79x128xi32, #tpu.memory_space<vmem>> -> memref<1x128xi32, #tpu.memory_space<vmem>>
      %dma_start3A_15 = tpu.memref_squeeze %dma_start3A_14 : memref<1x128xi32, #tpu.memory_space<vmem>> -> memref<128xi32, #tpu.memory_space<vmem>>
      %dma_start3A_16 = arith.constant 0 : i32
      %dma_start3A_17 = arith.constant 0 : i32
      %dma_start3A_18 = tpu.memref_slice %arg2[%dma_start3A_16, %dma_start3A_17] : memref<10000x64xf32, #tpu.memory_space<hbm>> -> memref<10000x64xf32, #tpu.memory_space<hbm>>
      tpu.enqueue_indirect_dma source(%dma_start3A_18 : memref<10000x64xf32, #tpu.memory_space<hbm>>) target(%arg9 : memref<128x64xf32, #tpu.memory_space<vmem>>) offsets(%dma_start3A_15 : memref<128xi32, #tpu.memory_space<vmem>>) semaphore(%arg11 : memref<!tpu.dma_semaphore, #tpu.memory_space<semaphore_mem>>)
      %dma_wait3A = arith.constant 0 : i32
      %dma_wait3A_19 = tpu.memref_slice %arg7[%scan3A_13, %dma_wait3A] : memref<79x128xi32, #tpu.memory_space<vmem>> -> memref<1x128xi32, #tpu.memory_space<vmem>>
      %dma_wait3A_20 = tpu.memref_squeeze %dma_wait3A_19 : memref<1x128xi32, #tpu.memory_space<vmem>> -> memref<128xi32, #tpu.memory_space<vmem>>
      %dma_wait3A_21 = arith.constant 0 : i32
      %dma_wait3A_22 = arith.constant 0 : i32
      %dma_wait3A_23 = tpu.memref_slice %arg2[%dma_wait3A_21, %dma_wait3A_22] : memref<10000x64xf32, #tpu.memory_space<hbm>> -> memref<10000x64xf32, #tpu.memory_space<hbm>>
      tpu.wait_indirect_dma semaphore(%arg11 : memref<!tpu.dma_semaphore, #tpu.memory_space<semaphore_mem>>) src(%dma_wait3A_23 : memref<10000x64xf32, #tpu.memory_space<hbm>>) dst(%arg9 : memref<128x64xf32, #tpu.memory_space<vmem>>)
      "tpu.region"() ({
        %run_scoped3A = tpu.sem_alloc : memref<!tpu.dma_semaphore, #tpu.memory_space<semaphore_mem>>
        %dma_start3A_24 = arith.constant 0 : i32
        %dma_start3A_25 = tpu.memref_slice %arg8[%scan3A_13, %dma_start3A_24] : memref<79x128xi32, #tpu.memory_space<vmem>> -> memref<1x128xi32, #tpu.memory_space<vmem>>
        %dma_start3A_26 = tpu.memref_squeeze %dma_start3A_25 : memref<1x128xi32, #tpu.memory_space<vmem>> -> memref<128xi32, #tpu.memory_space<vmem>>
        %dma_start3A_27 = arith.constant 0 : i32
        %dma_start3A_28 = arith.constant 0 : i32
        %dma_start3A_29 = tpu.memref_slice %arg10[%dma_start3A_27, %dma_start3A_28] : memref<10112x64xf32, #tpu.memory_space<vmem_shared>> -> memref<10112x64xf32, #tpu.memory_space<vmem_shared>>
        tpu.enqueue_indirect_dma source(%arg9 : memref<128x64xf32, #tpu.memory_space<vmem>>) target(%dma_start3A_29 : memref<10112x64xf32, #tpu.memory_space<vmem_shared>>) offsets(%dma_start3A_26 : memref<128xi32, #tpu.memory_space<vmem>>) semaphore(%run_scoped3A : memref<!tpu.dma_semaphore, #tpu.memory_space<semaphore_mem>>) {add = true}
        %dma_wait3A_30 = arith.constant 0 : i32
        %dma_wait3A_31 = tpu.memref_slice %arg8[%scan3A_13, %dma_wait3A_30] : memref<79x128xi32, #tpu.memory_space<vmem>> -> memref<1x128xi32, #tpu.memory_space<vmem>>
        %dma_wait3A_32 = tpu.memref_squeeze %dma_wait3A_31 : memref<1x128xi32, #tpu.memory_space<vmem>> -> memref<128xi32, #tpu.memory_space<vmem>>
        %dma_wait3A_33 = arith.constant 0 : i32
        %dma_wait3A_34 = arith.constant 0 : i32
        %dma_wait3A_35 = tpu.memref_slice %arg10[%dma_wait3A_33, %dma_wait3A_34] : memref<10112x64xf32, #tpu.memory_space<vmem_shared>> -> memref<10112x64xf32, #tpu.memory_space<vmem_shared>>
        tpu.wait_indirect_dma semaphore(%run_scoped3A : memref<!tpu.dma_semaphore, #tpu.memory_space<semaphore_mem>>) src(%arg9 : memref<128x64xf32, #tpu.memory_space<vmem>>) dst(%dma_wait3A_35 : memref<10112x64xf32, #tpu.memory_space<vmem_shared>>)
        tpu.yield
      }) : () -> ()
    }
    %scan3A_7 = arith.constant 79 : i32
    %barrier3A_8 = arith.constant 0 : index
    tpu.barrier barrier_id(%barrier3A_8)
    %mul3A_9 = arith.constant 632 : i32
    %mul3A_10 = arith.muli %arg1, %mul3A_9 : i32
    %mul3A_11 = arith.constant 632 : i32
    %mul3A_12 = arith.muli %arg1, %mul3A_11 : i32
    "tpu.region"() ({
      %run_scoped3A = tpu.sem_alloc : memref<!tpu.dma_semaphore, #tpu.memory_space<semaphore_mem>>
      %dma_start3A = arith.constant 0 : i32
      %dma_start3A_13 = tpu.memref_slice %arg6[%arg0, %mul3A_12, %dma_start3A] : memref<2x10112x64xf32, #tpu.memory_space<hbm>> -> memref<1x632x64xf32, #tpu.memory_space<hbm>>
      %dma_start3A_14 = tpu.memref_squeeze %dma_start3A_13 : memref<1x632x64xf32, #tpu.memory_space<hbm>> -> memref<632x64xf32, #tpu.memory_space<hbm>>
      %dma_start3A_15 = arith.constant 0 : i32
      %dma_start3A_16 = tpu.memref_slice %arg10[%mul3A_10, %dma_start3A_15] : memref<10112x64xf32, #tpu.memory_space<vmem_shared>> -> memref<632x64xf32, #tpu.memory_space<vmem_shared>>
      tpu.enqueue_dma source(%dma_start3A_16 : memref<632x64xf32, #tpu.memory_space<vmem_shared>>) target(%dma_start3A_14 : memref<632x64xf32, #tpu.memory_space<hbm>>) target_semaphore(%run_scoped3A : memref<!tpu.dma_semaphore, #tpu.memory_space<semaphore_mem>>)
      %dma_wait3A = arith.constant 0 : i32
      %dma_wait3A_17 = tpu.memref_slice %arg6[%arg0, %mul3A_12, %dma_wait3A] : memref<2x10112x64xf32, #tpu.memory_space<hbm>> -> memref<1x632x64xf32, #tpu.memory_space<hbm>>
      %dma_wait3A_18 = tpu.memref_squeeze %dma_wait3A_17 : memref<1x632x64xf32, #tpu.memory_space<hbm>> -> memref<632x64xf32, #tpu.memory_space<hbm>>
      %dma_wait3A_19 = arith.constant 0 : i32
      %dma_wait3A_20 = tpu.memref_slice %arg10[%mul3A_10, %dma_wait3A_19] : memref<10112x64xf32, #tpu.memory_space<vmem_shared>> -> memref<632x64xf32, #tpu.memory_space<vmem_shared>>
      tpu.wait_dma2 semaphore(%run_scoped3A : memref<!tpu.dma_semaphore, #tpu.memory_space<semaphore_mem>>) src(%dma_wait3A_20 : memref<632x64xf32, #tpu.memory_space<vmem_shared>>) dst(%dma_wait3A_18 : memref<632x64xf32, #tpu.memory_space<hbm>>)
      tpu.yield
    }) : () -> ()
    return
  }
}

#map = affine_map<(d0, d1) -> (0, 0)>
#map1 = affine_map<(d0, d1) -> (0, 0, 0, 0)>
#map2 = affine_map<(d0, d1) -> (0, 0, 0)>
module attributes {stable_mosaic.version = 14 : i64} {
  func.func @edge_agg_64(%arg0: i32, %arg1: i32, %arg2: memref<10000x64xf32, #tpu.memory_space<hbm>>, %arg3: memref<2x16x79x128xi32, #tpu.memory_space<hbm>>, %arg4: memref<2x16x79x128xi32, #tpu.memory_space<hbm>>, %arg5: memref<10112x64xf32, #tpu.memory_space<hbm>>, %arg6: memref<2x10112x64xf32, #tpu.memory_space<hbm>>, %arg7: memref<79x128xi32, #tpu.memory_space<vmem>>, %arg8: memref<79x128xi32, #tpu.memory_space<vmem>>, %arg9: memref<128x64xf32, #tpu.memory_space<vmem>>, %arg10: memref<10112x64xf32, #tpu.memory_space<vmem_shared>>, %arg11: memref<!tpu.dma_semaphore, #tpu.memory_space<semaphore_mem>>) attributes {dimension_semantics = [#tpu.dimension_semantics<core_parallel>, #tpu.dimension_semantics<subcore_parallel>], iteration_bounds = array<i64: 2, 16>, scalar_prefetch = 0 : i64, scratch_operands = 5 : i64, tpu.core_type = #tpu.core_type<sc_vector_subcore>, window_params = [{transform_indices = #map}, {transform_indices = #map1}, {transform_indices = #map1}, {transform_indices = #map}, {transform_indices = #map2}]} {
    %mul3A = arith.constant 632 : i32
    %mul3A_0 = arith.muli %arg1, %mul3A : i32
    %mul3A_1 = arith.constant 632 : i32
    %mul3A_2 = arith.muli %arg1, %mul3A_1 : i32
    "tpu.region"() ({
      %run_scoped3A = tpu.sem_alloc : memref<!tpu.dma_semaphore, #tpu.memory_space<semaphore_mem>>
      %dma_start3A = arith.constant 0 : i32
      %dma_start3A_13 = tpu.memref_slice %arg10[%mul3A_2, %dma_start3A] : memref<10112x64xf32, #tpu.memory_space<vmem_shared>> -> memref<632x64xf32, #tpu.memory_space<vmem_shared>>
      %dma_start3A_14 = arith.constant 0 : i32
      %dma_start3A_15 = tpu.memref_slice %arg5[%mul3A_0, %dma_start3A_14] : memref<10112x64xf32, #tpu.memory_space<hbm>> -> memref<632x64xf32, #tpu.memory_space<hbm>>
      tpu.enqueue_dma source(%dma_start3A_15 : memref<632x64xf32, #tpu.memory_space<hbm>>) target(%dma_start3A_13 : memref<632x64xf32, #tpu.memory_space<vmem_shared>>) target_semaphore(%run_scoped3A : memref<!tpu.dma_semaphore, #tpu.memory_space<semaphore_mem>>)
      %dma_wait3A = arith.constant 0 : i32
      %dma_wait3A_16 = tpu.memref_slice %arg10[%mul3A_2, %dma_wait3A] : memref<10112x64xf32, #tpu.memory_space<vmem_shared>> -> memref<632x64xf32, #tpu.memory_space<vmem_shared>>
      %dma_wait3A_17 = arith.constant 0 : i32
      %dma_wait3A_18 = tpu.memref_slice %arg5[%mul3A_0, %dma_wait3A_17] : memref<10112x64xf32, #tpu.memory_space<hbm>> -> memref<632x64xf32, #tpu.memory_space<hbm>>
      tpu.wait_dma2 semaphore(%run_scoped3A : memref<!tpu.dma_semaphore, #tpu.memory_space<semaphore_mem>>) src(%dma_wait3A_18 : memref<632x64xf32, #tpu.memory_space<hbm>>) dst(%dma_wait3A_16 : memref<632x64xf32, #tpu.memory_space<vmem_shared>>)
      tpu.yield
    }) : () -> ()
    "tpu.region"() ({
      %run_scoped3A = tpu.sem_alloc : memref<!tpu.dma_semaphore, #tpu.memory_space<semaphore_mem>>
      %dma_start3A = arith.constant 0 : i32
      %dma_start3A_13 = arith.constant 0 : i32
      %dma_start3A_14 = tpu.memref_slice %arg3[%arg0, %arg1, %dma_start3A, %dma_start3A_13] : memref<2x16x79x128xi32, #tpu.memory_space<hbm>> -> memref<1x1x79x128xi32, #tpu.memory_space<hbm>>
      %dma_start3A_15 = tpu.memref_squeeze %dma_start3A_14 : memref<1x1x79x128xi32, #tpu.memory_space<hbm>> -> memref<79x128xi32, #tpu.memory_space<hbm>>
      %dma_start3A_16 = arith.constant 0 : i32
      %dma_start3A_17 = arith.constant 0 : i32
      %dma_start3A_18 = tpu.memref_slice %arg3[%arg0, %arg1, %dma_start3A_16, %dma_start3A_17] : memref<2x16x79x128xi32, #tpu.memory_space<hbm>> -> memref<1x1x79x128xi32, #tpu.memory_space<hbm>>
      %dma_start3A_19 = tpu.memref_squeeze %dma_start3A_18 : memref<1x1x79x128xi32, #tpu.memory_space<hbm>> -> memref<79x128xi32, #tpu.memory_space<hbm>>
      tpu.enqueue_dma source(%dma_start3A_19 : memref<79x128xi32, #tpu.memory_space<hbm>>) target(%arg7 : memref<79x128xi32, #tpu.memory_space<vmem>>) target_semaphore(%run_scoped3A : memref<!tpu.dma_semaphore, #tpu.memory_space<semaphore_mem>>)
      %dma_wait3A = arith.constant 0 : i32
      %dma_wait3A_20 = arith.constant 0 : i32
      %dma_wait3A_21 = tpu.memref_slice %arg3[%arg0, %arg1, %dma_wait3A, %dma_wait3A_20] : memref<2x16x79x128xi32, #tpu.memory_space<hbm>> -> memref<1x1x79x128xi32, #tpu.memory_space<hbm>>
      %dma_wait3A_22 = tpu.memref_squeeze %dma_wait3A_21 : memref<1x1x79x128xi32, #tpu.memory_space<hbm>> -> memref<79x128xi32, #tpu.memory_space<hbm>>
      %dma_wait3A_23 = arith.constant 0 : i32
      %dma_wait3A_24 = arith.constant 0 : i32
      %dma_wait3A_25 = tpu.memref_slice %arg3[%arg0, %arg1, %dma_wait3A_23, %dma_wait3A_24] : memref<2x16x79x128xi32, #tpu.memory_space<hbm>> -> memref<1x1x79x128xi32, #tpu.memory_space<hbm>>
      %dma_wait3A_26 = tpu.memref_squeeze %dma_wait3A_25 : memref<1x1x79x128xi32, #tpu.memory_space<hbm>> -> memref<79x128xi32, #tpu.memory_space<hbm>>
      tpu.wait_dma2 semaphore(%run_scoped3A : memref<!tpu.dma_semaphore, #tpu.memory_space<semaphore_mem>>) src(%dma_wait3A_26 : memref<79x128xi32, #tpu.memory_space<hbm>>) dst(%arg7 : memref<79x128xi32, #tpu.memory_space<vmem>>)
      tpu.yield
    }) : () -> ()
    "tpu.region"() ({
      %run_scoped3A = tpu.sem_alloc : memref<!tpu.dma_semaphore, #tpu.memory_space<semaphore_mem>>
      %dma_start3A = arith.constant 0 : i32
      %dma_start3A_13 = arith.constant 0 : i32
      %dma_start3A_14 = tpu.memref_slice %arg4[%arg0, %arg1, %dma_start3A, %dma_start3A_13] : memref<2x16x79x128xi32, #tpu.memory_space<hbm>> -> memref<1x1x79x128xi32, #tpu.memory_space<hbm>>
      %dma_start3A_15 = tpu.memref_squeeze %dma_start3A_14 : memref<1x1x79x128xi32, #tpu.memory_space<hbm>> -> memref<79x128xi32, #tpu.memory_space<hbm>>
      %dma_start3A_16 = arith.constant 0 : i32
      %dma_start3A_17 = arith.constant 0 : i32
      %dma_start3A_18 = tpu.memref_slice %arg4[%arg0, %arg1, %dma_start3A_16, %dma_start3A_17] : memref<2x16x79x128xi32, #tpu.memory_space<hbm>> -> memref<1x1x79x128xi32, #tpu.memory_space<hbm>>
      %dma_start3A_19 = tpu.memref_squeeze %dma_start3A_18 : memref<1x1x79x128xi32, #tpu.memory_space<hbm>> -> memref<79x128xi32, #tpu.memory_space<hbm>>
      tpu.enqueue_dma source(%dma_start3A_19 : memref<79x128xi32, #tpu.memory_space<hbm>>) target(%arg8 : memref<79x128xi32, #tpu.memory_space<vmem>>) target_semaphore(%run_scoped3A : memref<!tpu.dma_semaphore, #tpu.memory_space<semaphore_mem>>)
      %dma_wait3A = arith.constant 0 : i32
      %dma_wait3A_20 = arith.constant 0 : i32
      %dma_wait3A_21 = tpu.memref_slice %arg4[%arg0, %arg1, %dma_wait3A, %dma_wait3A_20] : memref<2x16x79x128xi32, #tpu.memory_space<hbm>> -> memref<1x1x79x128xi32, #tpu.memory_space<hbm>>
      %dma_wait3A_22 = tpu.memref_squeeze %dma_wait3A_21 : memref<1x1x79x128xi32, #tpu.memory_space<hbm>> -> memref<79x128xi32, #tpu.memory_space<hbm>>
      %dma_wait3A_23 = arith.constant 0 : i32
      %dma_wait3A_24 = arith.constant 0 : i32
      %dma_wait3A_25 = tpu.memref_slice %arg4[%arg0, %arg1, %dma_wait3A_23, %dma_wait3A_24] : memref<2x16x79x128xi32, #tpu.memory_space<hbm>> -> memref<1x1x79x128xi32, #tpu.memory_space<hbm>>
      %dma_wait3A_26 = tpu.memref_squeeze %dma_wait3A_25 : memref<1x1x79x128xi32, #tpu.memory_space<hbm>> -> memref<79x128xi32, #tpu.memory_space<hbm>>
      tpu.wait_dma2 semaphore(%run_scoped3A : memref<!tpu.dma_semaphore, #tpu.memory_space<semaphore_mem>>) src(%dma_wait3A_26 : memref<79x128xi32, #tpu.memory_space<hbm>>) dst(%arg8 : memref<79x128xi32, #tpu.memory_space<vmem>>)
      tpu.yield
    }) : () -> ()
    %barrier3A = arith.constant 0 : index
    tpu.barrier barrier_id(%barrier3A)
    %scan3A = arith.constant 0 : i32
    %scan3A_3 = arith.constant 0 : i32
    %scan3A_4 = arith.constant 79 : i32
    %scan3A_5 = arith.addi %scan3A_3, %scan3A_4 : i32
    %scan3A_6 = arith.constant 1 : i32
    scf.for %scan3A_13 = %scan3A_3 to %scan3A_5 step %scan3A_6  : i32 {
      %dma_start3A = arith.constant 0 : i32
      %dma_start3A_14 = tpu.memref_slice %arg7[%scan3A_13, %dma_start3A] : memref<79x128xi32, #tpu.memory_space<vmem>> -> memref<1x128xi32, #tpu.memory_space<vmem>>
      %dma_start3A_15 = tpu.memref_squeeze %dma_start3A_14 : memref<1x128xi32, #tpu.memory_space<vmem>> -> memref<128xi32, #tpu.memory_space<vmem>>
      %dma_start3A_16 = arith.constant 0 : i32
      %dma_start3A_17 = arith.constant 0 : i32
      %dma_start3A_18 = tpu.memref_slice %arg2[%dma_start3A_16, %dma_start3A_17] : memref<10000x64xf32, #tpu.memory_space<hbm>> -> memref<10000x64xf32, #tpu.memory_space<hbm>>
      tpu.enqueue_indirect_dma source(%dma_start3A_18 : memref<10000x64xf32, #tpu.memory_space<hbm>>) target(%arg9 : memref<128x64xf32, #tpu.memory_space<vmem>>) offsets(%dma_start3A_15 : memref<128xi32, #tpu.memory_space<vmem>>) semaphore(%arg11 : memref<!tpu.dma_semaphore, #tpu.memory_space<semaphore_mem>>)
      %dma_wait3A = arith.constant 0 : i32
      %dma_wait3A_19 = tpu.memref_slice %arg7[%scan3A_13, %dma_wait3A] : memref<79x128xi32, #tpu.memory_space<vmem>> -> memref<1x128xi32, #tpu.memory_space<vmem>>
      %dma_wait3A_20 = tpu.memref_squeeze %dma_wait3A_19 : memref<1x128xi32, #tpu.memory_space<vmem>> -> memref<128xi32, #tpu.memory_space<vmem>>
      %dma_wait3A_21 = arith.constant 0 : i32
      %dma_wait3A_22 = arith.constant 0 : i32
      %dma_wait3A_23 = tpu.memref_slice %arg2[%dma_wait3A_21, %dma_wait3A_22] : memref<10000x64xf32, #tpu.memory_space<hbm>> -> memref<10000x64xf32, #tpu.memory_space<hbm>>
      tpu.wait_indirect_dma semaphore(%arg11 : memref<!tpu.dma_semaphore, #tpu.memory_space<semaphore_mem>>) src(%dma_wait3A_23 : memref<10000x64xf32, #tpu.memory_space<hbm>>) dst(%arg9 : memref<128x64xf32, #tpu.memory_space<vmem>>)
      "tpu.region"() ({
        %run_scoped3A = tpu.sem_alloc : memref<!tpu.dma_semaphore, #tpu.memory_space<semaphore_mem>>
        %dma_start3A_24 = arith.constant 0 : i32
        %dma_start3A_25 = tpu.memref_slice %arg8[%scan3A_13, %dma_start3A_24] : memref<79x128xi32, #tpu.memory_space<vmem>> -> memref<1x128xi32, #tpu.memory_space<vmem>>
        %dma_start3A_26 = tpu.memref_squeeze %dma_start3A_25 : memref<1x128xi32, #tpu.memory_space<vmem>> -> memref<128xi32, #tpu.memory_space<vmem>>
        %dma_start3A_27 = arith.constant 0 : i32
        %dma_start3A_28 = arith.constant 0 : i32
        %dma_start3A_29 = tpu.memref_slice %arg10[%dma_start3A_27, %dma_start3A_28] : memref<10112x64xf32, #tpu.memory_space<vmem_shared>> -> memref<10112x64xf32, #tpu.memory_space<vmem_shared>>
        tpu.enqueue_indirect_dma source(%arg9 : memref<128x64xf32, #tpu.memory_space<vmem>>) target(%dma_start3A_29 : memref<10112x64xf32, #tpu.memory_space<vmem_shared>>) offsets(%dma_start3A_26 : memref<128xi32, #tpu.memory_space<vmem>>) semaphore(%run_scoped3A : memref<!tpu.dma_semaphore, #tpu.memory_space<semaphore_mem>>) {add = true}
        %dma_wait3A_30 = arith.constant 0 : i32
        %dma_wait3A_31 = tpu.memref_slice %arg8[%scan3A_13, %dma_wait3A_30] : memref<79x128xi32, #tpu.memory_space<vmem>> -> memref<1x128xi32, #tpu.memory_space<vmem>>
        %dma_wait3A_32 = tpu.memref_squeeze %dma_wait3A_31 : memref<1x128xi32, #tpu.memory_space<vmem>> -> memref<128xi32, #tpu.memory_space<vmem>>
        %dma_wait3A_33 = arith.constant 0 : i32
        %dma_wait3A_34 = arith.constant 0 : i32
        %dma_wait3A_35 = tpu.memref_slice %arg10[%dma_wait3A_33, %dma_wait3A_34] : memref<10112x64xf32, #tpu.memory_space<vmem_shared>> -> memref<10112x64xf32, #tpu.memory_space<vmem_shared>>
        tpu.wait_indirect_dma semaphore(%run_scoped3A : memref<!tpu.dma_semaphore, #tpu.memory_space<semaphore_mem>>) src(%arg9 : memref<128x64xf32, #tpu.memory_space<vmem>>) dst(%dma_wait3A_35 : memref<10112x64xf32, #tpu.memory_space<vmem_shared>>)
        tpu.yield
      }) : () -> ()
    }
    %scan3A_7 = arith.constant 79 : i32
    %barrier3A_8 = arith.constant 0 : index
    tpu.barrier barrier_id(%barrier3A_8)
    %mul3A_9 = arith.constant 632 : i32
    %mul3A_10 = arith.muli %arg1, %mul3A_9 : i32
    %mul3A_11 = arith.constant 632 : i32
    %mul3A_12 = arith.muli %arg1, %mul3A_11 : i32
    "tpu.region"() ({
      %run_scoped3A = tpu.sem_alloc : memref<!tpu.dma_semaphore, #tpu.memory_space<semaphore_mem>>
      %dma_start3A = arith.constant 0 : i32
      %dma_start3A_13 = tpu.memref_slice %arg6[%arg0, %mul3A_12, %dma_start3A] : memref<2x10112x64xf32, #tpu.memory_space<hbm>> -> memref<1x632x64xf32, #tpu.memory_space<hbm>>
      %dma_start3A_14 = tpu.memref_squeeze %dma_start3A_13 : memref<1x632x64xf32, #tpu.memory_space<hbm>> -> memref<632x64xf32, #tpu.memory_space<hbm>>
      %dma_start3A_15 = arith.constant 0 : i32
      %dma_start3A_16 = tpu.memref_slice %arg10[%mul3A_10, %dma_start3A_15] : memref<10112x64xf32, #tpu.memory_space<vmem_shared>> -> memref<632x64xf32, #tpu.memory_space<vmem_shared>>
      tpu.enqueue_dma source(%dma_start3A_16 : memref<632x64xf32, #tpu.memory_space<vmem_shared>>) target(%dma_start3A_14 : memref<632x64xf32, #tpu.memory_space<hbm>>) target_semaphore(%run_scoped3A : memref<!tpu.dma_semaphore, #tpu.memory_space<semaphore_mem>>)
      %dma_wait3A = arith.constant 0 : i32
      %dma_wait3A_17 = tpu.memref_slice %arg6[%arg0, %mul3A_12, %dma_wait3A] : memref<2x10112x64xf32, #tpu.memory_space<hbm>> -> memref<1x632x64xf32, #tpu.memory_space<hbm>>
      %dma_wait3A_18 = tpu.memref_squeeze %dma_wait3A_17 : memref<1x632x64xf32, #tpu.memory_space<hbm>> -> memref<632x64xf32, #tpu.memory_space<hbm>>
      %dma_wait3A_19 = arith.constant 0 : i32
      %dma_wait3A_20 = tpu.memref_slice %arg10[%mul3A_10, %dma_wait3A_19] : memref<10112x64xf32, #tpu.memory_space<vmem_shared>> -> memref<632x64xf32, #tpu.memory_space<vmem_shared>>
      tpu.wait_dma2 semaphore(%run_scoped3A : memref<!tpu.dma_semaphore, #tpu.memory_space<semaphore_mem>>) src(%dma_wait3A_20 : memref<632x64xf32, #tpu.memory_space<vmem_shared>>) dst(%dma_wait3A_18 : memref<632x64xf32, #tpu.memory_space<hbm>>)
      tpu.yield
    }) : () -> ()
    return
  }
}

module attributes {stable_mosaic.version = 14 : i64} {
  func.func @_tc_mid_body(%arg0: memref<2x10112x128xf32, #tpu.memory_space<vmem>>, %arg1: memref<10000x128xf32, #tpu.memory_space<vmem>>, %arg2: memref<128x64xf32, #tpu.memory_space<vmem>>, %arg3: memref<128x64xf32, #tpu.memory_space<vmem>>, %arg4: memref<1x64xf32, #tpu.memory_space<vmem>>, %arg5: memref<1x64xf32, #tpu.memory_space<vmem>>, %arg6: memref<1x64xf32, #tpu.memory_space<vmem>>, %arg7: memref<10000x64xf32, #tpu.memory_space<vmem>>) attributes {dimension_semantics = [], scalar_prefetch = 0 : i64, scratch_operands = 0 : i64, tpu.core_type = #tpu.core_type<tc>} {
    %get3A = arith.constant 0 : index
    %get3A_0 = arith.constant 0 : index
    %get3A_1 = arith.constant 0 : index
    %get3A_2 = vector.load %arg0[%get3A, %get3A_0, %get3A_1] : memref<2x10112x128xf32, #tpu.memory_space<vmem>>, vector<2x10112x128xf32>
    %slice3A = vector.extract_strided_slice %get3A_2 {offsets = [0, 0, 0], sizes = [1, 10000, 128], strides = [1, 1, 1]} : vector<2x10112x128xf32> to vector<1x10000x128xf32>
    %squeeze3A = vector.shape_cast %slice3A : vector<1x10000x128xf32> to vector<10000x128xf32>
    %slice3A_3 = vector.extract_strided_slice %get3A_2 {offsets = [1, 0, 0], sizes = [1, 10000, 128], strides = [1, 1, 1]} : vector<2x10112x128xf32> to vector<1x10000x128xf32>
    %squeeze3A_4 = vector.shape_cast %slice3A_3 : vector<1x10000x128xf32> to vector<10000x128xf32>
    %add3A = arith.addf %squeeze3A, %squeeze3A_4 : vector<10000x128xf32>
    %get3A_5 = arith.constant 0 : index
    %get3A_6 = arith.constant 0 : index
    %get3A_7 = vector.load %arg2[%get3A_5, %get3A_6] : memref<128x64xf32, #tpu.memory_space<vmem>>, vector<128x64xf32>
    %dot_general3A = arith.constant dense<0.000000e+00> : vector<10000x64xf32>
    %dot_general3A_8 = tpu.matmul %add3A, %get3A_7, %dot_general3A {dimension_numbers = #tpu.dot_dimension_numbers<[1], [0], [0], [1], [0, 0, 1, 1], [], []>, transpose_lhs_hint = false} : vector<10000x128xf32>, vector<128x64xf32>, vector<10000x64xf32> -> vector<10000x64xf32>
    %get3A_9 = arith.constant 0 : index
    %get3A_10 = arith.constant 0 : index
    %get3A_11 = vector.load %arg1[%get3A_9, %get3A_10] : memref<10000x128xf32, #tpu.memory_space<vmem>>, vector<10000x128xf32>
    %get3A_12 = arith.constant 0 : index
    %get3A_13 = arith.constant 0 : index
    %get3A_14 = vector.load %arg3[%get3A_12, %get3A_13] : memref<128x64xf32, #tpu.memory_space<vmem>>, vector<128x64xf32>
    %dot_general3A_15 = arith.constant dense<0.000000e+00> : vector<10000x64xf32>
    %dot_general3A_16 = tpu.matmul %get3A_11, %get3A_14, %dot_general3A_15 {dimension_numbers = #tpu.dot_dimension_numbers<[1], [0], [0], [1], [0, 0, 1, 1], [], []>, transpose_lhs_hint = false} : vector<10000x128xf32>, vector<128x64xf32>, vector<10000x64xf32> -> vector<10000x64xf32>
    %add3A_17 = arith.addf %dot_general3A_8, %dot_general3A_16 : vector<10000x64xf32>
    %get3A_18 = arith.constant 0 : index
    %get3A_19 = arith.constant 0 : index
    %get3A_20 = vector.load %arg4[%get3A_18, %get3A_19] : memref<1x64xf32, #tpu.memory_space<vmem>>, vector<1x64xf32>
    %add3A_21 = vector.broadcast %get3A_20 : vector<1x64xf32> to vector<10000x64xf32>
    %add3A_22 = arith.addf %add3A_17, %add3A_21 : vector<10000x64xf32>
    %get3A_23 = arith.constant 0 : index
    %get3A_24 = arith.constant 0 : index
    %get3A_25 = vector.load %arg5[%get3A_23, %get3A_24] : memref<1x64xf32, #tpu.memory_space<vmem>>, vector<1x64xf32>
    %get3A_26 = arith.constant 0 : index
    %get3A_27 = arith.constant 0 : index
    %get3A_28 = vector.load %arg6[%get3A_26, %get3A_27] : memref<1x64xf32, #tpu.memory_space<vmem>>, vector<1x64xf32>
    %reduce_sum3A = arith.constant dense<0.000000e+00> : vector<64xf32>
    %reduce_sum3A_29 = vector.multi_reduction <add>, %add3A_22, %reduce_sum3A [0] : vector<10000x64xf32> to vector<64xf32>
    %broadcast_in_dim3A = vector.shape_cast %reduce_sum3A_29 : vector<64xf32> to vector<1x64xf32>
    %div3A = arith.constant 1.000000e+04 : f32
    %div3A_30 = vector.broadcast %div3A : f32 to vector<1x64xf32>
    %div3A_31 = arith.divf %broadcast_in_dim3A, %div3A_30 : vector<1x64xf32>
    %sub3A = vector.broadcast %div3A_31 : vector<1x64xf32> to vector<10000x64xf32>
    %sub3A_32 = arith.subf %add3A_22, %sub3A : vector<10000x64xf32>
    %sub3A_33 = vector.broadcast %div3A_31 : vector<1x64xf32> to vector<10000x64xf32>
    %sub3A_34 = arith.subf %add3A_22, %sub3A_33 : vector<10000x64xf32>
    %mul3A = arith.mulf %sub3A_32, %sub3A_34 : vector<10000x64xf32>
    %reduce_sum3A_35 = arith.constant dense<0.000000e+00> : vector<64xf32>
    %reduce_sum3A_36 = vector.multi_reduction <add>, %mul3A, %reduce_sum3A_35 [0] : vector<10000x64xf32> to vector<64xf32>
    %broadcast_in_dim3A_37 = vector.shape_cast %reduce_sum3A_36 : vector<64xf32> to vector<1x64xf32>
    %div3A_38 = arith.constant 1.000000e+04 : f32
    %div3A_39 = vector.broadcast %div3A_38 : f32 to vector<1x64xf32>
    %div3A_40 = arith.divf %broadcast_in_dim3A_37, %div3A_39 : vector<1x64xf32>
    %sub3A_41 = vector.broadcast %div3A_31 : vector<1x64xf32> to vector<10000x64xf32>
    %sub3A_42 = arith.subf %add3A_22, %sub3A_41 : vector<10000x64xf32>
    %mul3A_43 = vector.broadcast %get3A_25 : vector<1x64xf32> to vector<10000x64xf32>
    %mul3A_44 = arith.mulf %mul3A_43, %sub3A_42 : vector<10000x64xf32>
    %add3A_45 = arith.constant 9.99999974E-6 : f32
    %add3A_46 = vector.broadcast %add3A_45 : f32 to vector<1x64xf32>
    %add3A_47 = arith.addf %div3A_40, %add3A_46 : vector<1x64xf32>
    %rsqrt3A = math.rsqrt %add3A_47 : vector<1x64xf32>
    %mul3A_48 = vector.broadcast %rsqrt3A : vector<1x64xf32> to vector<10000x64xf32>
    %mul3A_49 = arith.mulf %mul3A_44, %mul3A_48 : vector<10000x64xf32>
    %add3A_50 = vector.broadcast %get3A_28 : vector<1x64xf32> to vector<10000x64xf32>
    %add3A_51 = arith.addf %mul3A_49, %add3A_50 : vector<10000x64xf32>
    %max3A = arith.constant 0.000000e+00 : f32
    %max3A_52 = vector.broadcast %max3A : f32 to vector<10000x64xf32>
    %max3A_53 = arith.maximumf %add3A_51, %max3A_52 : vector<10000x64xf32>
    %swap3A = arith.constant 0 : index
    %swap3A_54 = arith.constant 0 : index
    %swap3A_55 = vector.load %arg7[%swap3A, %swap3A_54] : memref<10000x64xf32, #tpu.memory_space<vmem>>, vector<10000x64xf32>
    tpu.vector_store %arg7[%swap3A, %swap3A_54], %max3A_53 {strides = array<i32>} : memref<10000x64xf32, #tpu.memory_space<vmem>>, vector<10000x64xf32>,
    return
  }
}

module attributes {stable_mosaic.version = 14 : i64} {
  func.func @_tc_mid_body(%arg0: memref<2x10112x64xf32, #tpu.memory_space<vmem>>, %arg1: memref<10000x64xf32, #tpu.memory_space<vmem>>, %arg2: memref<64x64xf32, #tpu.memory_space<vmem>>, %arg3: memref<64x64xf32, #tpu.memory_space<vmem>>, %arg4: memref<1x64xf32, #tpu.memory_space<vmem>>, %arg5: memref<1x64xf32, #tpu.memory_space<vmem>>, %arg6: memref<1x64xf32, #tpu.memory_space<vmem>>, %arg7: memref<10000x64xf32, #tpu.memory_space<vmem>>) attributes {dimension_semantics = [], scalar_prefetch = 0 : i64, scratch_operands = 0 : i64, tpu.core_type = #tpu.core_type<tc>} {
    %get3A = arith.constant 0 : index
    %get3A_0 = arith.constant 0 : index
    %get3A_1 = arith.constant 0 : index
    %get3A_2 = vector.load %arg0[%get3A, %get3A_0, %get3A_1] : memref<2x10112x64xf32, #tpu.memory_space<vmem>>, vector<2x10112x64xf32>
    %slice3A = vector.extract_strided_slice %get3A_2 {offsets = [0, 0, 0], sizes = [1, 10000, 64], strides = [1, 1, 1]} : vector<2x10112x64xf32> to vector<1x10000x64xf32>
    %squeeze3A = vector.shape_cast %slice3A : vector<1x10000x64xf32> to vector<10000x64xf32>
    %slice3A_3 = vector.extract_strided_slice %get3A_2 {offsets = [1, 0, 0], sizes = [1, 10000, 64], strides = [1, 1, 1]} : vector<2x10112x64xf32> to vector<1x10000x64xf32>
    %squeeze3A_4 = vector.shape_cast %slice3A_3 : vector<1x10000x64xf32> to vector<10000x64xf32>
    %add3A = arith.addf %squeeze3A, %squeeze3A_4 : vector<10000x64xf32>
    %get3A_5 = arith.constant 0 : index
    %get3A_6 = arith.constant 0 : index
    %get3A_7 = vector.load %arg2[%get3A_5, %get3A_6] : memref<64x64xf32, #tpu.memory_space<vmem>>, vector<64x64xf32>
    %dot_general3A = arith.constant dense<0.000000e+00> : vector<10000x64xf32>
    %dot_general3A_8 = tpu.matmul %add3A, %get3A_7, %dot_general3A {dimension_numbers = #tpu.dot_dimension_numbers<[1], [0], [0], [1], [0, 0, 1, 1], [], []>, transpose_lhs_hint = false} : vector<10000x64xf32>, vector<64x64xf32>, vector<10000x64xf32> -> vector<10000x64xf32>
    %get3A_9 = arith.constant 0 : index
    %get3A_10 = arith.constant 0 : index
    %get3A_11 = vector.load %arg1[%get3A_9, %get3A_10] : memref<10000x64xf32, #tpu.memory_space<vmem>>, vector<10000x64xf32>
    %get3A_12 = arith.constant 0 : index
    %get3A_13 = arith.constant 0 : index
    %get3A_14 = vector.load %arg3[%get3A_12, %get3A_13] : memref<64x64xf32, #tpu.memory_space<vmem>>, vector<64x64xf32>
    %dot_general3A_15 = arith.constant dense<0.000000e+00> : vector<10000x64xf32>
    %dot_general3A_16 = tpu.matmul %get3A_11, %get3A_14, %dot_general3A_15 {dimension_numbers = #tpu.dot_dimension_numbers<[1], [0], [0], [1], [0, 0, 1, 1], [], []>, transpose_lhs_hint = false} : vector<10000x64xf32>, vector<64x64xf32>, vector<10000x64xf32> -> vector<10000x64xf32>
    %add3A_17 = arith.addf %dot_general3A_8, %dot_general3A_16 : vector<10000x64xf32>
    %get3A_18 = arith.constant 0 : index
    %get3A_19 = arith.constant 0 : index
    %get3A_20 = vector.load %arg4[%get3A_18, %get3A_19] : memref<1x64xf32, #tpu.memory_space<vmem>>, vector<1x64xf32>
    %add3A_21 = vector.broadcast %get3A_20 : vector<1x64xf32> to vector<10000x64xf32>
    %add3A_22 = arith.addf %add3A_17, %add3A_21 : vector<10000x64xf32>
    %get3A_23 = arith.constant 0 : index
    %get3A_24 = arith.constant 0 : index
    %get3A_25 = vector.load %arg5[%get3A_23, %get3A_24] : memref<1x64xf32, #tpu.memory_space<vmem>>, vector<1x64xf32>
    %get3A_26 = arith.constant 0 : index
    %get3A_27 = arith.constant 0 : index
    %get3A_28 = vector.load %arg6[%get3A_26, %get3A_27] : memref<1x64xf32, #tpu.memory_space<vmem>>, vector<1x64xf32>
    %reduce_sum3A = arith.constant dense<0.000000e+00> : vector<64xf32>
    %reduce_sum3A_29 = vector.multi_reduction <add>, %add3A_22, %reduce_sum3A [0] : vector<10000x64xf32> to vector<64xf32>
    %broadcast_in_dim3A = vector.shape_cast %reduce_sum3A_29 : vector<64xf32> to vector<1x64xf32>
    %div3A = arith.constant 1.000000e+04 : f32
    %div3A_30 = vector.broadcast %div3A : f32 to vector<1x64xf32>
    %div3A_31 = arith.divf %broadcast_in_dim3A, %div3A_30 : vector<1x64xf32>
    %sub3A = vector.broadcast %div3A_31 : vector<1x64xf32> to vector<10000x64xf32>
    %sub3A_32 = arith.subf %add3A_22, %sub3A : vector<10000x64xf32>
    %sub3A_33 = vector.broadcast %div3A_31 : vector<1x64xf32> to vector<10000x64xf32>
    %sub3A_34 = arith.subf %add3A_22, %sub3A_33 : vector<10000x64xf32>
    %mul3A = arith.mulf %sub3A_32, %sub3A_34 : vector<10000x64xf32>
    %reduce_sum3A_35 = arith.constant dense<0.000000e+00> : vector<64xf32>
    %reduce_sum3A_36 = vector.multi_reduction <add>, %mul3A, %reduce_sum3A_35 [0] : vector<10000x64xf32> to vector<64xf32>
    %broadcast_in_dim3A_37 = vector.shape_cast %reduce_sum3A_36 : vector<64xf32> to vector<1x64xf32>
    %div3A_38 = arith.constant 1.000000e+04 : f32
    %div3A_39 = vector.broadcast %div3A_38 : f32 to vector<1x64xf32>
    %div3A_40 = arith.divf %broadcast_in_dim3A_37, %div3A_39 : vector<1x64xf32>
    %sub3A_41 = vector.broadcast %div3A_31 : vector<1x64xf32> to vector<10000x64xf32>
    %sub3A_42 = arith.subf %add3A_22, %sub3A_41 : vector<10000x64xf32>
    %mul3A_43 = vector.broadcast %get3A_25 : vector<1x64xf32> to vector<10000x64xf32>
    %mul3A_44 = arith.mulf %mul3A_43, %sub3A_42 : vector<10000x64xf32>
    %add3A_45 = arith.constant 9.99999974E-6 : f32
    %add3A_46 = vector.broadcast %add3A_45 : f32 to vector<1x64xf32>
    %add3A_47 = arith.addf %div3A_40, %add3A_46 : vector<1x64xf32>
    %rsqrt3A = math.rsqrt %add3A_47 : vector<1x64xf32>
    %mul3A_48 = vector.broadcast %rsqrt3A : vector<1x64xf32> to vector<10000x64xf32>
    %mul3A_49 = arith.mulf %mul3A_44, %mul3A_48 : vector<10000x64xf32>
    %add3A_50 = vector.broadcast %get3A_28 : vector<1x64xf32> to vector<10000x64xf32>
    %add3A_51 = arith.addf %mul3A_49, %add3A_50 : vector<10000x64xf32>
    %max3A = arith.constant 0.000000e+00 : f32
    %max3A_52 = vector.broadcast %max3A : f32 to vector<10000x64xf32>
    %max3A_53 = arith.maximumf %add3A_51, %max3A_52 : vector<10000x64xf32>
    %swap3A = arith.constant 0 : index
    %swap3A_54 = arith.constant 0 : index
    %swap3A_55 = vector.load %arg7[%swap3A, %swap3A_54] : memref<10000x64xf32, #tpu.memory_space<vmem>>, vector<10000x64xf32>
    tpu.vector_store %arg7[%swap3A, %swap3A_54], %max3A_53 {strides = array<i32>} : memref<10000x64xf32, #tpu.memory_space<vmem>>, vector<10000x64xf32>,
    return
  }
}

module attributes {stable_mosaic.version = 14 : i64} {
  func.func @_tc_pool_body(%arg0: memref<2x10112x64xf32, #tpu.memory_space<vmem>>, %arg1: memref<10000x64xf32, #tpu.memory_space<vmem>>, %arg2: memref<64x64xf32, #tpu.memory_space<vmem>>, %arg3: memref<64x64xf32, #tpu.memory_space<vmem>>, %arg4: memref<1x64xf32, #tpu.memory_space<vmem>>, %arg5: memref<1x64xf32, #tpu.memory_space<vmem>>, %arg6: memref<1x64xf32, #tpu.memory_space<vmem>>, %arg7: memref<64x32xf32, #tpu.memory_space<vmem>>, %arg8: memref<1x32xf32, #tpu.memory_space<vmem>>, %arg9: memref<32x1xf32, #tpu.memory_space<vmem>>, %arg10: memref<1x1xf32, #tpu.memory_space<vmem>>, %arg11: memref<10000x1xi32, #tpu.memory_space<vmem>>, %arg12: memref<64x64xf32, #tpu.memory_space<vmem>>) attributes {dimension_semantics = [], scalar_prefetch = 0 : i64, scratch_operands = 0 : i64, tpu.core_type = #tpu.core_type<tc>} {
    %get3A = arith.constant 0 : index
    %get3A_0 = arith.constant 0 : index
    %get3A_1 = arith.constant 0 : index
    %get3A_2 = vector.load %arg0[%get3A, %get3A_0, %get3A_1] : memref<2x10112x64xf32, #tpu.memory_space<vmem>>, vector<2x10112x64xf32>
    %slice3A = vector.extract_strided_slice %get3A_2 {offsets = [0, 0, 0], sizes = [1, 10000, 64], strides = [1, 1, 1]} : vector<2x10112x64xf32> to vector<1x10000x64xf32>
    %squeeze3A = vector.shape_cast %slice3A : vector<1x10000x64xf32> to vector<10000x64xf32>
    %slice3A_3 = vector.extract_strided_slice %get3A_2 {offsets = [1, 0, 0], sizes = [1, 10000, 64], strides = [1, 1, 1]} : vector<2x10112x64xf32> to vector<1x10000x64xf32>
    %squeeze3A_4 = vector.shape_cast %slice3A_3 : vector<1x10000x64xf32> to vector<10000x64xf32>
    %add3A = arith.addf %squeeze3A, %squeeze3A_4 : vector<10000x64xf32>
    %get3A_5 = arith.constant 0 : index
    %get3A_6 = arith.constant 0 : index
    %get3A_7 = vector.load %arg2[%get3A_5, %get3A_6] : memref<64x64xf32, #tpu.memory_space<vmem>>, vector<64x64xf32>
    %dot_general3A = arith.constant dense<0.000000e+00> : vector<10000x64xf32>
    %dot_general3A_8 = tpu.matmul %add3A, %get3A_7, %dot_general3A {dimension_numbers = #tpu.dot_dimension_numbers<[1], [0], [0], [1], [0, 0, 1, 1], [], []>, transpose_lhs_hint = false} : vector<10000x64xf32>, vector<64x64xf32>, vector<10000x64xf32> -> vector<10000x64xf32>
    %get3A_9 = arith.constant 0 : index
    %get3A_10 = arith.constant 0 : index
    %get3A_11 = vector.load %arg1[%get3A_9, %get3A_10] : memref<10000x64xf32, #tpu.memory_space<vmem>>, vector<10000x64xf32>
    %get3A_12 = arith.constant 0 : index
    %get3A_13 = arith.constant 0 : index
    %get3A_14 = vector.load %arg3[%get3A_12, %get3A_13] : memref<64x64xf32, #tpu.memory_space<vmem>>, vector<64x64xf32>
    %dot_general3A_15 = arith.constant dense<0.000000e+00> : vector<10000x64xf32>
    %dot_general3A_16 = tpu.matmul %get3A_11, %get3A_14, %dot_general3A_15 {dimension_numbers = #tpu.dot_dimension_numbers<[1], [0], [0], [1], [0, 0, 1, 1], [], []>, transpose_lhs_hint = false} : vector<10000x64xf32>, vector<64x64xf32>, vector<10000x64xf32> -> vector<10000x64xf32>
    %add3A_17 = arith.addf %dot_general3A_8, %dot_general3A_16 : vector<10000x64xf32>
    %get3A_18 = arith.constant 0 : index
    %get3A_19 = arith.constant 0 : index
    %get3A_20 = vector.load %arg4[%get3A_18, %get3A_19] : memref<1x64xf32, #tpu.memory_space<vmem>>, vector<1x64xf32>
    %add3A_21 = vector.broadcast %get3A_20 : vector<1x64xf32> to vector<10000x64xf32>
    %add3A_22 = arith.addf %add3A_17, %add3A_21 : vector<10000x64xf32>
    %get3A_23 = arith.constant 0 : index
    %get3A_24 = arith.constant 0 : index
    %get3A_25 = vector.load %arg5[%get3A_23, %get3A_24] : memref<1x64xf32, #tpu.memory_space<vmem>>, vector<1x64xf32>
    %get3A_26 = arith.constant 0 : index
    %get3A_27 = arith.constant 0 : index
    %get3A_28 = vector.load %arg6[%get3A_26, %get3A_27] : memref<1x64xf32, #tpu.memory_space<vmem>>, vector<1x64xf32>
    %reduce_sum3A = arith.constant dense<0.000000e+00> : vector<64xf32>
    %reduce_sum3A_29 = vector.multi_reduction <add>, %add3A_22, %reduce_sum3A [0] : vector<10000x64xf32> to vector<64xf32>
    %broadcast_in_dim3A = vector.shape_cast %reduce_sum3A_29 : vector<64xf32> to vector<1x64xf32>
    %div3A = arith.constant 1.000000e+04 : f32
    %div3A_30 = vector.broadcast %div3A : f32 to vector<1x64xf32>
    %div3A_31 = arith.divf %broadcast_in_dim3A, %div3A_30 : vector<1x64xf32>
    %sub3A = vector.broadcast %div3A_31 : vector<1x64xf32> to vector<10000x64xf32>
    %sub3A_32 = arith.subf %add3A_22, %sub3A : vector<10000x64xf32>
    %sub3A_33 = vector.broadcast %div3A_31 : vector<1x64xf32> to vector<10000x64xf32>
    %sub3A_34 = arith.subf %add3A_22, %sub3A_33 : vector<10000x64xf32>
    %mul3A = arith.mulf %sub3A_32, %sub3A_34 : vector<10000x64xf32>
    %reduce_sum3A_35 = arith.constant dense<0.000000e+00> : vector<64xf32>
    %reduce_sum3A_36 = vector.multi_reduction <add>, %mul3A, %reduce_sum3A_35 [0] : vector<10000x64xf32> to vector<64xf32>
    %broadcast_in_dim3A_37 = vector.shape_cast %reduce_sum3A_36 : vector<64xf32> to vector<1x64xf32>
    %div3A_38 = arith.constant 1.000000e+04 : f32
    %div3A_39 = vector.broadcast %div3A_38 : f32 to vector<1x64xf32>
    %div3A_40 = arith.divf %broadcast_in_dim3A_37, %div3A_39 : vector<1x64xf32>
    %sub3A_41 = vector.broadcast %div3A_31 : vector<1x64xf32> to vector<10000x64xf32>
    %sub3A_42 = arith.subf %add3A_22, %sub3A_41 : vector<10000x64xf32>
    %mul3A_43 = vector.broadcast %get3A_25 : vector<1x64xf32> to vector<10000x64xf32>
    %mul3A_44 = arith.mulf %mul3A_43, %sub3A_42 : vector<10000x64xf32>
    %add3A_45 = arith.constant 9.99999974E-6 : f32
    %add3A_46 = vector.broadcast %add3A_45 : f32 to vector<1x64xf32>
    %add3A_47 = arith.addf %div3A_40, %add3A_46 : vector<1x64xf32>
    %rsqrt3A = math.rsqrt %add3A_47 : vector<1x64xf32>
    %mul3A_48 = vector.broadcast %rsqrt3A : vector<1x64xf32> to vector<10000x64xf32>
    %mul3A_49 = arith.mulf %mul3A_44, %mul3A_48 : vector<10000x64xf32>
    %add3A_50 = vector.broadcast %get3A_28 : vector<1x64xf32> to vector<10000x64xf32>
    %add3A_51 = arith.addf %mul3A_49, %add3A_50 : vector<10000x64xf32>
    %max3A = arith.constant 0.000000e+00 : f32
    %max3A_52 = vector.broadcast %max3A : f32 to vector<10000x64xf32>
    %max3A_53 = arith.maximumf %add3A_51, %max3A_52 : vector<10000x64xf32>
    %get3A_54 = arith.constant 0 : index
    %get3A_55 = arith.constant 0 : index
    %get3A_56 = vector.load %arg7[%get3A_54, %get3A_55] : memref<64x32xf32, #tpu.memory_space<vmem>>, vector<64x32xf32>
    %dot_general3A_57 = arith.constant dense<0.000000e+00> : vector<10000x32xf32>
    %dot_general3A_58 = tpu.matmul %max3A_53, %get3A_56, %dot_general3A_57 {dimension_numbers = #tpu.dot_dimension_numbers<[1], [0], [0], [1], [0, 0, 1, 1], [], []>, transpose_lhs_hint = false} : vector<10000x64xf32>, vector<64x32xf32>, vector<10000x32xf32> -> vector<10000x32xf32>
    %get3A_59 = arith.constant 0 : index
    %get3A_60 = arith.constant 0 : index
    %get3A_61 = vector.load %arg8[%get3A_59, %get3A_60] : memref<1x32xf32, #tpu.memory_space<vmem>>, vector<1x32xf32>
    %add3A_62 = vector.broadcast %get3A_61 : vector<1x32xf32> to vector<10000x32xf32>
    %add3A_63 = arith.addf %dot_general3A_58, %add3A_62 : vector<10000x32xf32>
    %max3A_64 = arith.constant 0.000000e+00 : f32
    %max3A_65 = vector.broadcast %max3A_64 : f32 to vector<10000x32xf32>
    %max3A_66 = arith.maximumf %add3A_63, %max3A_65 : vector<10000x32xf32>
    %get3A_67 = arith.constant 0 : index
    %get3A_68 = arith.constant 0 : index
    %get3A_69 = vector.load %arg9[%get3A_67, %get3A_68] : memref<32x1xf32, #tpu.memory_space<vmem>>, vector<32x1xf32>
    %dot_general3A_70 = arith.constant dense<0.000000e+00> : vector<10000x1xf32>
    %dot_general3A_71 = tpu.matmul %max3A_66, %get3A_69, %dot_general3A_70 {dimension_numbers = #tpu.dot_dimension_numbers<[1], [0], [0], [1], [0, 0, 1, 1], [], []>, transpose_lhs_hint = false} : vector<10000x32xf32>, vector<32x1xf32>, vector<10000x1xf32> -> vector<10000x1xf32>
    %get3A_72 = arith.constant 0 : index
    %get3A_73 = arith.constant 0 : index
    %get3A_74 = vector.load %arg10[%get3A_72, %get3A_73] : memref<1x1xf32, #tpu.memory_space<vmem>>, vector<1x1xf32>
    %add3A_75 = vector.broadcast %get3A_74 : vector<1x1xf32> to vector<10000x1xf32>
    %add3A_76 = arith.addf %dot_general3A_71, %add3A_75 : vector<10000x1xf32>
    %max3A_77 = arith.constant 0.000000e+00 : f32
    %max3A_78 = vector.broadcast %max3A_77 : f32 to vector<10000x1xf32>
    %max3A_79 = arith.maximumf %add3A_76, %max3A_78 : vector<10000x1xf32>
    %get3A_80 = arith.constant 0 : index
    %get3A_81 = arith.constant 0 : index
    %get3A_82 = vector.load %arg11[%get3A_80, %get3A_81] : memref<10000x1xi32, #tpu.memory_space<vmem>>, vector<10000x1xi32>
    %iota3A = tpu.iota {dimensions = array<i32: 1>} : vector<1x64xi32>
    %eq3A = vector.broadcast %get3A_82 : vector<10000x1xi32> to vector<10000x64xi32>
    %eq3A_83 = vector.broadcast %iota3A : vector<1x64xi32> to vector<10000x64xi32>
    %eq3A_84 = arith.cmpi eq, %eq3A, %eq3A_83 : vector<10000x64xi32>
    %convert_element_type3A = arith.extui %eq3A_84 : vector<10000x64xi1> to vector<10000x64xi32>
    %convert_element_type3A_85 = arith.sitofp %convert_element_type3A : vector<10000x64xi32> to vector<10000x64xf32>
    %jit3A = arith.constant -1.000000e+30 : f32
    %broadcast_in_dim3A_86 = vector.shape_cast %max3A_79 : vector<10000x1xf32> to vector<10000x1xf32>
    %broadcast_in_dim3A_87 = vector.broadcast %broadcast_in_dim3A_86 : vector<10000x1xf32> to vector<10000x64xf32>
    %broadcast_in_dim3A_88 = vector.broadcast %jit3A : f32 to vector<10000x64xf32>
    %select_n3A = arith.select %eq3A_84, %broadcast_in_dim3A_87, %broadcast_in_dim3A_88 : vector<10000x64xi1>, vector<10000x64xf32>
    %reduce_max3A = arith.constant dense<0xFF800000> : vector<64xf32>
    %reduce_max3A_89 = vector.multi_reduction <maximumf>, %select_n3A, %reduce_max3A [0] : vector<10000x64xf32> to vector<64xf32>
    %broadcast_in_dim3A_90 = vector.shape_cast %reduce_max3A_89 : vector<64xf32> to vector<1x64xf32>
    %mul3A_91 = vector.broadcast %broadcast_in_dim3A_90 : vector<1x64xf32> to vector<10000x64xf32>
    %mul3A_92 = arith.mulf %convert_element_type3A_85, %mul3A_91 : vector<10000x64xf32>
    %reduce_sum3A_93 = arith.constant dense<0.000000e+00> : vector<10000xf32>
    %reduce_sum3A_94 = vector.multi_reduction <add>, %mul3A_92, %reduce_sum3A_93 [1] : vector<10000x64xf32> to vector<10000xf32>
    %broadcast_in_dim3A_95 = vector.shape_cast %reduce_sum3A_94 : vector<10000xf32> to vector<10000x1xf32>
    %sub3A_96 = arith.subf %max3A_79, %broadcast_in_dim3A_95 : vector<10000x1xf32>
    %exp3A = math.exp %sub3A_96 : vector<10000x1xf32>
    %mul3A_97 = vector.broadcast %exp3A : vector<10000x1xf32> to vector<10000x64xf32>
    %mul3A_98 = arith.mulf %convert_element_type3A_85, %mul3A_97 : vector<10000x64xf32>
    %reduce_sum3A_99 = arith.constant dense<0.000000e+00> : vector<64xf32>
    %reduce_sum3A_100 = vector.multi_reduction <add>, %mul3A_98, %reduce_sum3A_99 [0] : vector<10000x64xf32> to vector<64xf32>
    %broadcast_in_dim3A_101 = vector.shape_cast %reduce_sum3A_100 : vector<64xf32> to vector<1x64xf32>
    %mul3A_102 = vector.broadcast %broadcast_in_dim3A_101 : vector<1x64xf32> to vector<10000x64xf32>
    %mul3A_103 = arith.mulf %convert_element_type3A_85, %mul3A_102 : vector<10000x64xf32>
    %reduce_sum3A_104 = arith.constant dense<0.000000e+00> : vector<10000xf32>
    %reduce_sum3A_105 = vector.multi_reduction <add>, %mul3A_103, %reduce_sum3A_104 [1] : vector<10000x64xf32> to vector<10000xf32>
    %broadcast_in_dim3A_106 = vector.shape_cast %reduce_sum3A_105 : vector<10000xf32> to vector<10000x1xf32>
    %add3A_107 = arith.constant 1.000000e-16 : f32
    %add3A_108 = vector.broadcast %add3A_107 : f32 to vector<10000x1xf32>
    %add3A_109 = arith.addf %broadcast_in_dim3A_106, %add3A_108 : vector<10000x1xf32>
    %div3A_110 = arith.divf %exp3A, %add3A_109 : vector<10000x1xf32>
    %mul3A_111 = vector.broadcast %div3A_110 : vector<10000x1xf32> to vector<10000x64xf32>
    %mul3A_112 = arith.mulf %mul3A_111, %max3A_53 : vector<10000x64xf32>
    %dot_general3A_113 = arith.constant dense<0.000000e+00> : vector<64x64xf32>
    %dot_general3A_114 = tpu.matmul %convert_element_type3A_85, %mul3A_112, %dot_general3A_113 {dimension_numbers = #tpu.dot_dimension_numbers<[0], [0], [1], [1], [0, 1, 1, 1], [], []>, precision = #tpu.contract_precision<fp32>, transpose_lhs_hint = false} : vector<10000x64xf32>, vector<10000x64xf32>, vector<64x64xf32> -> vector<64x64xf32>
    %swap3A = arith.constant 0 : index
    %swap3A_115 = arith.constant 0 : index
    %swap3A_116 = vector.load %arg12[%swap3A, %swap3A_115] : memref<64x64xf32, #tpu.memory_space<vmem>>, vector<64x64xf32>
    tpu.vector_store %arg12[%swap3A, %swap3A_115], %dot_general3A_114 {strides = array<i32>} : memref<64x64xf32, #tpu.memory_space<vmem>>, vector<64x64xf32>,
    return
  }
}

module attributes {stable_mosaic.version = 14 : i64} {
  func.func @_tc_final_body(%arg0: memref<64x64xf32, #tpu.memory_space<vmem>>, %arg1: memref<64x64xf32, #tpu.memory_space<vmem>>, %arg2: memref<64x64xf32, #tpu.memory_space<vmem>>, %arg3: memref<1x64xf32, #tpu.memory_space<vmem>>, %arg4: memref<64x1xf32, #tpu.memory_space<vmem>>, %arg5: memref<1x1xf32, #tpu.memory_space<vmem>>, %arg6: memref<64x1xf32, #tpu.memory_space<vmem>>) attributes {dimension_semantics = [], scalar_prefetch = 0 : i64, scratch_operands = 0 : i64, tpu.core_type = #tpu.core_type<tc>} {
    %get3A = arith.constant 0 : index
    %get3A_0 = arith.constant 0 : index
    %get3A_1 = vector.load %arg0[%get3A, %get3A_0] : memref<64x64xf32, #tpu.memory_space<vmem>>, vector<64x64xf32>
    %get3A_2 = arith.constant 0 : index
    %get3A_3 = arith.constant 0 : index
    %get3A_4 = vector.load %arg1[%get3A_2, %get3A_3] : memref<64x64xf32, #tpu.memory_space<vmem>>, vector<64x64xf32>
    %sub3A = arith.subf %get3A_1, %get3A_4 : vector<64x64xf32>
    %abs3A = math.absf %sub3A : vector<64x64xf32>
    %get3A_5 = arith.constant 0 : index
    %get3A_6 = arith.constant 0 : index
    %get3A_7 = vector.load %arg2[%get3A_5, %get3A_6] : memref<64x64xf32, #tpu.memory_space<vmem>>, vector<64x64xf32>
    %dot_general3A = arith.constant dense<0.000000e+00> : vector<64x64xf32>
    %dot_general3A_8 = tpu.matmul %abs3A, %get3A_7, %dot_general3A {dimension_numbers = #tpu.dot_dimension_numbers<[1], [0], [0], [1], [0, 0, 1, 1], [], []>, transpose_lhs_hint = false} : vector<64x64xf32>, vector<64x64xf32>, vector<64x64xf32> -> vector<64x64xf32>
    %get3A_9 = arith.constant 0 : index
    %get3A_10 = arith.constant 0 : index
    %get3A_11 = vector.load %arg3[%get3A_9, %get3A_10] : memref<1x64xf32, #tpu.memory_space<vmem>>, vector<1x64xf32>
    %add3A = vector.broadcast %get3A_11 : vector<1x64xf32> to vector<64x64xf32>
    %add3A_12 = arith.addf %dot_general3A_8, %add3A : vector<64x64xf32>
    %max3A = arith.constant 0.000000e+00 : f32
    %max3A_13 = vector.broadcast %max3A : f32 to vector<64x64xf32>
    %max3A_14 = arith.maximumf %add3A_12, %max3A_13 : vector<64x64xf32>
    %get3A_15 = arith.constant 0 : index
    %get3A_16 = arith.constant 0 : index
    %get3A_17 = vector.load %arg4[%get3A_15, %get3A_16] : memref<64x1xf32, #tpu.memory_space<vmem>>, vector<64x1xf32>
    %dot_general3A_18 = arith.constant dense<0.000000e+00> : vector<64x1xf32>
    %dot_general3A_19 = tpu.matmul %max3A_14, %get3A_17, %dot_general3A_18 {dimension_numbers = #tpu.dot_dimension_numbers<[1], [0], [0], [1], [0, 0, 1, 1], [], []>, transpose_lhs_hint = false} : vector<64x64xf32>, vector<64x1xf32>, vector<64x1xf32> -> vector<64x1xf32>
    %get3A_20 = arith.constant 0 : index
    %get3A_21 = arith.constant 0 : index
    %get3A_22 = vector.load %arg5[%get3A_20, %get3A_21] : memref<1x1xf32, #tpu.memory_space<vmem>>, vector<1x1xf32>
    %add3A_23 = vector.broadcast %get3A_22 : vector<1x1xf32> to vector<64x1xf32>
    %add3A_24 = arith.addf %dot_general3A_19, %add3A_23 : vector<64x1xf32>
    %swap3A = arith.constant 0 : index
    %swap3A_25 = arith.constant 0 : index
    %swap3A_26 = vector.load %arg6[%swap3A, %swap3A_25] : memref<64x1xf32, #tpu.memory_space<vmem>>, vector<64x1xf32>
    tpu.vector_store %arg6[%swap3A, %swap3A_25], %add3A_24 {strides = array<i32>} : memref<64x1xf32, #tpu.memory_space<vmem>>, vector<64x1xf32>,
    return
  }
}

</mosaic_0001>

<sc_bundles>
// kernel: edge_agg_128.4.cloned.1.call-start
scs
__scs_entry_jumppad:
0x0: {  	(pc) =	sbr.rel $0x88, $3  }
0x1: {  	(tag) =	ssettag $0x0;
	lr =	simm.s32 $0x1  }
0x2: {  	[smem:$0x3F84] =	sst lr;
	_ =	strace $0xD0000000  }
0x3: {  	_ = 	snop  }
0x4: {  	_ = 	snop  }
0x5: {  	_ = 	snop  }
0x6: {  	_ = 	snop  }
0x7: {  	_ = 	snop  }
__scs_overlays_trampoline_lowered:
0x8: {  	[smem:$0x3F93] =	sst s0  }
0x9: {  	[smem:$0x3F94] =	sst s1  }
0xa: {  	[smem:$0x3F95] =	sst s2  }
0xb: {  	[smem:$0x3F96] =	sst s3  }
0xc: {  	[smem:$0x3F97] =	sst s4  }
0xd: {  	[smem:$0x3F98] =	sst s5  }
0xe: {  	[smem:$0x3F99] =	sst s6  }
0xf: {  	[smem:$0x3F9A] =	sst s7  }
0x10: {  	[smem:$0x3F9B] =	sst s8  }
0x11: {  	[smem:$0x3F9C] =	sst s9;
	s0 =	simm.s32 @!p0 $0x0  }
0x12: {  	s1 =	sld [smem:$0x3F82];
	s0 =	simm.s32 @p0 $0x1  }
0x13: {  	[smem:$0x3F9D] =	sst s0;
	s0 =	simm.s32 @!p1 $0x0  }
0x14: {  	s2 =	sld [smem:$0x3F81];
	s0 =	simm.s32 @p1 $0x1  }
0x15: {  	[smem:$0x3F9E] =	sst s0;
	s0 =	simm.s32 @!p2 $0x0  }
0x16: {  	s3 =	sld [smem:$0x3FDB];
	s0 =	simm.s32 @p2 $0x1  }
0x17: {  	s4 =	simm.s32 $0x1BF5;
	[smem:$0x3FA0] =	sst s0  }
0x18: {  	s0 =	sld [smem:$0x3F83];
	_ =	swait.ge [sflag:s4], $0x0  }
0x19: {  	s7 =	sld [smem:$0x3F84]  }
0x1a: {  	s8 =	sadd.s32 $0xFFFFE003, lr  }
0x1b: {  	s9 =	sadd.s32 $0xFFFFFEF7, lr;
	s5 =	simm.s32 $0xFFFFFFFF;
	p2 =	slt.u32 s8, $0xFFFFF086  }
0x1c: {  	p1 =	slt.u32 s9, $0xF7A;
	s5 =	simm.s32 @!p2 $0x0  }
0x1d: {  	s5 =	simm.s32 @p1 $0x1;
	p0 =	seq.s32 s7, s2  }
0x1e: {  	s7 =	smul.u32 @!p0 $0xF7A, s2;
	p2 =	seq.s32 @!p0 s5, $0x0  }
0x1f: {  	s9 =	smul.u32 $0xF7A, s1;
	s8 =	simm.s32 @!p0 $0x1BF5;
	p2 =	por !p2, p0  }
0x20: {  	[sflag:s8] =	ssyncset.s32 @!p0 $0xFFFFF086;
	s6 =	sadd.s32 @!p0 s3, s7;
	s7 =	simm.s32 @!p0 $0x108  }
0x21: {  	s3 =	sadd.s32 s3, s9;
	s6 =	sadd.s32 @!p0 $0x88, s6;
	s7 =	simm.s32 @p2 $0x1082  }
0x22: {  	[simem:s7], [sflag:s8] =	dma.local @!p0 [hbm:s6], $0xF7A  }
0x23: {  	s9 =	sor.u32 $0xD0000000, s2;
	s6 =	simm.s32 $0x108;
	_ =	swait.ge @!p0 [sflag:s8], $0x0  }
0x24: {  	s3 =	sadd.s32 $0x88, s3;
	s6 =	simm.s32 @!p1 $0x1082;
	[sflag:s4] =	ssyncset.s32 $0xFFFFF086  }
0x25: {  	[simem:s6], [sflag:s4] =	dma.local [hbm:s3], $0xF7A  }
0x26: {  	[smem:$0x3F84] =	sst s1;
	(tag) =	ssettag s2;
	_ =	strace s9  }
0x27: {  	s1 =	sld [smem:$0x3F94]  }
0x28: {  	s2 =	sld [smem:$0x3F95]  }
0x29: {  	s4 =	sld [smem:$0x3F97]  }
0x2a: {  	p0 =	seq.s32 s5, $0x0;
	s5 =	sld [smem:$0x3F98]  }
0x2b: {  	s6 =	sld [smem:$0x3F99]  }
0x2c: {  	s7 =	sld [smem:$0x3F9A]  }
0x2d: {  	s3 =	simm.s32 $0x108;
	s8 =	sld [smem:$0x3F9B]  }
0x2e: {  	s3 =	simm.s32 @!p0 $0x1082;
	s9 =	sld [smem:$0x3F9C]  }
0x2f: {  	lr =	sadd.s32 s0, s3;
	s0 =	sld [smem:$0x3F93]  }
0x30: {  	s3 =	sld [smem:$0x3F96]  }
0x31: {  	[smem:$0x3F9F] =	sst s10  }
0x32: {  	s10 =	sld [smem:$0x3F9D];
	_ =	sdelay $0x3  }
0x33: {  	p0 =	seq.s32 s10, $0x1;
	s10 =	sld [smem:$0x3F9F];
	_ =	sdelay $0x3  }
0x34: {  	[smem:$0x3F9F] =	sst s10  }
0x35: {  	s10 =	sld [smem:$0x3F9E];
	_ =	sdelay $0x3  }
0x36: {  	p1 =	seq.s32 s10, $0x1;
	s10 =	sld [smem:$0x3F9F];
	_ =	sdelay $0x3  }
0x37: {  	[smem:$0x3F9F] =	sst s10  }
0x38: {  	s10 =	sld [smem:$0x3FA0]  }
0x39: {  	_ = 	snop;
	(pc) =	sbr.ind lr, $3  }
0x3a: {  	_ = 	snop  }
0x3b: {  	_ = 	snop  }
0x3c: {  	p2 =	seq.s32 s10, $0x1;
	s10 =	sld [smem:$0x3F9F]  }
0x3d: {  	_ =	shalt  }
0x3e: {  	_ =	shalt  }
0x3f: {  	_ =	shalt  }
0x40: {  	_ =	shalt  }
0x41: {  	_ =	shalt  }
0x42: {  	_ =	shalt  }
0x43: {  	_ =	shalt  }
0x44: {  	_ =	shalt  }
0x45: {  	_ =	shalt  }
0x46: {  	_ =	shalt  }
0x47: {  	_ =	shalt  }
0x48: {  	_ =	shalt  }
0x49: {  	_ =	shalt  }
0x4a: {  	_ =	shalt  }
0x4b: {  	_ =	shalt  }
0x4c: {  	_ =	shalt  }
0x4d: {  	_ =	shalt  }
0x4e: {  	_ =	shalt  }
0x4f: {  	_ =	shalt  }
0x50: {  	_ =	shalt  }
0x51: {  	_ =	shalt  }
0x52: {  	_ =	shalt  }
0x53: {  	_ =	shalt  }
0x54: {  	_ =	shalt  }
0x55: {  	_ =	shalt  }
0x56: {  	_ =	shalt  }
0x57: {  	_ =	shalt  }
0x58: {  	_ =	shalt  }
0x59: {  	_ =	shalt  }
0x5a: {  	_ =	shalt  }
0x5b: {  	_ =	shalt  }
0x5c: {  	_ =	shalt  }
0x5d: {  	_ =	shalt  }
0x5e: {  	_ =	shalt  }
0x5f: {  	_ =	shalt  }
0x60: {  	_ =	shalt  }
0x61: {  	_ =	shalt  }
0x62: {  	_ =	shalt  }
0x63: {  	_ =	shalt  }
0x64: {  	_ =	shalt  }
0x65: {  	_ =	shalt  }
0x66: {  	_ =	shalt  }
0x67: {  	_ =	shalt  }
0x68: {  	_ =	shalt  }
0x69: {  	_ =	shalt  }
0x6a: {  	_ =	shalt  }
0x6b: {  	_ =	shalt  }
0x6c: {  	_ =	shalt  }
0x6d: {  	_ =	shalt  }
0x6e: {  	_ =	shalt  }
0x6f: {  	_ =	shalt  }
0x70: {  	_ =	shalt  }
0x71: {  	_ =	shalt  }
0x72: {  	_ =	shalt  }
0x73: {  	_ =	shalt  }
0x74: {  	_ =	shalt  }
0x75: {  	_ =	shalt  }
0x76: {  	_ =	shalt  }
0x77: {  	_ =	shalt  }
0x78: {  	_ =	shalt  }
0x79: {  	_ =	shalt  }
0x7a: {  	_ =	shalt  }
0x7b: {  	_ =	shalt  }
0x7c: {  	_ =	shalt  }
0x7d: {  	_ =	shalt  }
0x7e: {  	_ =	shalt  }
0x7f: {  	_ =	shalt  }
0x80: {  	_ =	shalt  }
0x81: {  	_ =	shalt  }
0x82: {  	_ =	shalt  }
0x83: {  	_ =	shalt  }
0x84: {  	_ =	shalt  }
0x85: {  	_ =	shalt  }
0x86: {  	_ =	shalt  }
0x87: {  	_ =	shalt  }
.Lfunc_end0:
.L_simem_size_0:
called_computation_lowered:
.L_overlay_start_0:
0x88: {  	s2 =	sld [smem:$0x3FD9]  }
0x89: {  	s3 =	sld [smem:$0x3FFE];
	_ =	sdelay $0x1  }
0x8a: {  	s1 =	srdreg.scid  }
0x8b: {  	s0 =	sand.u32 $0x1, s1  }
0x8c: {  	s17 =	sshll.u32 s0, $0xA;
	s2 =	sadd.s32 s3, s2  }
0x8d: {  	s2 =	sadd.s32 s2, s17  }
0x8e: {  	[smem:$0x3FAB] =	sst s2  }
0x8f: {  	_ = 	snop  }
0x90: {  	s18 =	sld [smem:$0x3FC9];
	(tm) =	ssettm $0x1  }
0x91: {  	s19 =	sld [smem:$0x3FFB];
	_ =	sdelay $0x3  }
0x92: {  	_ =	strace s19  }
0x93: {  	s2 =	sld [smem:$0x3FFC];
	_ =	sdelay $0x3  }
0x94: {  	_ =	strace s2  }
0x95: {  	s2 =	sld [smem:$0x3FFD];
	_ =	sdelay $0x3  }
0x96: {  	_ =	strace s2  }
0x97: {  	_ =	strace $0x8FFFFFFF  }
0x98: {  	s20 =	sld [smem:$0x3FDB];
	_ =	sdelay $0x1  }
0x99: {  	s4 =	simm.s32 $_scs_section_size  }
0x9a: {  	s5 =	simm.s32 $_size__tile_overlayer_lowered;
	s6 =	simm.s32 $_tile_overlayer_lowered  }
0x9b: {  	s7 =	simm.s32 $0x1BFF;
	s21 =	sshll.u32 s6, $0x1;
	s4 =	sadd.s32 s4, s20  }
0x9c: {  	s22 =	simm.s32 $0x0;
	s5 =	sshll.u32 s5, $0x1;
	s6 =	sadd.s32 s21, s4  }
0x9d: {  	[timem:s22], [sflag:s7] =	dma.local [hbm:s6], s5  }
0x9e: {  	_ =	swait.ge [sflag:s7], s5  }
0x9f: {  	s5 =	ssub.s32 $0x0, s5;
	[sflag:s7] =	ssyncset.done $0x0  }
0xa0: {  	[sflag:s7] =	ssyncadd.s32 s5;
	_ =	sdelay $0x1  }
0xa1: {  	s23 =	simm.s32 $0x1B8B  }
0xa2: {  	_ =	swait.ge [sflag:s23], $0x1  }
0xa3: {  	[sflag:s23] =	ssyncset.done $0x0  }
0xa4: {  	[sflag:s23] =	ssyncadd.s32 $0xFFFFFFFF  }
0xa5: {  	s5 =	sld [smem:$0x0]  }
0xa6: {  	s6 =	sand.u32 $0xFFFFFFFE, s1  }
0xa7: {  	p0 =	sne.s32 s1, s6  }
0xa8: {  	s6 =	sshll.u32 @p0 s6, $0xE  }
0xa9: {  	s6 =	sadd.s32 @p0 $0x11B8D, s6;
	s7 =	sshll.u32 @p0 s5, $0x11  }
0xaa: {  	s6 =	sor.u32 @p0 s7, s6  }
0xab: {  	[sflag:s6] =	ssyncadd.remote.s32 @p0 $0x1;
	_ =	sdelay $0x1  }
0xac: {  	s6 =	simm.s32 @p0 $0x1B8D  }
0xad: {  	_ =	swait.eq @p0 [sflag:s6], $0x1  }
0xae: {  	[sflag:s6] =	ssyncadd.s32 @p0 $0xFFFFFFFF  }
0xaf: {  	s7 =	sshll.u32 @!p0 s1, $0xE  }
0xb0: {  	s7 =	sor.u32 @!p0 $0x4000, s7;
	s6 =	simm.s32 @!p0 $0x1B8D  }
0xb1: {  	s5 =	sshll.u32 @!p0 s5, $0x11;
	s7 =	sadd.s32 @!p0 $0x11B8D, s7;
	_ =	swait.eq @!p0 [sflag:s6], $0x1  }
0xb2: {  	s5 =	sor.u32 @!p0 s5, s7;
	[sflag:s6] =	ssyncadd.s32 @!p0 $0xFFFFFFFF  }
0xb3: {  	s25 =	simm.s32 $0x1B8E;
	s24 =	sld [smem:$0x3FFE];
	[sflag:s5] =	ssyncadd.remote.s32 @!p0 $0x1  }
0xb4: {  	s26 =	simm.s32 $execute0_lowered;
	[smem:$0x3FD2] =	sst s25  }
0xb5: {  	s6 =	sshll.u32 s26, $0x1;
	_ =	strace $0x80000049;
	[dreg:$0x1] =	wrdreg $0xFFFFFFFF  }
0xb6: {  	s28 =	simm.s32 $_size_execute0_lowered;
	s4 =	sadd.s32 s4, s6;
	[dreg:$0x0] =	wrdreg $0x0  }
0xb7: {  	s6 =	sshll.u32 s28, $0x1;
	[dreg:$0x2] =	wrdreg s4  }
0xb8: {  	[dreg:$0x3] =	wrdreg s6  }
0xb9: {  	[dreg:$0x4] =	wrdreg $0xC0  }
0xba: {  	_ =	task [dreg:s22], $0x5FFFF  }
0xbb: {  	[dreg:$0x1] =	wrdreg $0xFFFFFFFF  }
0xbc: {  	[dreg:$0x0] =	wrdreg $0x60  }
0xbd: {  	[dreg:$0x2] =	wrdreg s18  }
0xbe: {  	[dreg:$0x3] =	wrdreg s24  }
0xbf: {  	[dreg:$0x4] =	wrdreg $0x8F000  }
0xc0: {  	[dreg:$0x5] =	wrdreg $0x9  }
0xc1: {  	_ =	task.clear_ibuf [dreg:s22], $0x6FFFF;
	_ =	strace $0x90000049  }
0xc2: {  	s29 =	simm.s32 $0x9;
	_ =	strace $0x8000004B  }
0xc3: {  	_ =	swait.ge [sflag:s29], $0x1  }
0xc4: {  	[sflag:s29] =	ssyncadd.s32 $0xFFFFFFFF  }
0xc5: {  	_ =	strace $0x9000004B  }
0xc6: {  	_ =	sfence  }
0xc7: {  	s30 =	sld [smem:$0x0];
	_ =	sdelay $0x2  }
0xc8: {  	s31 =	sshll.u32 s1, $0xD;
	s1 =	sshrl.u32 s1, $0x2  }
0xc9: {  	s4 =	sand.u32 $0x4000, s31;
	s1 =	sadd.s32 s1, s30  }
0xca: {  	s0 =	sor.u32 s4, s0;
	s1 =	sshll.u32 s1, $0x11  }
0xcb: {  	s0 =	sor.u32 s1, s0  }
0xcc: {  	s0 =	sadd.s32 $0x8F2B, s0  }
0xcd: {  	[sflag:s0] =	ssyncadd.remote.s32 $0x1  }
0xce: {  	_ =	sfence.sel $0xFFFF  }
0xcf: {  	[dreg:$0x0] =	wrdreg $0xFFFFFFFF;
	(pc) =	sbr.abs _section_cstart, $3  }
0xd0: {  	[dreg:$0x1] =	wrdreg $0xFFFFFFFF  }
0xd1: {  	_ =	task.clear_ibuf [dreg:s22], $0x2FFFF;
	_ =	strace $0x9FFFFFFF  }
0xd2: {  	(tm) =	ssettm $0x7FFFFFFF  }
0xd3: {  	_ =	shalt  }
tec
execute0_lowered:
.L_overlay_start_1:
0x0: {  	(tag) =	ssettag $0x1  }
0x1: {  	s1 =	rddreg [dreg:$0x0]  }
0x2: {  	s5 =	rddreg [dreg:$0x1]  }
0x3: {  	s0 =	srdreg.scid;
	s3 =	rddreg [dreg:$0x2]  }
0x4: {  	s2 =	rddreg [dreg:$0x3];
	s4 =	simm.s32 $0x0;
	s6 =	sand.u32 $0x1, s0  }
0x5: {  	s14 =	simm.s32 $0x80;
	s0 =	stileid.u32;
	s7 =	smul.u32 $0x27800, s6  }
0x6: {  	s15 =	simm.s32 $0x4F00;
	s16 =	simm.s32 $0x1;
	s8 =	smul.u32 $0x2780, s0  }
0x7: {  	s17 =	simm.s32 $0x0;
	[smem:$0x7FF] =	sst s4;
	s9 =	smul.u32 $0x13C00, s0  }
0x8: {  	s28 =	smul.u32 $0x13C000, s6;
	_ =	strace $0x8000004A;
	s6 =	ssub.s32 $0x2, s6  }
0x9: {  	s31 =	sshll.u32 s0, $0x6;
	s11 =	sshrl.u32 s6, $0x1;
	s7 =	sadd.s32 s8, s7  }
0xa: {  	s29 =	sadd.s32 s9, s28;
	s30 =	sshrl.u32 s9, $0x3;
	s11 =	ssub.s32 s6, s11  }
0xb: {  	s13 =	sadd.s32 s9, s3;
	s6 =	sor.u32 $0x1C02, s31;
	s7 =	sshrl.u32 s7, $0x3  }
0xc: {  	s8 =	sadd.s32 s30, s5;
	s10 =	sadd.s32 s7, s5;
	s7 =	sshrl.u32 s29, $0x3  }
0xd: {  	s12 =	sadd.s32 s7, s5;
	s5 =	sadd.s32 $0x22600, s8;
	s7 =	sadd.s32 $0x98E00, s10  }
0xe: {  	s8 =	sadd.s32 $0x18800, s10;
	s10 =	smax.u32 s11, $0x1;
	s11 =	sshrl.u32 s13, $0x3  }
0xf: {  	s13 =	simm.s32 $0x2780;
	s9 =	sadd.s32 $0xA2C00, s12;
	s12 =	simm.s32 $0x2  }
.LBB2_1:
0x10: {  	[spmem:s11], [sflag:s6] =	dma.local [hbm:s5], $0x2780  }
0x11: {  	_ =	swait.ge [sflag:s12], $0x2780  }
0x12: {  	[sflag:s12] =	ssyncset.done $0x0  }
0x13: {  	[sflag:s12] =	ssyncadd.s32 $0xFFFFD880  }
0x14: {  	[tilespmem:s4], [sflag:$0x2] =	stream.linear.gather [hbm4b:s7+s4], $0x2780, $0x38;
	[tilespmem:$0x1CB00] =	vst v63  }
0x15: {  	_ =	swait.ge [sflag:s12], $0x2780  }
0x16: {  	[sflag:s12] =	ssyncset.done $0x0  }
0x17: {  	[sflag:s12] =	ssyncadd.s32 $0xFFFFD880  }
0x18: {  	[tilespmem:s13], [sflag:$0x2] =	stream.linear.gather [hbm4b:s8+s4], $0x2780, $0x38;
	[tilespmem:$0x1CB00] =	vst v63  }
0x19: {  	_ =	swait.ge [sflag:s12], $0x2780  }
0x1a: {  	[sflag:s12] =	ssyncset.done $0x0  }
0x1b: {  	[sflag:s12] =	ssyncadd.s32 $0xFFFFD880  }
0x1c: {  	s18 =	simm.s32 $0x0;
	[bflag:$0x0] =	sbarrier.arrive $0xFFFF  }
0x1d: {  	[tilespmem:s15], [sflag:$0x1] =	stream.indirect.gather [hbm4b:s1+s14], $0x80, s18, s14, $0xb8;
	[tilespmem:$0x1CB00] =	vst v63  }
0x1e: {  	_ =	swait.ge [sflag:s16], $0x4000  }
0x1f: {  	[sflag:s16] =	ssyncset.done $0x0  }
0x20: {  	s31 =	simm.s32 $0x2780;
	[sflag:s16] =	ssyncadd.s32 $0xFFFFC000  }
0x21: {  	[spmem:s3] =	stream.indirect.scatter.add.f32 [tilespmem:s15], [sflag:$0x2], $0x80, s31, s14, $0xb8;
	[tilespmem:$0x1CB00] =	vst v63  }
0x22: {  	_ =	swait.ge [sflag:s12], $0x4000  }
0x23: {  	s19 =	simm.s32 $0x400;
	s18 =	simm.s32 $0x200;
	[sflag:s12] =	ssyncset.done $0x0  }
.LBB2_2:
0x24: {  	s20 =	sshra.s32 s18, $0x2  }
0x25: {  	[sflag:s12] =	ssyncadd.s32 $0xFFFFC000;
	s18 =	smov.u32 s19;
	s21 =	sadd.s32 $0x200, s19  }
0x26: {  	[tilespmem:s15], [sflag:$0x1] =	stream.indirect.gather [hbm4b:s1+s14], $0x80, s20, s14, $0xb8;
	[tilespmem:$0x1CB00] =	vst v63  }
0x27: {  	p0 =	sne.s32 s19, $0x9C00;
	_ =	swait.ge [sflag:s16], $0x4000  }
.Ltmp0:
0x28: {  	[sflag:s16] =	ssyncset.done $0x0;
	(pc) =	sbr.rel @p0 .LBB2_2-.Ltmp0, $4  }
0x29: {  	s19 =	sadd.s32 $0x2780, s20;
	[sflag:s16] =	ssyncadd.s32 $0xFFFFC000  }
0x2a: {  	[spmem:s3] =	stream.indirect.scatter.add.f32 [tilespmem:s15], [sflag:$0x2], $0x80, s19, s14, $0xb8;
	[tilespmem:$0x1CB00] =	vst v63  }
0x2b: {  	_ =	swait.ge [sflag:s12], $0x4000  }
0x2c: {  	s19 =	smov.u32 s21;
	[sflag:s12] =	ssyncset.done $0x0  }
0x2d: {  	s18 =	sshra.s32 s18, $0x2;
	[sflag:s12] =	ssyncadd.s32 $0xFFFFC000  }
0x2e: {  	[tilespmem:s15], [sflag:$0x1] =	stream.indirect.gather [hbm4b:s1+s14], $0x80, s18, s14, $0xb8;
	[tilespmem:$0x1CB00] =	vst v63  }
0x2f: {  	_ =	swait.ge [sflag:s16], $0x4000  }
0x30: {  	[sflag:s16] =	ssyncset.done $0x0  }
0x31: {  	s18 =	sadd.s32 $0x2780, s18;
	[sflag:s16] =	ssyncadd.s32 $0xFFFFC000  }
0x32: {  	[spmem:s3] =	stream.indirect.scatter.add.f32 [tilespmem:s15], [sflag:$0x2], $0x80, s18, s14, $0xb8;
	[tilespmem:$0x1CB00] =	vst v63  }
0x33: {  	_ =	swait.ge [sflag:s12], $0x4000  }
0x34: {  	s17 =	sadd.s32 $0x1, s17;
	[sflag:s12] =	ssyncset.done $0x0  }
0x35: {  	p0 =	sne.s32 s17, s10;
	[sflag:s12] =	ssyncadd.s32 $0xFFFFC000  }
.Ltmp1:
0x36: {  	[bflag:$0x0] =	sbarrier.arrive $0xFFFF;
	(pc) =	sbr.rel @p0 .LBB2_1-.Ltmp1, $4  }
0x37: {  	[hbm:s9], [sflag:s6] =	dma.local [spmem:s11], $0x2780  }
0x38: {  	_ =	swait.ge [sflag:s12], $0x2780  }
0x39: {  	[sflag:s12] =	ssyncset.done $0x0  }
0x3a: {  	[sflag:s12] =	ssyncadd.s32 $0xFFFFD880  }
0x3b: {  	_ =	sfence.sel $0x180000  }
0x3c: {  	[bflag:$0x0] =	sbarrier.arrive $0xFFFF  }
0x3d: {  	p0 =	sne.s32 s0, $0x0;
	_ =	strace $0x9000004A  }
0x3e: {  	s0 =	sadd.s32 @!p0 $0x100000, s2;
	[bflag:$0x2] =	sbarrier.arrive $0xFFFF  }
0x3f: {  	[sflag:s0] =	ssyncadd.tile.s32 @!p0 $0x1;
	_ =	shalt  }
.Lfunc_end2:
_tile_overlayer_lowered:
.L_overlay_start_2:
0x40: {  	(tag) =	ssettag $0x2  }
0x41: {  	s0 =	rddreg [dreg:$0x0];
	s2 =	stileid.u32  }
0x42: {  	s1 =	rddreg [dreg:$0x1];
	p0 =	sne.s32 s2, $0x0  }
0x43: {  	s3 =	rddreg [dreg:$0x2];
	[bflag:$0x3] =	sbarrier.arrive $0xFFFF;
	s2 =	simm.s32 @!p0 $0x1C02  }
0x44: {  	[timem:s3], [sflag:s2] =	dma.local @!p0 [hbm:s0], s1  }
0x45: {  	s0 =	simm.s32 @!p0 $0x2  }
0x46: {  	_ =	swait.ge @!p0 [sflag:s0], s1  }
0x47: {  	s1 =	ssub.s32 @!p0 $0x0, s1;
	[sflag:s0] =	ssyncset.done @!p0 $0x0  }
0x48: {  	[sflag:s0] =	ssyncadd.s32 @!p0 s1  }
0x49: {  	[bflag:$0x3] =	sbarrier.arrive $0xFFFF  }
0x4a: {  	_ =	shalt  }

// kernel: edge_agg_128.7.cloned.1.call-start
scs
__scs_entry_jumppad:
0x0: {  	(pc) =	sbr.rel $0x88, $3  }
0x1: {  	(tag) =	ssettag $0x0;
	lr =	simm.s32 $0x1  }
0x2: {  	[smem:$0x3F84] =	sst lr;
	_ =	strace $0xD0000000  }
0x3: {  	_ = 	snop  }
0x4: {  	_ = 	snop  }
0x5: {  	_ = 	snop  }
0x6: {  	_ = 	snop  }
0x7: {  	_ = 	snop  }
__scs_overlays_trampoline_lowered:
0x8: {  	[smem:$0x3F93] =	sst s0  }
0x9: {  	[smem:$0x3F94] =	sst s1  }
0xa: {  	[smem:$0x3F95] =	sst s2  }
0xb: {  	[smem:$0x3F96] =	sst s3  }
0xc: {  	[smem:$0x3F97] =	sst s4  }
0xd: {  	[smem:$0x3F98] =	sst s5  }
0xe: {  	[smem:$0x3F99] =	sst s6  }
0xf: {  	[smem:$0x3F9A] =	sst s7  }
0x10: {  	[smem:$0x3F9B] =	sst s8  }
0x11: {  	[smem:$0x3F9C] =	sst s9;
	s0 =	simm.s32 @!p0 $0x0  }
0x12: {  	s1 =	sld [smem:$0x3F82];
	s0 =	simm.s32 @p0 $0x1  }
0x13: {  	[smem:$0x3F9D] =	sst s0;
	s0 =	simm.s32 @!p1 $0x0  }
0x14: {  	s2 =	sld [smem:$0x3F81];
	s0 =	simm.s32 @p1 $0x1  }
0x15: {  	[smem:$0x3F9E] =	sst s0;
	s0 =	simm.s32 @!p2 $0x0  }
0x16: {  	s3 =	sld [smem:$0x3FDB];
	s0 =	simm.s32 @p2 $0x1  }
0x17: {  	s4 =	simm.s32 $0x1BF5;
	[smem:$0x3FA0] =	sst s0  }
0x18: {  	s0 =	sld [smem:$0x3F83];
	_ =	swait.ge [sflag:s4], $0x0  }
0x19: {  	s7 =	sld [smem:$0x3F84]  }
0x1a: {  	s8 =	sadd.s32 $0xFFFFE003, lr  }
0x1b: {  	s9 =	sadd.s32 $0xFFFFFEF7, lr;
	s5 =	simm.s32 $0xFFFFFFFF;
	p2 =	slt.u32 s8, $0xFFFFF086  }
0x1c: {  	p1 =	slt.u32 s9, $0xF7A;
	s5 =	simm.s32 @!p2 $0x0  }
0x1d: {  	s5 =	simm.s32 @p1 $0x1;
	p0 =	seq.s32 s7, s2  }
0x1e: {  	s7 =	smul.u32 @!p0 $0xF7A, s2;
	p2 =	seq.s32 @!p0 s5, $0x0  }
0x1f: {  	s9 =	smul.u32 $0xF7A, s1;
	s8 =	simm.s32 @!p0 $0x1BF5;
	p2 =	por !p2, p0  }
0x20: {  	[sflag:s8] =	ssyncset.s32 @!p0 $0xFFFFF086;
	s6 =	sadd.s32 @!p0 s3, s7;
	s7 =	simm.s32 @!p0 $0x108  }
0x21: {  	s3 =	sadd.s32 s3, s9;
	s6 =	sadd.s32 @!p0 $0x88, s6;
	s7 =	simm.s32 @p2 $0x1082  }
0x22: {  	[simem:s7], [sflag:s8] =	dma.local @!p0 [hbm:s6], $0xF7A  }
0x23: {  	s9 =	sor.u32 $0xD0000000, s2;
	s6 =	simm.s32 $0x108;
	_ =	swait.ge @!p0 [sflag:s8], $0x0  }
0x24: {  	s3 =	sadd.s32 $0x88, s3;
	s6 =	simm.s32 @!p1 $0x1082;
	[sflag:s4] =	ssyncset.s32 $0xFFFFF086  }
0x25: {  	[simem:s6], [sflag:s4] =	dma.local [hbm:s3], $0xF7A  }
0x26: {  	[smem:$0x3F84] =	sst s1;
	(tag) =	ssettag s2;
	_ =	strace s9  }
0x27: {  	s1 =	sld [smem:$0x3F94]  }
0x28: {  	s2 =	sld [smem:$0x3F95]  }
0x29: {  	s4 =	sld [smem:$0x3F97]  }
0x2a: {  	p0 =	seq.s32 s5, $0x0;
	s5 =	sld [smem:$0x3F98]  }
0x2b: {  	s6 =	sld [smem:$0x3F99]  }
0x2c: {  	s7 =	sld [smem:$0x3F9A]  }
0x2d: {  	s3 =	simm.s32 $0x108;
	s8 =	sld [smem:$0x3F9B]  }
0x2e: {  	s3 =	simm.s32 @!p0 $0x1082;
	s9 =	sld [smem:$0x3F9C]  }
0x2f: {  	lr =	sadd.s32 s0, s3;
	s0 =	sld [smem:$0x3F93]  }
0x30: {  	s3 =	sld [smem:$0x3F96]  }
0x31: {  	[smem:$0x3F9F] =	sst s10  }
0x32: {  	s10 =	sld [smem:$0x3F9D];
	_ =	sdelay $0x3  }
0x33: {  	p0 =	seq.s32 s10, $0x1;
	s10 =	sld [smem:$0x3F9F];
	_ =	sdelay $0x3  }
0x34: {  	[smem:$0x3F9F] =	sst s10  }
0x35: {  	s10 =	sld [smem:$0x3F9E];
	_ =	sdelay $0x3  }
0x36: {  	p1 =	seq.s32 s10, $0x1;
	s10 =	sld [smem:$0x3F9F];
	_ =	sdelay $0x3  }
0x37: {  	[smem:$0x3F9F] =	sst s10  }
0x38: {  	s10 =	sld [smem:$0x3FA0]  }
0x39: {  	_ = 	snop;
	(pc) =	sbr.ind lr, $3  }
0x3a: {  	_ = 	snop  }
0x3b: {  	_ = 	snop  }
0x3c: {  	p2 =	seq.s32 s10, $0x1;
	s10 =	sld [smem:$0x3F9F]  }
0x3d: {  	_ =	shalt  }
0x3e: {  	_ =	shalt  }
0x3f: {  	_ =	shalt  }
0x40: {  	_ =	shalt  }
0x41: {  	_ =	shalt  }
0x42: {  	_ =	shalt  }
0x43: {  	_ =	shalt  }
0x44: {  	_ =	shalt  }
0x45: {  	_ =	shalt  }
0x46: {  	_ =	shalt  }
0x47: {  	_ =	shalt  }
0x48: {  	_ =	shalt  }
0x49: {  	_ =	shalt  }
0x4a: {  	_ =	shalt  }
0x4b: {  	_ =	shalt  }
0x4c: {  	_ =	shalt  }
0x4d: {  	_ =	shalt  }
0x4e: {  	_ =	shalt  }
0x4f: {  	_ =	shalt  }
0x50: {  	_ =	shalt  }
0x51: {  	_ =	shalt  }
0x52: {  	_ =	shalt  }
0x53: {  	_ =	shalt  }
0x54: {  	_ =	shalt  }
0x55: {  	_ =	shalt  }
0x56: {  	_ =	shalt  }
0x57: {  	_ =	shalt  }
0x58: {  	_ =	shalt  }
0x59: {  	_ =	shalt  }
0x5a: {  	_ =	shalt  }
0x5b: {  	_ =	shalt  }
0x5c: {  	_ =	shalt  }
0x5d: {  	_ =	shalt  }
0x5e: {  	_ =	shalt  }
0x5f: {  	_ =	shalt  }
0x60: {  	_ =	shalt  }
0x61: {  	_ =	shalt  }
0x62: {  	_ =	shalt  }
0x63: {  	_ =	shalt  }
0x64: {  	_ =	shalt  }
0x65: {  	_ =	shalt  }
0x66: {  	_ =	shalt  }
0x67: {  	_ =	shalt  }
0x68: {  	_ =	shalt  }
0x69: {  	_ =	shalt  }
0x6a: {  	_ =	shalt  }
0x6b: {  	_ =	shalt  }
0x6c: {  	_ =	shalt  }
0x6d: {  	_ =	shalt  }
0x6e: {  	_ =	shalt  }
0x6f: {  	_ =	shalt  }
0x70: {  	_ =	shalt  }
0x71: {  	_ =	shalt  }
0x72: {  	_ =	shalt  }
0x73: {  	_ =	shalt  }
0x74: {  	_ =	shalt  }
0x75: {  	_ =	shalt  }
0x76: {  	_ =	shalt  }
0x77: {  	_ =	shalt  }
0x78: {  	_ =	shalt  }
0x79: {  	_ =	shalt  }
0x7a: {  	_ =	shalt  }
0x7b: {  	_ =	shalt  }
0x7c: {  	_ =	shalt  }
0x7d: {  	_ =	shalt  }
0x7e: {  	_ =	shalt  }
0x7f: {  	_ =	shalt  }
0x80: {  	_ =	shalt  }
0x81: {  	_ =	shalt  }
0x82: {  	_ =	shalt  }
0x83: {  	_ =	shalt  }
0x84: {  	_ =	shalt  }
0x85: {  	_ =	shalt  }
0x86: {  	_ =	shalt  }
0x87: {  	_ =	shalt  }
.Lfunc_end0:
.L_simem_size_0:
called_computation.1_lowered:
.L_overlay_start_0:
0x88: {  	s2 =	sld [smem:$0x3FD9]  }
0x89: {  	s3 =	sld [smem:$0x3FFE];
	_ =	sdelay $0x1  }
0x8a: {  	s1 =	srdreg.scid  }
0x8b: {  	s0 =	sand.u32 $0x1, s1  }
0x8c: {  	s17 =	sshll.u32 s0, $0xA;
	s2 =	sadd.s32 s3, s2  }
0x8d: {  	s2 =	sadd.s32 s2, s17  }
0x8e: {  	[smem:$0x3FAB] =	sst s2  }
0x8f: {  	_ = 	snop  }
0x90: {  	s2 =	sld [smem:$0x3FC6];
	(tm) =	ssettm $0x1  }
0x91: {  	s18 =	sld [smem:$0x3FFB];
	_ =	sdelay $0x3  }
0x92: {  	_ =	strace s18  }
0x93: {  	s3 =	sld [smem:$0x3FFC];
	_ =	sdelay $0x3  }
0x94: {  	_ =	strace s3  }
0x95: {  	s3 =	sld [smem:$0x3FFD];
	_ =	sdelay $0x3  }
0x96: {  	_ =	strace s3  }
0x97: {  	_ =	strace $0x8FFFFFFF  }
0x98: {  	s19 =	sld [smem:$0x3FDB];
	_ =	sdelay $0x1  }
0x99: {  	s4 =	simm.s32 $_scs_section_size  }
0x9a: {  	s5 =	simm.s32 $_size__tile_overlayer_lowered;
	s6 =	simm.s32 $_tile_overlayer_lowered  }
0x9b: {  	s22 =	simm.s32 $0x1BFF;
	s21 =	sshll.u32 s6, $0x1;
	s3 =	sadd.s32 s4, s19  }
0x9c: {  	s7 =	simm.s32 $0x0;
	s20 =	sshll.u32 s5, $0x1;
	s5 =	sadd.s32 s21, s3  }
0x9d: {  	[timem:s7], [sflag:s22] =	dma.local [hbm:s5], s20  }
0x9e: {  	_ =	swait.ge [sflag:s22], s20  }
0x9f: {  	s4 =	ssub.s32 $0x0, s20;
	[sflag:s22] =	ssyncset.done $0x0  }
0xa0: {  	[sflag:s22] =	ssyncadd.s32 s4;
	_ =	sdelay $0x1  }
0xa1: {  	s23 =	simm.s32 $0x1B8B  }
0xa2: {  	_ =	swait.ge [sflag:s23], $0x1  }
0xa3: {  	[sflag:s23] =	ssyncset.done $0x0  }
0xa4: {  	s25 =	simm.s32 $0x1B8E;
	s24 =	sld [smem:$0x3FFE];
	[sflag:s23] =	ssyncadd.s32 $0xFFFFFFFF  }
0xa5: {  	s26 =	simm.s32 $execute0_lowered;
	[smem:$0x3FD2] =	sst s25  }
0xa6: {  	s5 =	sshll.u32 s26, $0x1;
	_ =	strace $0x80000046;
	[dreg:$0x1] =	wrdreg $0xFFFFFFFF  }
0xa7: {  	s28 =	simm.s32 $_size_execute0_lowered;
	s3 =	sadd.s32 s3, s5;
	[dreg:$0x0] =	wrdreg $0x0  }
0xa8: {  	s5 =	sshll.u32 s28, $0x1;
	[dreg:$0x2] =	wrdreg s3  }
0xa9: {  	[dreg:$0x3] =	wrdreg s5  }
0xaa: {  	[dreg:$0x4] =	wrdreg $0xC0  }
0xab: {  	_ =	task [dreg:s7], $0x5FFFF  }
0xac: {  	[dreg:$0x1] =	wrdreg $0xFFFFFFFF  }
0xad: {  	[dreg:$0x0] =	wrdreg $0x60  }
0xae: {  	[dreg:$0x2] =	wrdreg s2  }
0xaf: {  	[dreg:$0x3] =	wrdreg s24  }
0xb0: {  	[dreg:$0x4] =	wrdreg $0x8F000  }
0xb1: {  	[dreg:$0x5] =	wrdreg $0xA  }
0xb2: {  	_ =	task.clear_ibuf [dreg:s7], $0x6FFFF;
	_ =	strace $0x90000046  }
0xb3: {  	s29 =	simm.s32 $0xA;
	_ =	strace $0x80000048  }
0xb4: {  	_ =	swait.ge [sflag:s29], $0x1  }
0xb5: {  	[sflag:s29] =	ssyncadd.s32 $0xFFFFFFFF  }
0xb6: {  	_ =	strace $0x90000048  }
0xb7: {  	_ =	sfence  }
0xb8: {  	s30 =	sld [smem:$0x0];
	_ =	sdelay $0x2  }
0xb9: {  	s31 =	sshll.u32 s1, $0xD;
	s1 =	sshrl.u32 s1, $0x2  }
0xba: {  	s3 =	sand.u32 $0x4000, s31;
	s1 =	sadd.s32 s1, s30  }
0xbb: {  	s0 =	sor.u32 s3, s0;
	s1 =	sshll.u32 s1, $0x11  }
0xbc: {  	s0 =	sor.u32 s1, s0  }
0xbd: {  	s0 =	sadd.s32 $0x8F2B, s0  }
0xbe: {  	[sflag:s0] =	ssyncadd.remote.s32 $0x1  }
0xbf: {  	_ =	sfence.sel $0xFFFF  }
0xc0: {  	[dreg:$0x0] =	wrdreg $0xFFFFFFFF;
	(pc) =	sbr.abs _section_cstart, $3  }
0xc1: {  	[dreg:$0x1] =	wrdreg $0xFFFFFFFF  }
0xc2: {  	_ =	task.clear_ibuf [dreg:s7], $0x2FFFF;
	_ =	strace $0x9FFFFFFF  }
0xc3: {  	(tm) =	ssettm $0x7FFFFFFF  }
tec
execute0_lowered:
.L_overlay_start_1:
0x0: {  	(tag) =	ssettag $0x1  }
0x1: {  	s1 =	rddreg [dreg:$0x0]  }
0x2: {  	s5 =	rddreg [dreg:$0x1]  }
0x3: {  	s0 =	srdreg.scid;
	s3 =	rddreg [dreg:$0x2]  }
0x4: {  	s2 =	rddreg [dreg:$0x3];
	s4 =	simm.s32 $0x0;
	s6 =	sand.u32 $0x1, s0  }
0x5: {  	s14 =	simm.s32 $0x80;
	s0 =	stileid.u32;
	s7 =	smul.u32 $0x27800, s6  }
0x6: {  	s15 =	simm.s32 $0x4F00;
	s16 =	simm.s32 $0x1;
	s8 =	smul.u32 $0x2780, s0  }
0x7: {  	s17 =	simm.s32 $0x0;
	[smem:$0x7FF] =	sst s4;
	s9 =	smul.u32 $0x13C00, s0  }
0x8: {  	s28 =	smul.u32 $0x13C000, s6;
	_ =	strace $0x80000047;
	s6 =	ssub.s32 $0x2, s6  }
0x9: {  	s31 =	sshll.u32 s0, $0x6;
	s11 =	sshrl.u32 s6, $0x1;
	s7 =	sadd.s32 s8, s7  }
0xa: {  	s29 =	sadd.s32 s9, s28;
	s30 =	sshrl.u32 s9, $0x3;
	s11 =	ssub.s32 s6, s11  }
0xb: {  	s13 =	sadd.s32 s9, s3;
	s6 =	sor.u32 $0x1C02, s31;
	s7 =	sshrl.u32 s7, $0x3  }
0xc: {  	s8 =	sadd.s32 s30, s5;
	s10 =	sadd.s32 s7, s5;
	s7 =	sshrl.u32 s29, $0x3  }
0xd: {  	s12 =	sadd.s32 s7, s5;
	s5 =	sadd.s32 $0x22600, s8;
	s7 =	sadd.s32 $0x4C00, s10  }
0xe: {  	s8 =	sadd.s32 $0xEA00, s10;
	s10 =	smax.u32 s11, $0x1;
	s11 =	sshrl.u32 s13, $0x3  }
0xf: {  	s13 =	simm.s32 $0x2780;
	s9 =	sadd.s32 $0x49E00, s12;
	s12 =	simm.s32 $0x2  }
.LBB2_1:
0x10: {  	[spmem:s11], [sflag:s6] =	dma.local [hbm:s5], $0x2780  }
0x11: {  	_ =	swait.ge [sflag:s12], $0x2780  }
0x12: {  	[sflag:s12] =	ssyncset.done $0x0  }
0x13: {  	[sflag:s12] =	ssyncadd.s32 $0xFFFFD880  }
0x14: {  	[tilespmem:s4], [sflag:$0x2] =	stream.linear.gather [hbm4b:s7+s4], $0x2780, $0x38;
	[tilespmem:$0x1CB00] =	vst v63  }
0x15: {  	_ =	swait.ge [sflag:s12], $0x2780  }
0x16: {  	[sflag:s12] =	ssyncset.done $0x0  }
0x17: {  	[sflag:s12] =	ssyncadd.s32 $0xFFFFD880  }
0x18: {  	[tilespmem:s13], [sflag:$0x2] =	stream.linear.gather [hbm4b:s8+s4], $0x2780, $0x38;
	[tilespmem:$0x1CB00] =	vst v63  }
0x19: {  	_ =	swait.ge [sflag:s12], $0x2780  }
0x1a: {  	[sflag:s12] =	ssyncset.done $0x0  }
0x1b: {  	[sflag:s12] =	ssyncadd.s32 $0xFFFFD880  }
0x1c: {  	s18 =	simm.s32 $0x0;
	[bflag:$0x0] =	sbarrier.arrive $0xFFFF  }
0x1d: {  	[tilespmem:s15], [sflag:$0x1] =	stream.indirect.gather [hbm4b:s1+s14], $0x80, s18, s14, $0xb8;
	[tilespmem:$0x1CB00] =	vst v63  }
0x1e: {  	_ =	swait.ge [sflag:s16], $0x4000  }
0x1f: {  	[sflag:s16] =	ssyncset.done $0x0  }
0x20: {  	s31 =	simm.s32 $0x2780;
	[sflag:s16] =	ssyncadd.s32 $0xFFFFC000  }
0x21: {  	[spmem:s3] =	stream.indirect.scatter.add.f32 [tilespmem:s15], [sflag:$0x2], $0x80, s31, s14, $0xb8;
	[tilespmem:$0x1CB00] =	vst v63  }
0x22: {  	_ =	swait.ge [sflag:s12], $0x4000  }
0x23: {  	s19 =	simm.s32 $0x400;
	s18 =	simm.s32 $0x200;
	[sflag:s12] =	ssyncset.done $0x0  }
.LBB2_2:
0x24: {  	s20 =	sshra.s32 s18, $0x2  }
0x25: {  	[sflag:s12] =	ssyncadd.s32 $0xFFFFC000;
	s18 =	smov.u32 s19;
	s21 =	sadd.s32 $0x200, s19  }
0x26: {  	[tilespmem:s15], [sflag:$0x1] =	stream.indirect.gather [hbm4b:s1+s14], $0x80, s20, s14, $0xb8;
	[tilespmem:$0x1CB00] =	vst v63  }
0x27: {  	p0 =	sne.s32 s19, $0x9C00;
	_ =	swait.ge [sflag:s16], $0x4000  }
.Ltmp0:
0x28: {  	[sflag:s16] =	ssyncset.done $0x0;
	(pc) =	sbr.rel @p0 .LBB2_2-.Ltmp0, $4  }
0x29: {  	s19 =	sadd.s32 $0x2780, s20;
	[sflag:s16] =	ssyncadd.s32 $0xFFFFC000  }
0x2a: {  	[spmem:s3] =	stream.indirect.scatter.add.f32 [tilespmem:s15], [sflag:$0x2], $0x80, s19, s14, $0xb8;
	[tilespmem:$0x1CB00] =	vst v63  }
0x2b: {  	_ =	swait.ge [sflag:s12], $0x4000  }
0x2c: {  	s19 =	smov.u32 s21;
	[sflag:s12] =	ssyncset.done $0x0  }
0x2d: {  	s18 =	sshra.s32 s18, $0x2;
	[sflag:s12] =	ssyncadd.s32 $0xFFFFC000  }
0x2e: {  	[tilespmem:s15], [sflag:$0x1] =	stream.indirect.gather [hbm4b:s1+s14], $0x80, s18, s14, $0xb8;
	[tilespmem:$0x1CB00] =	vst v63  }
0x2f: {  	_ =	swait.ge [sflag:s16], $0x4000  }
0x30: {  	[sflag:s16] =	ssyncset.done $0x0  }
0x31: {  	s18 =	sadd.s32 $0x2780, s18;
	[sflag:s16] =	ssyncadd.s32 $0xFFFFC000  }
0x32: {  	[spmem:s3] =	stream.indirect.scatter.add.f32 [tilespmem:s15], [sflag:$0x2], $0x80, s18, s14, $0xb8;
	[tilespmem:$0x1CB00] =	vst v63  }
0x33: {  	_ =	swait.ge [sflag:s12], $0x4000  }
0x34: {  	s17 =	sadd.s32 $0x1, s17;
	[sflag:s12] =	ssyncset.done $0x0  }
0x35: {  	p0 =	sne.s32 s17, s10;
	[sflag:s12] =	ssyncadd.s32 $0xFFFFC000  }
.Ltmp1:
0x36: {  	[bflag:$0x0] =	sbarrier.arrive $0xFFFF;
	(pc) =	sbr.rel @p0 .LBB2_1-.Ltmp1, $4  }
0x37: {  	[hbm:s9], [sflag:s6] =	dma.local [spmem:s11], $0x2780  }
0x38: {  	_ =	swait.ge [sflag:s12], $0x2780  }
0x39: {  	[sflag:s12] =	ssyncset.done $0x0  }
0x3a: {  	[sflag:s12] =	ssyncadd.s32 $0xFFFFD880  }
0x3b: {  	_ =	sfence.sel $0x180000  }
0x3c: {  	[bflag:$0x0] =	sbarrier.arrive $0xFFFF  }
0x3d: {  	p0 =	sne.s32 s0, $0x0;
	_ =	strace $0x90000047  }
0x3e: {  	s0 =	sadd.s32 @!p0 $0x100000, s2;
	[bflag:$0x2] =	sbarrier.arrive $0xFFFF  }
0x3f: {  	[sflag:s0] =	ssyncadd.tile.s32 @!p0 $0x1;
	_ =	shalt  }
.Lfunc_end2:
_tile_overlayer_lowered:
.L_overlay_start_2:
0x40: {  	(tag) =	ssettag $0x2  }
0x41: {  	s0 =	rddreg [dreg:$0x0];
	s2 =	stileid.u32  }
0x42: {  	s1 =	rddreg [dreg:$0x1];
	p0 =	sne.s32 s2, $0x0  }
0x43: {  	s3 =	rddreg [dreg:$0x2];
	[bflag:$0x3] =	sbarrier.arrive $0xFFFF;
	s2 =	simm.s32 @!p0 $0x1C02  }
0x44: {  	[timem:s3], [sflag:s2] =	dma.local @!p0 [hbm:s0], s1  }
0x45: {  	s0 =	simm.s32 @!p0 $0x2  }
0x46: {  	_ =	swait.ge @!p0 [sflag:s0], s1  }
0x47: {  	s1 =	ssub.s32 @!p0 $0x0, s1;
	[sflag:s0] =	ssyncset.done @!p0 $0x0  }
0x48: {  	[sflag:s0] =	ssyncadd.s32 @!p0 s1  }
0x49: {  	[bflag:$0x3] =	sbarrier.arrive $0xFFFF  }
0x4a: {  	_ =	shalt  }

// kernel: edge_agg_64.12.cloned.1.call-start
scs
__scs_entry_jumppad:
0x0: {  	(pc) =	sbr.rel $0x88, $3  }
0x1: {  	(tag) =	ssettag $0x0;
	lr =	simm.s32 $0x1  }
0x2: {  	[smem:$0x3F84] =	sst lr;
	_ =	strace $0xD0000000  }
0x3: {  	_ = 	snop  }
0x4: {  	_ = 	snop  }
0x5: {  	_ = 	snop  }
0x6: {  	_ = 	snop  }
0x7: {  	_ = 	snop  }
__scs_overlays_trampoline_lowered:
0x8: {  	[smem:$0x3F93] =	sst s0  }
0x9: {  	[smem:$0x3F94] =	sst s1  }
0xa: {  	[smem:$0x3F95] =	sst s2  }
0xb: {  	[smem:$0x3F96] =	sst s3  }
0xc: {  	[smem:$0x3F97] =	sst s4  }
0xd: {  	[smem:$0x3F98] =	sst s5  }
0xe: {  	[smem:$0x3F99] =	sst s6  }
0xf: {  	[smem:$0x3F9A] =	sst s7  }
0x10: {  	[smem:$0x3F9B] =	sst s8  }
0x11: {  	[smem:$0x3F9C] =	sst s9;
	s0 =	simm.s32 @!p0 $0x0  }
0x12: {  	s1 =	sld [smem:$0x3F82];
	s0 =	simm.s32 @p0 $0x1  }
0x13: {  	[smem:$0x3F9D] =	sst s0;
	s0 =	simm.s32 @!p1 $0x0  }
0x14: {  	s2 =	sld [smem:$0x3F81];
	s0 =	simm.s32 @p1 $0x1  }
0x15: {  	[smem:$0x3F9E] =	sst s0;
	s0 =	simm.s32 @!p2 $0x0  }
0x16: {  	s3 =	sld [smem:$0x3FDB];
	s0 =	simm.s32 @p2 $0x1  }
0x17: {  	s4 =	simm.s32 $0x1BF5;
	[smem:$0x3FA0] =	sst s0  }
0x18: {  	s0 =	sld [smem:$0x3F83];
	_ =	swait.ge [sflag:s4], $0x0  }
0x19: {  	s7 =	sld [smem:$0x3F84]  }
0x1a: {  	s8 =	sadd.s32 $0xFFFFE003, lr  }
0x1b: {  	s9 =	sadd.s32 $0xFFFFFEF7, lr;
	s5 =	simm.s32 $0xFFFFFFFF;
	p2 =	slt.u32 s8, $0xFFFFF086  }
0x1c: {  	p1 =	slt.u32 s9, $0xF7A;
	s5 =	simm.s32 @!p2 $0x0  }
0x1d: {  	s5 =	simm.s32 @p1 $0x1;
	p0 =	seq.s32 s7, s2  }
0x1e: {  	s7 =	smul.u32 @!p0 $0xF7A, s2;
	p2 =	seq.s32 @!p0 s5, $0x0  }
0x1f: {  	s9 =	smul.u32 $0xF7A, s1;
	s8 =	simm.s32 @!p0 $0x1BF5;
	p2 =	por !p2, p0  }
0x20: {  	[sflag:s8] =	ssyncset.s32 @!p0 $0xFFFFF086;
	s6 =	sadd.s32 @!p0 s3, s7;
	s7 =	simm.s32 @!p0 $0x108  }
0x21: {  	s3 =	sadd.s32 s3, s9;
	s6 =	sadd.s32 @!p0 $0x88, s6;
	s7 =	simm.s32 @p2 $0x1082  }
0x22: {  	[simem:s7], [sflag:s8] =	dma.local @!p0 [hbm:s6], $0xF7A  }
0x23: {  	s9 =	sor.u32 $0xD0000000, s2;
	s6 =	simm.s32 $0x108;
	_ =	swait.ge @!p0 [sflag:s8], $0x0  }
0x24: {  	s3 =	sadd.s32 $0x88, s3;
	s6 =	simm.s32 @!p1 $0x1082;
	[sflag:s4] =	ssyncset.s32 $0xFFFFF086  }
0x25: {  	[simem:s6], [sflag:s4] =	dma.local [hbm:s3], $0xF7A  }
0x26: {  	[smem:$0x3F84] =	sst s1;
	(tag) =	ssettag s2;
	_ =	strace s9  }
0x27: {  	s1 =	sld [smem:$0x3F94]  }
0x28: {  	s2 =	sld [smem:$0x3F95]  }
0x29: {  	s4 =	sld [smem:$0x3F97]  }
0x2a: {  	p0 =	seq.s32 s5, $0x0;
	s5 =	sld [smem:$0x3F98]  }
0x2b: {  	s6 =	sld [smem:$0x3F99]  }
0x2c: {  	s7 =	sld [smem:$0x3F9A]  }
0x2d: {  	s3 =	simm.s32 $0x108;
	s8 =	sld [smem:$0x3F9B]  }
0x2e: {  	s3 =	simm.s32 @!p0 $0x1082;
	s9 =	sld [smem:$0x3F9C]  }
0x2f: {  	lr =	sadd.s32 s0, s3;
	s0 =	sld [smem:$0x3F93]  }
0x30: {  	s3 =	sld [smem:$0x3F96]  }
0x31: {  	[smem:$0x3F9F] =	sst s10  }
0x32: {  	s10 =	sld [smem:$0x3F9D];
	_ =	sdelay $0x3  }
0x33: {  	p0 =	seq.s32 s10, $0x1;
	s10 =	sld [smem:$0x3F9F];
	_ =	sdelay $0x3  }
0x34: {  	[smem:$0x3F9F] =	sst s10  }
0x35: {  	s10 =	sld [smem:$0x3F9E];
	_ =	sdelay $0x3  }
0x36: {  	p1 =	seq.s32 s10, $0x1;
	s10 =	sld [smem:$0x3F9F];
	_ =	sdelay $0x3  }
0x37: {  	[smem:$0x3F9F] =	sst s10  }
0x38: {  	s10 =	sld [smem:$0x3FA0]  }
0x39: {  	_ = 	snop;
	(pc) =	sbr.ind lr, $3  }
0x3a: {  	_ = 	snop  }
0x3b: {  	_ = 	snop  }
0x3c: {  	p2 =	seq.s32 s10, $0x1;
	s10 =	sld [smem:$0x3F9F]  }
0x3d: {  	_ =	shalt  }
0x3e: {  	_ =	shalt  }
0x3f: {  	_ =	shalt  }
0x40: {  	_ =	shalt  }
0x41: {  	_ =	shalt  }
0x42: {  	_ =	shalt  }
0x43: {  	_ =	shalt  }
0x44: {  	_ =	shalt  }
0x45: {  	_ =	shalt  }
0x46: {  	_ =	shalt  }
0x47: {  	_ =	shalt  }
0x48: {  	_ =	shalt  }
0x49: {  	_ =	shalt  }
0x4a: {  	_ =	shalt  }
0x4b: {  	_ =	shalt  }
0x4c: {  	_ =	shalt  }
0x4d: {  	_ =	shalt  }
0x4e: {  	_ =	shalt  }
0x4f: {  	_ =	shalt  }
0x50: {  	_ =	shalt  }
0x51: {  	_ =	shalt  }
0x52: {  	_ =	shalt  }
0x53: {  	_ =	shalt  }
0x54: {  	_ =	shalt  }
0x55: {  	_ =	shalt  }
0x56: {  	_ =	shalt  }
0x57: {  	_ =	shalt  }
0x58: {  	_ =	shalt  }
0x59: {  	_ =	shalt  }
0x5a: {  	_ =	shalt  }
0x5b: {  	_ =	shalt  }
0x5c: {  	_ =	shalt  }
0x5d: {  	_ =	shalt  }
0x5e: {  	_ =	shalt  }
0x5f: {  	_ =	shalt  }
0x60: {  	_ =	shalt  }
0x61: {  	_ =	shalt  }
0x62: {  	_ =	shalt  }
0x63: {  	_ =	shalt  }
0x64: {  	_ =	shalt  }
0x65: {  	_ =	shalt  }
0x66: {  	_ =	shalt  }
0x67: {  	_ =	shalt  }
0x68: {  	_ =	shalt  }
0x69: {  	_ =	shalt  }
0x6a: {  	_ =	shalt  }
0x6b: {  	_ =	shalt  }
0x6c: {  	_ =	shalt  }
0x6d: {  	_ =	shalt  }
0x6e: {  	_ =	shalt  }
0x6f: {  	_ =	shalt  }
0x70: {  	_ =	shalt  }
0x71: {  	_ =	shalt  }
0x72: {  	_ =	shalt  }
0x73: {  	_ =	shalt  }
0x74: {  	_ =	shalt  }
0x75: {  	_ =	shalt  }
0x76: {  	_ =	shalt  }
0x77: {  	_ =	shalt  }
0x78: {  	_ =	shalt  }
0x79: {  	_ =	shalt  }
0x7a: {  	_ =	shalt  }
0x7b: {  	_ =	shalt  }
0x7c: {  	_ =	shalt  }
0x7d: {  	_ =	shalt  }
0x7e: {  	_ =	shalt  }
0x7f: {  	_ =	shalt  }
0x80: {  	_ =	shalt  }
0x81: {  	_ =	shalt  }
0x82: {  	_ =	shalt  }
0x83: {  	_ =	shalt  }
0x84: {  	_ =	shalt  }
0x85: {  	_ =	shalt  }
0x86: {  	_ =	shalt  }
0x87: {  	_ =	shalt  }
.Lfunc_end0:
.L_simem_size_0:
called_computation.4_lowered:
.L_overlay_start_0:
0x88: {  	s2 =	sld [smem:$0x3FD9]  }
0x89: {  	s3 =	sld [smem:$0x3FFE];
	_ =	sdelay $0x1  }
0x8a: {  	s1 =	srdreg.scid  }
0x8b: {  	s0 =	sand.u32 $0x1, s1  }
0x8c: {  	s17 =	sshll.u32 s0, $0xA;
	s2 =	sadd.s32 s3, s2  }
0x8d: {  	s2 =	sadd.s32 s2, s17  }
0x8e: {  	[smem:$0x3FAB] =	sst s2  }
0x8f: {  	_ = 	snop  }
0x90: {  	(tm) =	ssettm $0x1  }
0x91: {  	s18 =	sld [smem:$0x3FFB];
	_ =	sdelay $0x3  }
0x92: {  	_ =	strace s18  }
0x93: {  	s2 =	sld [smem:$0x3FFC];
	_ =	sdelay $0x3  }
0x94: {  	_ =	strace s2  }
0x95: {  	s2 =	sld [smem:$0x3FFD];
	_ =	sdelay $0x3  }
0x96: {  	_ =	strace s2  }
0x97: {  	_ =	strace $0x8FFFFFFF  }
0x98: {  	s19 =	sld [smem:$0x3FDB];
	_ =	sdelay $0x1  }
0x99: {  	s20 =	simm.s32 $_scs_section_size  }
0x9a: {  	s4 =	simm.s32 $_size__tile_overlayer_lowered;
	s5 =	simm.s32 $_tile_overlayer_lowered  }
0x9b: {  	s6 =	simm.s32 $0x1BFF;
	s21 =	sshll.u32 s5, $0x1;
	s3 =	sadd.s32 s20, s19  }
0x9c: {  	s22 =	simm.s32 $0x0;
	s4 =	sshll.u32 s4, $0x1;
	s5 =	sadd.s32 s21, s3  }
0x9d: {  	[timem:s22], [sflag:s6] =	dma.local [hbm:s5], s4  }
0x9e: {  	_ =	swait.ge [sflag:s6], s4  }
0x9f: {  	s4 =	ssub.s32 $0x0, s4;
	[sflag:s6] =	ssyncset.done $0x0  }
0xa0: {  	[sflag:s6] =	ssyncadd.s32 s4;
	_ =	sdelay $0x1  }
0xa1: {  	s23 =	simm.s32 $0x1B8B  }
0xa2: {  	_ =	swait.ge [sflag:s23], $0x1  }
0xa3: {  	[sflag:s23] =	ssyncset.done $0x0  }
0xa4: {  	[sflag:s23] =	ssyncadd.s32 $0xFFFFFFFF  }
0xa5: {  	s4 =	sld [smem:$0x0]  }
0xa6: {  	s5 =	sand.u32 $0xFFFFFFFE, s1  }
0xa7: {  	p0 =	sne.s32 s1, s5  }
0xa8: {  	s5 =	sshll.u32 @p0 s5, $0xE  }
0xa9: {  	s5 =	sadd.s32 @p0 $0x11B8D, s5;
	s6 =	sshll.u32 @p0 s4, $0x11  }
0xaa: {  	s5 =	sor.u32 @p0 s6, s5  }
0xab: {  	[sflag:s5] =	ssyncadd.remote.s32 @p0 $0x1;
	_ =	sdelay $0x1  }
0xac: {  	s5 =	simm.s32 @p0 $0x1B8D  }
0xad: {  	_ =	swait.eq @p0 [sflag:s5], $0x1  }
0xae: {  	[sflag:s5] =	ssyncadd.s32 @p0 $0xFFFFFFFF  }
0xaf: {  	s6 =	sshll.u32 @!p0 s1, $0xE  }
0xb0: {  	s6 =	sor.u32 @!p0 $0x4000, s6;
	s5 =	simm.s32 @!p0 $0x1B8D  }
0xb1: {  	s4 =	sshll.u32 @!p0 s4, $0x11;
	s6 =	sadd.s32 @!p0 $0x11B8D, s6;
	_ =	swait.eq @!p0 [sflag:s5], $0x1  }
0xb2: {  	s4 =	sor.u32 @!p0 s4, s6;
	[sflag:s5] =	ssyncadd.s32 @!p0 $0xFFFFFFFF  }
0xb3: {  	s25 =	simm.s32 $0x1B8E;
	s24 =	sld [smem:$0x3FFE];
	[sflag:s4] =	ssyncadd.remote.s32 @!p0 $0x1  }
0xb4: {  	s26 =	simm.s32 $execute0_lowered;
	[smem:$0x3FD2] =	sst s25  }
0xb5: {  	s5 =	sshll.u32 s26, $0x1;
	_ =	strace $0x80000055;
	[dreg:$0x1] =	wrdreg $0xFFFFFFFF  }
0xb6: {  	s28 =	simm.s32 $_size_execute0_lowered;
	s3 =	sadd.s32 s3, s5;
	[dreg:$0x0] =	wrdreg $0x0  }
0xb7: {  	s5 =	sshll.u32 s28, $0x1;
	[dreg:$0x2] =	wrdreg s3  }
0xb8: {  	[dreg:$0x3] =	wrdreg s5  }
0xb9: {  	[dreg:$0x4] =	wrdreg $0xC0  }
0xba: {  	_ =	task [dreg:s22], $0x5FFFF  }
0xbb: {  	[dreg:$0x1] =	wrdreg $0xFFFFFFFF  }
0xbc: {  	[dreg:$0x0] =	wrdreg $0x60  }
0xbd: {  	[dreg:$0x2] =	wrdreg s24  }
0xbe: {  	[dreg:$0x3] =	wrdreg $0x6F000  }
0xbf: {  	[dreg:$0x4] =	wrdreg $0x9  }
0xc0: {  	_ =	task.clear_ibuf [dreg:s22], $0x5FFFF;
	_ =	strace $0x90000055  }
0xc1: {  	s29 =	simm.s32 $0x9;
	_ =	strace $0x80000057  }
0xc2: {  	_ =	swait.ge [sflag:s29], $0x1  }
0xc3: {  	[sflag:s29] =	ssyncadd.s32 $0xFFFFFFFF  }
0xc4: {  	_ =	strace $0x90000057  }
0xc5: {  	_ =	sfence  }
0xc6: {  	s30 =	sld [smem:$0x0];
	_ =	sdelay $0x2  }
0xc7: {  	s31 =	sshll.u32 s1, $0xD;
	s1 =	sshrl.u32 s1, $0x2  }
0xc8: {  	s4 =	sand.u32 $0x4000, s31;
	s1 =	sadd.s32 s1, s30  }
0xc9: {  	s0 =	sor.u32 s4, s0;
	s1 =	sshll.u32 s1, $0x11  }
0xca: {  	s0 =	sor.u32 s1, s0  }
0xcb: {  	s0 =	sadd.s32 $0x8F2B, s0  }
0xcc: {  	[sflag:s0] =	ssyncadd.remote.s32 $0x1  }
0xcd: {  	_ =	sfence.sel $0xFFFF  }
0xce: {  	[dreg:$0x0] =	wrdreg $0xFFFFFFFF;
	(pc) =	sbr.abs _section_cstart, $3  }
0xcf: {  	[dreg:$0x1] =	wrdreg $0xFFFFFFFF  }
0xd0: {  	_ =	task.clear_ibuf [dreg:s22], $0x2FFFF;
	_ =	strace $0x9FFFFFFF  }
0xd1: {  	(tm) =	ssettm $0x7FFFFFFF  }
tec
execute0_lowered:
.L_overlay_start_1:
0x0: {  	(tag) =	ssettag $0x1  }
0x1: {  	s5 =	rddreg [dreg:$0x0]  }
0x2: {  	s0 =	srdreg.scid;
	s2 =	rddreg [dreg:$0x1]  }
0x3: {  	s1 =	rddreg [dreg:$0x2];
	s6 =	sand.u32 $0x1, s0  }
0x4: {  	s0 =	stileid.u32;
	s4 =	smul.u32 $0x27800, s6  }
0x5: {  	s3 =	simm.s32 $0x0;
	s14 =	simm.s32 $0x80;
	s7 =	smul.u32 $0x2780, s0  }
0x6: {  	s15 =	simm.s32 $0x4F00;
	s16 =	simm.s32 $0x1;
	s8 =	smul.u32 $0x9E00, s0  }
0x7: {  	s17 =	simm.s32 $0x0;
	[smem:$0x7FF] =	sst s3;
	s9 =	smul.u32 $0x9E000, s6  }
0x8: {  	_ =	strace $0x80000056;
	s6 =	ssub.s32 $0x2, s6;
	s31 =	sshll.u32 s0, $0x6  }
0x9: {  	s11 =	sshrl.u32 s6, $0x1;
	s7 =	sadd.s32 s7, s4;
	s4 =	sadd.s32 $0x22600, s5  }
0xa: {  	s29 =	sadd.s32 s8, s9;
	s30 =	sshrl.u32 s8, $0x3;
	s11 =	ssub.s32 s6, s11  }
0xb: {  	s13 =	sadd.s32 s8, s2;
	s6 =	sor.u32 $0x1C02, s31;
	s7 =	sshrl.u32 s7, $0x3  }
0xc: {  	s9 =	sadd.s32 s30, s5;
	s10 =	sadd.s32 s7, s5;
	s7 =	sshrl.u32 s29, $0x3  }
0xd: {  	s12 =	sadd.s32 s7, s5;
	s5 =	sadd.s32 $0x5D800, s9;
	s7 =	sadd.s32 $0x98E00, s10  }
0xe: {  	s8 =	sadd.s32 $0x18800, s10;
	s10 =	smax.u32 s11, $0x1;
	s11 =	sshrl.u32 s13, $0x3  }
0xf: {  	s13 =	simm.s32 $0x2780;
	s9 =	sadd.s32 $0xA2C00, s12;
	s12 =	simm.s32 $0x2  }
.LBB2_1:
0x10: {  	[spmem:s11], [sflag:s6] =	dma.local [hbm:s5], $0x13C0  }
0x11: {  	_ =	swait.ge [sflag:s12], $0x13C0  }
0x12: {  	[sflag:s12] =	ssyncset.done $0x0  }
0x13: {  	[sflag:s12] =	ssyncadd.s32 $0xFFFFEC40  }
0x14: {  	[tilespmem:s3], [sflag:$0x2] =	stream.linear.gather [hbm4b:s7+s3], $0x2780, $0x38;
	[tilespmem:$0x10D00] =	vst v63  }
0x15: {  	_ =	swait.ge [sflag:s12], $0x2780  }
0x16: {  	[sflag:s12] =	ssyncset.done $0x0  }
0x17: {  	[sflag:s12] =	ssyncadd.s32 $0xFFFFD880  }
0x18: {  	[tilespmem:s13], [sflag:$0x2] =	stream.linear.gather [hbm4b:s8+s3], $0x2780, $0x38;
	[tilespmem:$0x10D00] =	vst v63  }
0x19: {  	_ =	swait.ge [sflag:s12], $0x2780  }
0x1a: {  	[sflag:s12] =	ssyncset.done $0x0  }
0x1b: {  	[sflag:s12] =	ssyncadd.s32 $0xFFFFD880  }
0x1c: {  	s18 =	simm.s32 $0x0;
	[bflag:$0x0] =	sbarrier.arrive $0xFFFF  }
0x1d: {  	[tilespmem:s15], [sflag:$0x1] =	stream.indirect.gather [hbm4b:s4+s14], $0x40, s18, s14, $0xb8;
	[tilespmem:$0x10D00] =	vst v63  }
0x1e: {  	_ =	swait.ge [sflag:s16], $0x2000  }
0x1f: {  	[sflag:s16] =	ssyncset.done $0x0  }
0x20: {  	s31 =	simm.s32 $0x2780;
	[sflag:s16] =	ssyncadd.s32 $0xFFFFE000  }
0x21: {  	[spmem:s2] =	stream.indirect.scatter.add.f32 [tilespmem:s15], [sflag:$0x2], $0x40, s31, s14, $0xb8;
	[tilespmem:$0x10D00] =	vst v63  }
0x22: {  	_ =	swait.ge [sflag:s12], $0x2000  }
0x23: {  	s19 =	simm.s32 $0x400;
	s18 =	simm.s32 $0x200;
	[sflag:s12] =	ssyncset.done $0x0  }
.LBB2_2:
0x24: {  	s20 =	sshra.s32 s18, $0x2  }
0x25: {  	[sflag:s12] =	ssyncadd.s32 $0xFFFFE000;
	s18 =	smov.u32 s19;
	s21 =	sadd.s32 $0x200, s19  }
0x26: {  	[tilespmem:s15], [sflag:$0x1] =	stream.indirect.gather [hbm4b:s4+s14], $0x40, s20, s14, $0xb8;
	[tilespmem:$0x10D00] =	vst v63  }
0x27: {  	p0 =	sne.s32 s19, $0x9C00;
	_ =	swait.ge [sflag:s16], $0x2000  }
.Ltmp0:
0x28: {  	[sflag:s16] =	ssyncset.done $0x0;
	(pc) =	sbr.rel @p0 .LBB2_2-.Ltmp0, $4  }
0x29: {  	s19 =	sadd.s32 $0x2780, s20;
	[sflag:s16] =	ssyncadd.s32 $0xFFFFE000  }
0x2a: {  	[spmem:s2] =	stream.indirect.scatter.add.f32 [tilespmem:s15], [sflag:$0x2], $0x40, s19, s14, $0xb8;
	[tilespmem:$0x10D00] =	vst v63  }
0x2b: {  	_ =	swait.ge [sflag:s12], $0x2000  }
0x2c: {  	s19 =	smov.u32 s21;
	[sflag:s12] =	ssyncset.done $0x0  }
0x2d: {  	s18 =	sshra.s32 s18, $0x2;
	[sflag:s12] =	ssyncadd.s32 $0xFFFFE000  }
0x2e: {  	[tilespmem:s15], [sflag:$0x1] =	stream.indirect.gather [hbm4b:s4+s14], $0x40, s18, s14, $0xb8;
	[tilespmem:$0x10D00] =	vst v63  }
0x2f: {  	_ =	swait.ge [sflag:s16], $0x2000  }
0x30: {  	[sflag:s16] =	ssyncset.done $0x0  }
0x31: {  	s18 =	sadd.s32 $0x2780, s18;
	[sflag:s16] =	ssyncadd.s32 $0xFFFFE000  }
0x32: {  	[spmem:s2] =	stream.indirect.scatter.add.f32 [tilespmem:s15], [sflag:$0x2], $0x40, s18, s14, $0xb8;
	[tilespmem:$0x10D00] =	vst v63  }
0x33: {  	_ =	swait.ge [sflag:s12], $0x2000  }
0x34: {  	s17 =	sadd.s32 $0x1, s17;
	[sflag:s12] =	ssyncset.done $0x0  }
0x35: {  	p0 =	sne.s32 s17, s10;
	[sflag:s12] =	ssyncadd.s32 $0xFFFFE000  }
.Ltmp1:
0x36: {  	[bflag:$0x0] =	sbarrier.arrive $0xFFFF;
	(pc) =	sbr.rel @p0 .LBB2_1-.Ltmp1, $4  }
0x37: {  	[hbm:s9], [sflag:s6] =	dma.local [spmem:s11], $0x13C0  }
0x38: {  	_ =	swait.ge [sflag:s12], $0x13C0  }
0x39: {  	[sflag:s12] =	ssyncset.done $0x0  }
0x3a: {  	[sflag:s12] =	ssyncadd.s32 $0xFFFFEC40  }
0x3b: {  	_ =	sfence.sel $0x180000  }
0x3c: {  	[bflag:$0x0] =	sbarrier.arrive $0xFFFF  }
0x3d: {  	p0 =	sne.s32 s0, $0x0;
	_ =	strace $0x90000056  }
0x3e: {  	s0 =	sadd.s32 @!p0 $0x100000, s1;
	[bflag:$0x2] =	sbarrier.arrive $0xFFFF  }
0x3f: {  	[sflag:s0] =	ssyncadd.tile.s32 @!p0 $0x1;
	_ =	shalt  }
.Lfunc_end2:
_tile_overlayer_lowered:
.L_overlay_start_2:
0x40: {  	(tag) =	ssettag $0x2  }
0x41: {  	s0 =	rddreg [dreg:$0x0];
	s2 =	stileid.u32  }
0x42: {  	s1 =	rddreg [dreg:$0x1];
	p0 =	sne.s32 s2, $0x0  }
0x43: {  	s3 =	rddreg [dreg:$0x2];
	[bflag:$0x3] =	sbarrier.arrive $0xFFFF;
	s2 =	simm.s32 @!p0 $0x1C02  }
0x44: {  	[timem:s3], [sflag:s2] =	dma.local @!p0 [hbm:s0], s1  }
0x45: {  	s0 =	simm.s32 @!p0 $0x2  }
0x46: {  	_ =	swait.ge @!p0 [sflag:s0], s1  }
0x47: {  	s1 =	ssub.s32 @!p0 $0x0, s1;
	[sflag:s0] =	ssyncset.done @!p0 $0x0  }
0x48: {  	[sflag:s0] =	ssyncadd.s32 @!p0 s1  }
0x49: {  	[bflag:$0x3] =	sbarrier.arrive $0xFFFF  }
0x4a: {  	_ =	shalt  }

// kernel: edge_agg_64.15.cloned.1.call-start
scs
__scs_entry_jumppad:
0x0: {  	(pc) =	sbr.rel $0x88, $3  }
0x1: {  	(tag) =	ssettag $0x0;
	lr =	simm.s32 $0x1  }
0x2: {  	[smem:$0x3F84] =	sst lr;
	_ =	strace $0xD0000000  }
0x3: {  	_ = 	snop  }
0x4: {  	_ = 	snop  }
0x5: {  	_ = 	snop  }
0x6: {  	_ = 	snop  }
0x7: {  	_ = 	snop  }
__scs_overlays_trampoline_lowered:
0x8: {  	[smem:$0x3F93] =	sst s0  }
0x9: {  	[smem:$0x3F94] =	sst s1  }
0xa: {  	[smem:$0x3F95] =	sst s2  }
0xb: {  	[smem:$0x3F96] =	sst s3  }
0xc: {  	[smem:$0x3F97] =	sst s4  }
0xd: {  	[smem:$0x3F98] =	sst s5  }
0xe: {  	[smem:$0x3F99] =	sst s6  }
0xf: {  	[smem:$0x3F9A] =	sst s7  }
0x10: {  	[smem:$0x3F9B] =	sst s8  }
0x11: {  	[smem:$0x3F9C] =	sst s9;
	s0 =	simm.s32 @!p0 $0x0  }
0x12: {  	s1 =	sld [smem:$0x3F82];
	s0 =	simm.s32 @p0 $0x1  }
0x13: {  	[smem:$0x3F9D] =	sst s0;
	s0 =	simm.s32 @!p1 $0x0  }
0x14: {  	s2 =	sld [smem:$0x3F81];
	s0 =	simm.s32 @p1 $0x1  }
0x15: {  	[smem:$0x3F9E] =	sst s0;
	s0 =	simm.s32 @!p2 $0x0  }
0x16: {  	s3 =	sld [smem:$0x3FDB];
	s0 =	simm.s32 @p2 $0x1  }
0x17: {  	s4 =	simm.s32 $0x1BF5;
	[smem:$0x3FA0] =	sst s0  }
0x18: {  	s0 =	sld [smem:$0x3F83];
	_ =	swait.ge [sflag:s4], $0x0  }
0x19: {  	s7 =	sld [smem:$0x3F84]  }
0x1a: {  	s8 =	sadd.s32 $0xFFFFE003, lr  }
0x1b: {  	s9 =	sadd.s32 $0xFFFFFEF7, lr;
	s5 =	simm.s32 $0xFFFFFFFF;
	p2 =	slt.u32 s8, $0xFFFFF086  }
0x1c: {  	p1 =	slt.u32 s9, $0xF7A;
	s5 =	simm.s32 @!p2 $0x0  }
0x1d: {  	s5 =	simm.s32 @p1 $0x1;
	p0 =	seq.s32 s7, s2  }
0x1e: {  	s7 =	smul.u32 @!p0 $0xF7A, s2;
	p2 =	seq.s32 @!p0 s5, $0x0  }
0x1f: {  	s9 =	smul.u32 $0xF7A, s1;
	s8 =	simm.s32 @!p0 $0x1BF5;
	p2 =	por !p2, p0  }
0x20: {  	[sflag:s8] =	ssyncset.s32 @!p0 $0xFFFFF086;
	s6 =	sadd.s32 @!p0 s3, s7;
	s7 =	simm.s32 @!p0 $0x108  }
0x21: {  	s3 =	sadd.s32 s3, s9;
	s6 =	sadd.s32 @!p0 $0x88, s6;
	s7 =	simm.s32 @p2 $0x1082  }
0x22: {  	[simem:s7], [sflag:s8] =	dma.local @!p0 [hbm:s6], $0xF7A  }
0x23: {  	s9 =	sor.u32 $0xD0000000, s2;
	s6 =	simm.s32 $0x108;
	_ =	swait.ge @!p0 [sflag:s8], $0x0  }
0x24: {  	s3 =	sadd.s32 $0x88, s3;
	s6 =	simm.s32 @!p1 $0x1082;
	[sflag:s4] =	ssyncset.s32 $0xFFFFF086  }
0x25: {  	[simem:s6], [sflag:s4] =	dma.local [hbm:s3], $0xF7A  }
0x26: {  	[smem:$0x3F84] =	sst s1;
	(tag) =	ssettag s2;
	_ =	strace s9  }
0x27: {  	s1 =	sld [smem:$0x3F94]  }
0x28: {  	s2 =	sld [smem:$0x3F95]  }
0x29: {  	s4 =	sld [smem:$0x3F97]  }
0x2a: {  	p0 =	seq.s32 s5, $0x0;
	s5 =	sld [smem:$0x3F98]  }
0x2b: {  	s6 =	sld [smem:$0x3F99]  }
0x2c: {  	s7 =	sld [smem:$0x3F9A]  }
0x2d: {  	s3 =	simm.s32 $0x108;
	s8 =	sld [smem:$0x3F9B]  }
0x2e: {  	s3 =	simm.s32 @!p0 $0x1082;
	s9 =	sld [smem:$0x3F9C]  }
0x2f: {  	lr =	sadd.s32 s0, s3;
	s0 =	sld [smem:$0x3F93]  }
0x30: {  	s3 =	sld [smem:$0x3F96]  }
0x31: {  	[smem:$0x3F9F] =	sst s10  }
0x32: {  	s10 =	sld [smem:$0x3F9D];
	_ =	sdelay $0x3  }
0x33: {  	p0 =	seq.s32 s10, $0x1;
	s10 =	sld [smem:$0x3F9F];
	_ =	sdelay $0x3  }
0x34: {  	[smem:$0x3F9F] =	sst s10  }
0x35: {  	s10 =	sld [smem:$0x3F9E];
	_ =	sdelay $0x3  }
0x36: {  	p1 =	seq.s32 s10, $0x1;
	s10 =	sld [smem:$0x3F9F];
	_ =	sdelay $0x3  }
0x37: {  	[smem:$0x3F9F] =	sst s10  }
0x38: {  	s10 =	sld [smem:$0x3FA0]  }
0x39: {  	_ = 	snop;
	(pc) =	sbr.ind lr, $3  }
0x3a: {  	_ = 	snop  }
0x3b: {  	_ = 	snop  }
0x3c: {  	p2 =	seq.s32 s10, $0x1;
	s10 =	sld [smem:$0x3F9F]  }
0x3d: {  	_ =	shalt  }
0x3e: {  	_ =	shalt  }
0x3f: {  	_ =	shalt  }
0x40: {  	_ =	shalt  }
0x41: {  	_ =	shalt  }
0x42: {  	_ =	shalt  }
0x43: {  	_ =	shalt  }
0x44: {  	_ =	shalt  }
0x45: {  	_ =	shalt  }
0x46: {  	_ =	shalt  }
0x47: {  	_ =	shalt  }
0x48: {  	_ =	shalt  }
0x49: {  	_ =	shalt  }
0x4a: {  	_ =	shalt  }
0x4b: {  	_ =	shalt  }
0x4c: {  	_ =	shalt  }
0x4d: {  	_ =	shalt  }
0x4e: {  	_ =	shalt  }
0x4f: {  	_ =	shalt  }
0x50: {  	_ =	shalt  }
0x51: {  	_ =	shalt  }
0x52: {  	_ =	shalt  }
0x53: {  	_ =	shalt  }
0x54: {  	_ =	shalt  }
0x55: {  	_ =	shalt  }
0x56: {  	_ =	shalt  }
0x57: {  	_ =	shalt  }
0x58: {  	_ =	shalt  }
0x59: {  	_ =	shalt  }
0x5a: {  	_ =	shalt  }
0x5b: {  	_ =	shalt  }
0x5c: {  	_ =	shalt  }
0x5d: {  	_ =	shalt  }
0x5e: {  	_ =	shalt  }
0x5f: {  	_ =	shalt  }
0x60: {  	_ =	shalt  }
0x61: {  	_ =	shalt  }
0x62: {  	_ =	shalt  }
0x63: {  	_ =	shalt  }
0x64: {  	_ =	shalt  }
0x65: {  	_ =	shalt  }
0x66: {  	_ =	shalt  }
0x67: {  	_ =	shalt  }
0x68: {  	_ =	shalt  }
0x69: {  	_ =	shalt  }
0x6a: {  	_ =	shalt  }
0x6b: {  	_ =	shalt  }
0x6c: {  	_ =	shalt  }
0x6d: {  	_ =	shalt  }
0x6e: {  	_ =	shalt  }
0x6f: {  	_ =	shalt  }
0x70: {  	_ =	shalt  }
0x71: {  	_ =	shalt  }
0x72: {  	_ =	shalt  }
0x73: {  	_ =	shalt  }
0x74: {  	_ =	shalt  }
0x75: {  	_ =	shalt  }
0x76: {  	_ =	shalt  }
0x77: {  	_ =	shalt  }
0x78: {  	_ =	shalt  }
0x79: {  	_ =	shalt  }
0x7a: {  	_ =	shalt  }
0x7b: {  	_ =	shalt  }
0x7c: {  	_ =	shalt  }
0x7d: {  	_ =	shalt  }
0x7e: {  	_ =	shalt  }
0x7f: {  	_ =	shalt  }
0x80: {  	_ =	shalt  }
0x81: {  	_ =	shalt  }
0x82: {  	_ =	shalt  }
0x83: {  	_ =	shalt  }
0x84: {  	_ =	shalt  }
0x85: {  	_ =	shalt  }
0x86: {  	_ =	shalt  }
0x87: {  	_ =	shalt  }
.Lfunc_end0:
.L_simem_size_0:
called_computation.5_lowered:
.L_overlay_start_0:
0x88: {  	s2 =	sld [smem:$0x3FD9]  }
0x89: {  	s3 =	sld [smem:$0x3FFE];
	_ =	sdelay $0x1  }
0x8a: {  	s1 =	srdreg.scid  }
0x8b: {  	s0 =	sand.u32 $0x1, s1  }
0x8c: {  	s17 =	sshll.u32 s0, $0xA;
	s2 =	sadd.s32 s3, s2  }
0x8d: {  	s2 =	sadd.s32 s2, s17  }
0x8e: {  	[smem:$0x3FAB] =	sst s2  }
0x8f: {  	_ = 	snop  }
0x90: {  	(tm) =	ssettm $0x1  }
0x91: {  	s18 =	sld [smem:$0x3FFB];
	_ =	sdelay $0x3  }
0x92: {  	_ =	strace s18  }
0x93: {  	s2 =	sld [smem:$0x3FFC];
	_ =	sdelay $0x3  }
0x94: {  	_ =	strace s2  }
0x95: {  	s2 =	sld [smem:$0x3FFD];
	_ =	sdelay $0x3  }
0x96: {  	_ =	strace s2  }
0x97: {  	_ =	strace $0x8FFFFFFF  }
0x98: {  	s19 =	sld [smem:$0x3FDB];
	_ =	sdelay $0x1  }
0x99: {  	s20 =	simm.s32 $_scs_section_size  }
0x9a: {  	s4 =	simm.s32 $_size__tile_overlayer_lowered;
	s5 =	simm.s32 $_tile_overlayer_lowered  }
0x9b: {  	s6 =	simm.s32 $0x1BFF;
	s21 =	sshll.u32 s5, $0x1;
	s3 =	sadd.s32 s20, s19  }
0x9c: {  	s22 =	simm.s32 $0x0;
	s4 =	sshll.u32 s4, $0x1;
	s5 =	sadd.s32 s21, s3  }
0x9d: {  	[timem:s22], [sflag:s6] =	dma.local [hbm:s5], s4  }
0x9e: {  	_ =	swait.ge [sflag:s6], s4  }
0x9f: {  	s4 =	ssub.s32 $0x0, s4;
	[sflag:s6] =	ssyncset.done $0x0  }
0xa0: {  	[sflag:s6] =	ssyncadd.s32 s4;
	_ =	sdelay $0x1  }
0xa1: {  	s23 =	simm.s32 $0x1B8B  }
0xa2: {  	_ =	swait.ge [sflag:s23], $0x1  }
0xa3: {  	[sflag:s23] =	ssyncset.done $0x0  }
0xa4: {  	[sflag:s23] =	ssyncadd.s32 $0xFFFFFFFF  }
0xa5: {  	s4 =	sld [smem:$0x0]  }
0xa6: {  	s5 =	sand.u32 $0xFFFFFFFE, s1  }
0xa7: {  	p0 =	sne.s32 s1, s5  }
0xa8: {  	s5 =	sshll.u32 @p0 s5, $0xE  }
0xa9: {  	s5 =	sadd.s32 @p0 $0x11B8D, s5;
	s6 =	sshll.u32 @p0 s4, $0x11  }
0xaa: {  	s5 =	sor.u32 @p0 s6, s5  }
0xab: {  	[sflag:s5] =	ssyncadd.remote.s32 @p0 $0x1;
	_ =	sdelay $0x1  }
0xac: {  	s5 =	simm.s32 @p0 $0x1B8D  }
0xad: {  	_ =	swait.eq @p0 [sflag:s5], $0x1  }
0xae: {  	[sflag:s5] =	ssyncadd.s32 @p0 $0xFFFFFFFF  }
0xaf: {  	s6 =	sshll.u32 @!p0 s1, $0xE  }
0xb0: {  	s6 =	sor.u32 @!p0 $0x4000, s6;
	s5 =	simm.s32 @!p0 $0x1B8D  }
0xb1: {  	s4 =	sshll.u32 @!p0 s4, $0x11;
	s6 =	sadd.s32 @!p0 $0x11B8D, s6;
	_ =	swait.eq @!p0 [sflag:s5], $0x1  }
0xb2: {  	s4 =	sor.u32 @!p0 s4, s6;
	[sflag:s5] =	ssyncadd.s32 @!p0 $0xFFFFFFFF  }
0xb3: {  	s25 =	simm.s32 $0x1B8E;
	s24 =	sld [smem:$0x3FFE];
	[sflag:s4] =	ssyncadd.remote.s32 @!p0 $0x1  }
0xb4: {  	s26 =	simm.s32 $execute0_lowered;
	[smem:$0x3FD2] =	sst s25  }
0xb5: {  	s5 =	sshll.u32 s26, $0x1;
	_ =	strace $0x80000052;
	[dreg:$0x1] =	wrdreg $0xFFFFFFFF  }
0xb6: {  	s28 =	simm.s32 $_size_execute0_lowered;
	s3 =	sadd.s32 s3, s5;
	[dreg:$0x0] =	wrdreg $0x0  }
0xb7: {  	s5 =	sshll.u32 s28, $0x1;
	[dreg:$0x2] =	wrdreg s3  }
0xb8: {  	[dreg:$0x3] =	wrdreg s5  }
0xb9: {  	[dreg:$0x4] =	wrdreg $0xC0  }
0xba: {  	_ =	task [dreg:s22], $0x5FFFF  }
0xbb: {  	[dreg:$0x1] =	wrdreg $0xFFFFFFFF  }
0xbc: {  	[dreg:$0x0] =	wrdreg $0x60  }
0xbd: {  	[dreg:$0x2] =	wrdreg s24  }
0xbe: {  	[dreg:$0x3] =	wrdreg $0x6F000  }
0xbf: {  	[dreg:$0x4] =	wrdreg $0xA  }
0xc0: {  	_ =	task.clear_ibuf [dreg:s22], $0x5FFFF;
	_ =	strace $0x90000052  }
0xc1: {  	s29 =	simm.s32 $0xA;
	_ =	strace $0x80000054  }
0xc2: {  	_ =	swait.ge [sflag:s29], $0x1  }
0xc3: {  	[sflag:s29] =	ssyncadd.s32 $0xFFFFFFFF  }
0xc4: {  	_ =	strace $0x90000054  }
0xc5: {  	_ =	sfence  }
0xc6: {  	s30 =	sld [smem:$0x0];
	_ =	sdelay $0x2  }
0xc7: {  	s31 =	sshll.u32 s1, $0xD;
	s1 =	sshrl.u32 s1, $0x2  }
0xc8: {  	s4 =	sand.u32 $0x4000, s31;
	s1 =	sadd.s32 s1, s30  }
0xc9: {  	s0 =	sor.u32 s4, s0;
	s1 =	sshll.u32 s1, $0x11  }
0xca: {  	s0 =	sor.u32 s1, s0  }
0xcb: {  	s0 =	sadd.s32 $0x8F2B, s0  }
0xcc: {  	[sflag:s0] =	ssyncadd.remote.s32 $0x1  }
0xcd: {  	_ =	sfence.sel $0xFFFF  }
0xce: {  	[dreg:$0x0] =	wrdreg $0xFFFFFFFF;
	(pc) =	sbr.abs _section_cstart, $3  }
0xcf: {  	[dreg:$0x1] =	wrdreg $0xFFFFFFFF  }
0xd0: {  	_ =	task.clear_ibuf [dreg:s22], $0x2FFFF;
	_ =	strace $0x9FFFFFFF  }
0xd1: {  	(tm) =	ssettm $0x7FFFFFFF  }
tec
execute0_lowered:
.L_overlay_start_1:
0x0: {  	(tag) =	ssettag $0x1  }
0x1: {  	s5 =	rddreg [dreg:$0x0]  }
0x2: {  	s0 =	srdreg.scid;
	s2 =	rddreg [dreg:$0x1]  }
0x3: {  	s1 =	rddreg [dreg:$0x2];
	s6 =	sand.u32 $0x1, s0  }
0x4: {  	s0 =	stileid.u32;
	s4 =	smul.u32 $0x27800, s6  }
0x5: {  	s3 =	simm.s32 $0x0;
	s14 =	simm.s32 $0x80;
	s7 =	smul.u32 $0x2780, s0  }
0x6: {  	s15 =	simm.s32 $0x4F00;
	s16 =	simm.s32 $0x1;
	s8 =	smul.u32 $0x9E00, s0  }
0x7: {  	s17 =	simm.s32 $0x0;
	[smem:$0x7FF] =	sst s3;
	s9 =	smul.u32 $0x9E000, s6  }
0x8: {  	_ =	strace $0x80000053;
	s6 =	ssub.s32 $0x2, s6;
	s31 =	sshll.u32 s0, $0x6  }
0x9: {  	s11 =	sshrl.u32 s6, $0x1;
	s7 =	sadd.s32 s7, s4;
	s4 =	sadd.s32 $0x36000, s5  }
0xa: {  	s29 =	sadd.s32 s8, s9;
	s30 =	sshrl.u32 s8, $0x3;
	s11 =	ssub.s32 s6, s11  }
0xb: {  	s13 =	sadd.s32 s8, s2;
	s6 =	sor.u32 $0x1C02, s31;
	s7 =	sshrl.u32 s7, $0x3  }
0xc: {  	s9 =	sadd.s32 s30, s5;
	s10 =	sadd.s32 s7, s5;
	s7 =	sshrl.u32 s29, $0x3  }
0xd: {  	s12 =	sadd.s32 s7, s5;
	s5 =	sadd.s32 $0x5D800, s9;
	s7 =	sadd.s32 $0x4C00, s10  }
0xe: {  	s8 =	sadd.s32 $0xEA00, s10;
	s10 =	smax.u32 s11, $0x1;
	s11 =	sshrl.u32 s13, $0x3  }
0xf: {  	s13 =	simm.s32 $0x2780;
	s9 =	sadd.s32 $0x71400, s12;
	s12 =	simm.s32 $0x2  }
.LBB2_1:
0x10: {  	[spmem:s11], [sflag:s6] =	dma.local [hbm:s5], $0x13C0  }
0x11: {  	_ =	swait.ge [sflag:s12], $0x13C0  }
0x12: {  	[sflag:s12] =	ssyncset.done $0x0  }
0x13: {  	[sflag:s12] =	ssyncadd.s32 $0xFFFFEC40  }
0x14: {  	[tilespmem:s3], [sflag:$0x2] =	stream.linear.gather [hbm4b:s7+s3], $0x2780, $0x38;
	[tilespmem:$0x10D00] =	vst v63  }
0x15: {  	_ =	swait.ge [sflag:s12], $0x2780  }
0x16: {  	[sflag:s12] =	ssyncset.done $0x0  }
0x17: {  	[sflag:s12] =	ssyncadd.s32 $0xFFFFD880  }
0x18: {  	[tilespmem:s13], [sflag:$0x2] =	stream.linear.gather [hbm4b:s8+s3], $0x2780, $0x38;
	[tilespmem:$0x10D00] =	vst v63  }
0x19: {  	_ =	swait.ge [sflag:s12], $0x2780  }
0x1a: {  	[sflag:s12] =	ssyncset.done $0x0  }
0x1b: {  	[sflag:s12] =	ssyncadd.s32 $0xFFFFD880  }
0x1c: {  	s18 =	simm.s32 $0x0;
	[bflag:$0x0] =	sbarrier.arrive $0xFFFF  }
0x1d: {  	[tilespmem:s15], [sflag:$0x1] =	stream.indirect.gather [hbm4b:s4+s14], $0x40, s18, s14, $0xb8;
	[tilespmem:$0x10D00] =	vst v63  }
0x1e: {  	_ =	swait.ge [sflag:s16], $0x2000  }
0x1f: {  	[sflag:s16] =	ssyncset.done $0x0  }
0x20: {  	s31 =	simm.s32 $0x2780;
	[sflag:s16] =	ssyncadd.s32 $0xFFFFE000  }
0x21: {  	[spmem:s2] =	stream.indirect.scatter.add.f32 [tilespmem:s15], [sflag:$0x2], $0x40, s31, s14, $0xb8;
	[tilespmem:$0x10D00] =	vst v63  }
0x22: {  	_ =	swait.ge [sflag:s12], $0x2000  }
0x23: {  	s19 =	simm.s32 $0x400;
	s18 =	simm.s32 $0x200;
	[sflag:s12] =	ssyncset.done $0x0  }
.LBB2_2:
0x24: {  	s20 =	sshra.s32 s18, $0x2  }
0x25: {  	[sflag:s12] =	ssyncadd.s32 $0xFFFFE000;
	s18 =	smov.u32 s19;
	s21 =	sadd.s32 $0x200, s19  }
0x26: {  	[tilespmem:s15], [sflag:$0x1] =	stream.indirect.gather [hbm4b:s4+s14], $0x40, s20, s14, $0xb8;
	[tilespmem:$0x10D00] =	vst v63  }
0x27: {  	p0 =	sne.s32 s19, $0x9C00;
	_ =	swait.ge [sflag:s16], $0x2000  }
.Ltmp0:
0x28: {  	[sflag:s16] =	ssyncset.done $0x0;
	(pc) =	sbr.rel @p0 .LBB2_2-.Ltmp0, $4  }
0x29: {  	s19 =	sadd.s32 $0x2780, s20;
	[sflag:s16] =	ssyncadd.s32 $0xFFFFE000  }
0x2a: {  	[spmem:s2] =	stream.indirect.scatter.add.f32 [tilespmem:s15], [sflag:$0x2], $0x40, s19, s14, $0xb8;
	[tilespmem:$0x10D00] =	vst v63  }
0x2b: {  	_ =	swait.ge [sflag:s12], $0x2000  }
0x2c: {  	s19 =	smov.u32 s21;
	[sflag:s12] =	ssyncset.done $0x0  }
0x2d: {  	s18 =	sshra.s32 s18, $0x2;
	[sflag:s12] =	ssyncadd.s32 $0xFFFFE000  }
0x2e: {  	[tilespmem:s15], [sflag:$0x1] =	stream.indirect.gather [hbm4b:s4+s14], $0x40, s18, s14, $0xb8;
	[tilespmem:$0x10D00] =	vst v63  }
0x2f: {  	_ =	swait.ge [sflag:s16], $0x2000  }
0x30: {  	[sflag:s16] =	ssyncset.done $0x0  }
0x31: {  	s18 =	sadd.s32 $0x2780, s18;
	[sflag:s16] =	ssyncadd.s32 $0xFFFFE000  }
0x32: {  	[spmem:s2] =	stream.indirect.scatter.add.f32 [tilespmem:s15], [sflag:$0x2], $0x40, s18, s14, $0xb8;
	[tilespmem:$0x10D00] =	vst v63  }
0x33: {  	_ =	swait.ge [sflag:s12], $0x2000  }
0x34: {  	s17 =	sadd.s32 $0x1, s17;
	[sflag:s12] =	ssyncset.done $0x0  }
0x35: {  	p0 =	sne.s32 s17, s10;
	[sflag:s12] =	ssyncadd.s32 $0xFFFFE000  }
.Ltmp1:
0x36: {  	[bflag:$0x0] =	sbarrier.arrive $0xFFFF;
	(pc) =	sbr.rel @p0 .LBB2_1-.Ltmp1, $4  }
0x37: {  	[hbm:s9], [sflag:s6] =	dma.local [spmem:s11], $0x13C0  }
0x38: {  	_ =	swait.ge [sflag:s12], $0x13C0  }
0x39: {  	[sflag:s12] =	ssyncset.done $0x0  }
0x3a: {  	[sflag:s12] =	ssyncadd.s32 $0xFFFFEC40  }
0x3b: {  	_ =	sfence.sel $0x180000  }
0x3c: {  	[bflag:$0x0] =	sbarrier.arrive $0xFFFF  }
0x3d: {  	p0 =	sne.s32 s0, $0x0;
	_ =	strace $0x90000053  }
0x3e: {  	s0 =	sadd.s32 @!p0 $0x100000, s1;
	[bflag:$0x2] =	sbarrier.arrive $0xFFFF  }
0x3f: {  	[sflag:s0] =	ssyncadd.tile.s32 @!p0 $0x1;
	_ =	shalt  }
.Lfunc_end2:
_tile_overlayer_lowered:
.L_overlay_start_2:
0x40: {  	(tag) =	ssettag $0x2  }
0x41: {  	s0 =	rddreg [dreg:$0x0];
	s2 =	stileid.u32  }
0x42: {  	s1 =	rddreg [dreg:$0x1];
	p0 =	sne.s32 s2, $0x0  }
0x43: {  	s3 =	rddreg [dreg:$0x2];
	[bflag:$0x3] =	sbarrier.arrive $0xFFFF;
	s2 =	simm.s32 @!p0 $0x1C02  }
0x44: {  	[timem:s3], [sflag:s2] =	dma.local @!p0 [hbm:s0], s1  }
0x45: {  	s0 =	simm.s32 @!p0 $0x2  }
0x46: {  	_ =	swait.ge @!p0 [sflag:s0], s1  }
0x47: {  	s1 =	ssub.s32 @!p0 $0x0, s1;
	[sflag:s0] =	ssyncset.done @!p0 $0x0  }
0x48: {  	[sflag:s0] =	ssyncadd.s32 @!p0 s1  }
0x49: {  	[bflag:$0x3] =	sbarrier.arrive $0xFFFF  }
0x4a: {  	_ =	shalt  }

// kernel: edge_agg_64.6.cloned.1.call-start
scs
__scs_entry_jumppad:
0x0: {  	(pc) =	sbr.rel $0x88, $3  }
0x1: {  	(tag) =	ssettag $0x0;
	lr =	simm.s32 $0x1  }
0x2: {  	[smem:$0x3F84] =	sst lr;
	_ =	strace $0xD0000000  }
0x3: {  	_ = 	snop  }
0x4: {  	_ = 	snop  }
0x5: {  	_ = 	snop  }
0x6: {  	_ = 	snop  }
0x7: {  	_ = 	snop  }
__scs_overlays_trampoline_lowered:
0x8: {  	[smem:$0x3F93] =	sst s0  }
0x9: {  	[smem:$0x3F94] =	sst s1  }
0xa: {  	[smem:$0x3F95] =	sst s2  }
0xb: {  	[smem:$0x3F96] =	sst s3  }
0xc: {  	[smem:$0x3F97] =	sst s4  }
0xd: {  	[smem:$0x3F98] =	sst s5  }
0xe: {  	[smem:$0x3F99] =	sst s6  }
0xf: {  	[smem:$0x3F9A] =	sst s7  }
0x10: {  	[smem:$0x3F9B] =	sst s8  }
0x11: {  	[smem:$0x3F9C] =	sst s9;
	s0 =	simm.s32 @!p0 $0x0  }
0x12: {  	s1 =	sld [smem:$0x3F82];
	s0 =	simm.s32 @p0 $0x1  }
0x13: {  	[smem:$0x3F9D] =	sst s0;
	s0 =	simm.s32 @!p1 $0x0  }
0x14: {  	s2 =	sld [smem:$0x3F81];
	s0 =	simm.s32 @p1 $0x1  }
0x15: {  	[smem:$0x3F9E] =	sst s0;
	s0 =	simm.s32 @!p2 $0x0  }
0x16: {  	s3 =	sld [smem:$0x3FDB];
	s0 =	simm.s32 @p2 $0x1  }
0x17: {  	s4 =	simm.s32 $0x1BF5;
	[smem:$0x3FA0] =	sst s0  }
0x18: {  	s0 =	sld [smem:$0x3F83];
	_ =	swait.ge [sflag:s4], $0x0  }
0x19: {  	s7 =	sld [smem:$0x3F84]  }
0x1a: {  	s8 =	sadd.s32 $0xFFFFE003, lr  }
0x1b: {  	s9 =	sadd.s32 $0xFFFFFEF7, lr;
	s5 =	simm.s32 $0xFFFFFFFF;
	p2 =	slt.u32 s8, $0xFFFFF086  }
0x1c: {  	p1 =	slt.u32 s9, $0xF7A;
	s5 =	simm.s32 @!p2 $0x0  }
0x1d: {  	s5 =	simm.s32 @p1 $0x1;
	p0 =	seq.s32 s7, s2  }
0x1e: {  	s7 =	smul.u32 @!p0 $0xF7A, s2;
	p2 =	seq.s32 @!p0 s5, $0x0  }
0x1f: {  	s9 =	smul.u32 $0xF7A, s1;
	s8 =	simm.s32 @!p0 $0x1BF5;
	p2 =	por !p2, p0  }
0x20: {  	[sflag:s8] =	ssyncset.s32 @!p0 $0xFFFFF086;
	s6 =	sadd.s32 @!p0 s3, s7;
	s7 =	simm.s32 @!p0 $0x108  }
0x21: {  	s3 =	sadd.s32 s3, s9;
	s6 =	sadd.s32 @!p0 $0x88, s6;
	s7 =	simm.s32 @p2 $0x1082  }
0x22: {  	[simem:s7], [sflag:s8] =	dma.local @!p0 [hbm:s6], $0xF7A  }
0x23: {  	s9 =	sor.u32 $0xD0000000, s2;
	s6 =	simm.s32 $0x108;
	_ =	swait.ge @!p0 [sflag:s8], $0x0  }
0x24: {  	s3 =	sadd.s32 $0x88, s3;
	s6 =	simm.s32 @!p1 $0x1082;
	[sflag:s4] =	ssyncset.s32 $0xFFFFF086  }
0x25: {  	[simem:s6], [sflag:s4] =	dma.local [hbm:s3], $0xF7A  }
0x26: {  	[smem:$0x3F84] =	sst s1;
	(tag) =	ssettag s2;
	_ =	strace s9  }
0x27: {  	s1 =	sld [smem:$0x3F94]  }
0x28: {  	s2 =	sld [smem:$0x3F95]  }
0x29: {  	s4 =	sld [smem:$0x3F97]  }
0x2a: {  	p0 =	seq.s32 s5, $0x0;
	s5 =	sld [smem:$0x3F98]  }
0x2b: {  	s6 =	sld [smem:$0x3F99]  }
0x2c: {  	s7 =	sld [smem:$0x3F9A]  }
0x2d: {  	s3 =	simm.s32 $0x108;
	s8 =	sld [smem:$0x3F9B]  }
0x2e: {  	s3 =	simm.s32 @!p0 $0x1082;
	s9 =	sld [smem:$0x3F9C]  }
0x2f: {  	lr =	sadd.s32 s0, s3;
	s0 =	sld [smem:$0x3F93]  }
0x30: {  	s3 =	sld [smem:$0x3F96]  }
0x31: {  	[smem:$0x3F9F] =	sst s10  }
0x32: {  	s10 =	sld [smem:$0x3F9D];
	_ =	sdelay $0x3  }
0x33: {  	p0 =	seq.s32 s10, $0x1;
	s10 =	sld [smem:$0x3F9F];
	_ =	sdelay $0x3  }
0x34: {  	[smem:$0x3F9F] =	sst s10  }
0x35: {  	s10 =	sld [smem:$0x3F9E];
	_ =	sdelay $0x3  }
0x36: {  	p1 =	seq.s32 s10, $0x1;
	s10 =	sld [smem:$0x3F9F];
	_ =	sdelay $0x3  }
0x37: {  	[smem:$0x3F9F] =	sst s10  }
0x38: {  	s10 =	sld [smem:$0x3FA0]  }
0x39: {  	_ = 	snop;
	(pc) =	sbr.ind lr, $3  }
0x3a: {  	_ = 	snop  }
0x3b: {  	_ = 	snop  }
0x3c: {  	p2 =	seq.s32 s10, $0x1;
	s10 =	sld [smem:$0x3F9F]  }
0x3d: {  	_ =	shalt  }
0x3e: {  	_ =	shalt  }
0x3f: {  	_ =	shalt  }
0x40: {  	_ =	shalt  }
0x41: {  	_ =	shalt  }
0x42: {  	_ =	shalt  }
0x43: {  	_ =	shalt  }
0x44: {  	_ =	shalt  }
0x45: {  	_ =	shalt  }
0x46: {  	_ =	shalt  }
0x47: {  	_ =	shalt  }
0x48: {  	_ =	shalt  }
0x49: {  	_ =	shalt  }
0x4a: {  	_ =	shalt  }
0x4b: {  	_ =	shalt  }
0x4c: {  	_ =	shalt  }
0x4d: {  	_ =	shalt  }
0x4e: {  	_ =	shalt  }
0x4f: {  	_ =	shalt  }
0x50: {  	_ =	shalt  }
0x51: {  	_ =	shalt  }
0x52: {  	_ =	shalt  }
0x53: {  	_ =	shalt  }
0x54: {  	_ =	shalt  }
0x55: {  	_ =	shalt  }
0x56: {  	_ =	shalt  }
0x57: {  	_ =	shalt  }
0x58: {  	_ =	shalt  }
0x59: {  	_ =	shalt  }
0x5a: {  	_ =	shalt  }
0x5b: {  	_ =	shalt  }
0x5c: {  	_ =	shalt  }
0x5d: {  	_ =	shalt  }
0x5e: {  	_ =	shalt  }
0x5f: {  	_ =	shalt  }
0x60: {  	_ =	shalt  }
0x61: {  	_ =	shalt  }
0x62: {  	_ =	shalt  }
0x63: {  	_ =	shalt  }
0x64: {  	_ =	shalt  }
0x65: {  	_ =	shalt  }
0x66: {  	_ =	shalt  }
0x67: {  	_ =	shalt  }
0x68: {  	_ =	shalt  }
0x69: {  	_ =	shalt  }
0x6a: {  	_ =	shalt  }
0x6b: {  	_ =	shalt  }
0x6c: {  	_ =	shalt  }
0x6d: {  	_ =	shalt  }
0x6e: {  	_ =	shalt  }
0x6f: {  	_ =	shalt  }
0x70: {  	_ =	shalt  }
0x71: {  	_ =	shalt  }
0x72: {  	_ =	shalt  }
0x73: {  	_ =	shalt  }
0x74: {  	_ =	shalt  }
0x75: {  	_ =	shalt  }
0x76: {  	_ =	shalt  }
0x77: {  	_ =	shalt  }
0x78: {  	_ =	shalt  }
0x79: {  	_ =	shalt  }
0x7a: {  	_ =	shalt  }
0x7b: {  	_ =	shalt  }
0x7c: {  	_ =	shalt  }
0x7d: {  	_ =	shalt  }
0x7e: {  	_ =	shalt  }
0x7f: {  	_ =	shalt  }
0x80: {  	_ =	shalt  }
0x81: {  	_ =	shalt  }
0x82: {  	_ =	shalt  }
0x83: {  	_ =	shalt  }
0x84: {  	_ =	shalt  }
0x85: {  	_ =	shalt  }
0x86: {  	_ =	shalt  }
0x87: {  	_ =	shalt  }
.Lfunc_end0:
.L_simem_size_0:
called_computation.2_lowered:
.L_overlay_start_0:
0x88: {  	s2 =	sld [smem:$0x3FD9]  }
0x89: {  	s3 =	sld [smem:$0x3FFE];
	_ =	sdelay $0x1  }
0x8a: {  	s1 =	srdreg.scid  }
0x8b: {  	s0 =	sand.u32 $0x1, s1  }
0x8c: {  	s17 =	sshll.u32 s0, $0xA;
	s2 =	sadd.s32 s3, s2  }
0x8d: {  	s2 =	sadd.s32 s2, s17  }
0x8e: {  	[smem:$0x3FAB] =	sst s2  }
0x8f: {  	_ = 	snop  }
0x90: {  	(tm) =	ssettm $0x1  }
0x91: {  	s18 =	sld [smem:$0x3FFB];
	_ =	sdelay $0x3  }
0x92: {  	_ =	strace s18  }
0x93: {  	s2 =	sld [smem:$0x3FFC];
	_ =	sdelay $0x3  }
0x94: {  	_ =	strace s2  }
0x95: {  	s2 =	sld [smem:$0x3FFD];
	_ =	sdelay $0x3  }
0x96: {  	_ =	strace s2  }
0x97: {  	_ =	strace $0x8FFFFFFF  }
0x98: {  	s19 =	sld [smem:$0x3FDB];
	_ =	sdelay $0x1  }
0x99: {  	s20 =	simm.s32 $_scs_section_size  }
0x9a: {  	s4 =	simm.s32 $_size__tile_overlayer_lowered;
	s5 =	simm.s32 $_tile_overlayer_lowered  }
0x9b: {  	s6 =	simm.s32 $0x1BFF;
	s21 =	sshll.u32 s5, $0x1;
	s3 =	sadd.s32 s20, s19  }
0x9c: {  	s22 =	simm.s32 $0x0;
	s4 =	sshll.u32 s4, $0x1;
	s5 =	sadd.s32 s21, s3  }
0x9d: {  	[timem:s22], [sflag:s6] =	dma.local [hbm:s5], s4  }
0x9e: {  	_ =	swait.ge [sflag:s6], s4  }
0x9f: {  	s4 =	ssub.s32 $0x0, s4;
	[sflag:s6] =	ssyncset.done $0x0  }
0xa0: {  	[sflag:s6] =	ssyncadd.s32 s4;
	_ =	sdelay $0x1  }
0xa1: {  	s23 =	simm.s32 $0x1B8B  }
0xa2: {  	_ =	swait.ge [sflag:s23], $0x1  }
0xa3: {  	[sflag:s23] =	ssyncset.done $0x0  }
0xa4: {  	[sflag:s23] =	ssyncadd.s32 $0xFFFFFFFF  }
0xa5: {  	s4 =	sld [smem:$0x0]  }
0xa6: {  	s5 =	sand.u32 $0xFFFFFFFE, s1  }
0xa7: {  	p0 =	sne.s32 s1, s5  }
0xa8: {  	s5 =	sshll.u32 @p0 s5, $0xE  }
0xa9: {  	s5 =	sadd.s32 @p0 $0x11B8D, s5;
	s6 =	sshll.u32 @p0 s4, $0x11  }
0xaa: {  	s5 =	sor.u32 @p0 s6, s5  }
0xab: {  	[sflag:s5] =	ssyncadd.remote.s32 @p0 $0x1;
	_ =	sdelay $0x1  }
0xac: {  	s5 =	simm.s32 @p0 $0x1B8D  }
0xad: {  	_ =	swait.eq @p0 [sflag:s5], $0x1  }
0xae: {  	[sflag:s5] =	ssyncadd.s32 @p0 $0xFFFFFFFF  }
0xaf: {  	s6 =	sshll.u32 @!p0 s1, $0xE  }
0xb0: {  	s6 =	sor.u32 @!p0 $0x4000, s6;
	s5 =	simm.s32 @!p0 $0x1B8D  }
0xb1: {  	s4 =	sshll.u32 @!p0 s4, $0x11;
	s6 =	sadd.s32 @!p0 $0x11B8D, s6;
	_ =	swait.eq @!p0 [sflag:s5], $0x1  }
0xb2: {  	s4 =	sor.u32 @!p0 s4, s6;
	[sflag:s5] =	ssyncadd.s32 @!p0 $0xFFFFFFFF  }
0xb3: {  	s25 =	simm.s32 $0x1B8E;
	s24 =	sld [smem:$0x3FFE];
	[sflag:s4] =	ssyncadd.remote.s32 @!p0 $0x1  }
0xb4: {  	s26 =	simm.s32 $execute0_lowered;
	[smem:$0x3FD2] =	sst s25  }
0xb5: {  	s5 =	sshll.u32 s26, $0x1;
	_ =	strace $0x8000004F;
	[dreg:$0x1] =	wrdreg $0xFFFFFFFF  }
0xb6: {  	s28 =	simm.s32 $_size_execute0_lowered;
	s3 =	sadd.s32 s3, s5;
	[dreg:$0x0] =	wrdreg $0x0  }
0xb7: {  	s5 =	sshll.u32 s28, $0x1;
	[dreg:$0x2] =	wrdreg s3  }
0xb8: {  	[dreg:$0x3] =	wrdreg s5  }
0xb9: {  	[dreg:$0x4] =	wrdreg $0xC0  }
0xba: {  	_ =	task [dreg:s22], $0x5FFFF  }
0xbb: {  	[dreg:$0x1] =	wrdreg $0xFFFFFFFF  }
0xbc: {  	[dreg:$0x0] =	wrdreg $0x60  }
0xbd: {  	[dreg:$0x2] =	wrdreg s24  }
0xbe: {  	[dreg:$0x3] =	wrdreg $0x6F000  }
0xbf: {  	[dreg:$0x4] =	wrdreg $0x9  }
0xc0: {  	_ =	task.clear_ibuf [dreg:s22], $0x5FFFF;
	_ =	strace $0x9000004F  }
0xc1: {  	s29 =	simm.s32 $0x9;
	_ =	strace $0x80000051  }
0xc2: {  	_ =	swait.ge [sflag:s29], $0x1  }
0xc3: {  	[sflag:s29] =	ssyncadd.s32 $0xFFFFFFFF  }
0xc4: {  	_ =	strace $0x90000051  }
0xc5: {  	_ =	sfence  }
0xc6: {  	s30 =	sld [smem:$0x0];
	_ =	sdelay $0x2  }
0xc7: {  	s31 =	sshll.u32 s1, $0xD;
	s1 =	sshrl.u32 s1, $0x2  }
0xc8: {  	s4 =	sand.u32 $0x4000, s31;
	s1 =	sadd.s32 s1, s30  }
0xc9: {  	s0 =	sor.u32 s4, s0;
	s1 =	sshll.u32 s1, $0x11  }
0xca: {  	s0 =	sor.u32 s1, s0  }
0xcb: {  	s0 =	sadd.s32 $0x8F2B, s0  }
0xcc: {  	[sflag:s0] =	ssyncadd.remote.s32 $0x1  }
0xcd: {  	_ =	sfence.sel $0xFFFF  }
0xce: {  	[dreg:$0x0] =	wrdreg $0xFFFFFFFF;
	(pc) =	sbr.abs _section_cstart, $3  }
0xcf: {  	[dreg:$0x1] =	wrdreg $0xFFFFFFFF  }
0xd0: {  	_ =	task.clear_ibuf [dreg:s22], $0x2FFFF;
	_ =	strace $0x9FFFFFFF  }
0xd1: {  	(tm) =	ssettm $0x7FFFFFFF  }
tec
execute0_lowered:
.L_overlay_start_1:
0x0: {  	(tag) =	ssettag $0x1  }
0x1: {  	s5 =	rddreg [dreg:$0x0]  }
0x2: {  	s0 =	srdreg.scid;
	s2 =	rddreg [dreg:$0x1]  }
0x3: {  	s1 =	rddreg [dreg:$0x2];
	s6 =	sand.u32 $0x1, s0  }
0x4: {  	s0 =	stileid.u32;
	s4 =	smul.u32 $0x27800, s6  }
0x5: {  	s3 =	simm.s32 $0x0;
	s14 =	simm.s32 $0x80;
	s7 =	smul.u32 $0x2780, s0  }
0x6: {  	s15 =	simm.s32 $0x4F00;
	s16 =	simm.s32 $0x1;
	s8 =	smul.u32 $0x9E00, s0  }
0x7: {  	s17 =	simm.s32 $0x0;
	[smem:$0x7FF] =	sst s3;
	s9 =	smul.u32 $0x9E000, s6  }
0x8: {  	_ =	strace $0x80000050;
	s6 =	ssub.s32 $0x2, s6;
	s31 =	sshll.u32 s0, $0x6  }
0x9: {  	s11 =	sshrl.u32 s6, $0x1;
	s7 =	sadd.s32 s7, s4;
	s4 =	sadd.s32 $0x22600, s5  }
0xa: {  	s29 =	sadd.s32 s8, s9;
	s30 =	sshrl.u32 s8, $0x3;
	s11 =	ssub.s32 s6, s11  }
0xb: {  	s13 =	sadd.s32 s8, s2;
	s6 =	sor.u32 $0x1C02, s31;
	s7 =	sshrl.u32 s7, $0x3  }
0xc: {  	s9 =	sadd.s32 s30, s5;
	s10 =	sadd.s32 s7, s5;
	s7 =	sshrl.u32 s29, $0x3  }
0xd: {  	s12 =	sadd.s32 s7, s5;
	s5 =	sadd.s32 $0x5D800, s9;
	s7 =	sadd.s32 $0x98E00, s10  }
0xe: {  	s8 =	sadd.s32 $0x18800, s10;
	s10 =	smax.u32 s11, $0x1;
	s11 =	sshrl.u32 s13, $0x3  }
0xf: {  	s13 =	simm.s32 $0x2780;
	s9 =	sadd.s32 $0xA2C00, s12;
	s12 =	simm.s32 $0x2  }
.LBB2_1:
0x10: {  	[spmem:s11], [sflag:s6] =	dma.local [hbm:s5], $0x13C0  }
0x11: {  	_ =	swait.ge [sflag:s12], $0x13C0  }
0x12: {  	[sflag:s12] =	ssyncset.done $0x0  }
0x13: {  	[sflag:s12] =	ssyncadd.s32 $0xFFFFEC40  }
0x14: {  	[tilespmem:s3], [sflag:$0x2] =	stream.linear.gather [hbm4b:s7+s3], $0x2780, $0x38;
	[tilespmem:$0x10D00] =	vst v63  }
0x15: {  	_ =	swait.ge [sflag:s12], $0x2780  }
0x16: {  	[sflag:s12] =	ssyncset.done $0x0  }
0x17: {  	[sflag:s12] =	ssyncadd.s32 $0xFFFFD880  }
0x18: {  	[tilespmem:s13], [sflag:$0x2] =	stream.linear.gather [hbm4b:s8+s3], $0x2780, $0x38;
	[tilespmem:$0x10D00] =	vst v63  }
0x19: {  	_ =	swait.ge [sflag:s12], $0x2780  }
0x1a: {  	[sflag:s12] =	ssyncset.done $0x0  }
0x1b: {  	[sflag:s12] =	ssyncadd.s32 $0xFFFFD880  }
0x1c: {  	s18 =	simm.s32 $0x0;
	[bflag:$0x0] =	sbarrier.arrive $0xFFFF  }
0x1d: {  	[tilespmem:s15], [sflag:$0x1] =	stream.indirect.gather [hbm4b:s4+s14], $0x40, s18, s14, $0xb8;
	[tilespmem:$0x10D00] =	vst v63  }
0x1e: {  	_ =	swait.ge [sflag:s16], $0x2000  }
0x1f: {  	[sflag:s16] =	ssyncset.done $0x0  }
0x20: {  	s31 =	simm.s32 $0x2780;
	[sflag:s16] =	ssyncadd.s32 $0xFFFFE000  }
0x21: {  	[spmem:s2] =	stream.indirect.scatter.add.f32 [tilespmem:s15], [sflag:$0x2], $0x40, s31, s14, $0xb8;
	[tilespmem:$0x10D00] =	vst v63  }
0x22: {  	_ =	swait.ge [sflag:s12], $0x2000  }
0x23: {  	s19 =	simm.s32 $0x400;
	s18 =	simm.s32 $0x200;
	[sflag:s12] =	ssyncset.done $0x0  }
.LBB2_2:
0x24: {  	s20 =	sshra.s32 s18, $0x2  }
0x25: {  	[sflag:s12] =	ssyncadd.s32 $0xFFFFE000;
	s18 =	smov.u32 s19;
	s21 =	sadd.s32 $0x200, s19  }
0x26: {  	[tilespmem:s15], [sflag:$0x1] =	stream.indirect.gather [hbm4b:s4+s14], $0x40, s20, s14, $0xb8;
	[tilespmem:$0x10D00] =	vst v63  }
0x27: {  	p0 =	sne.s32 s19, $0x9C00;
	_ =	swait.ge [sflag:s16], $0x2000  }
.Ltmp0:
0x28: {  	[sflag:s16] =	ssyncset.done $0x0;
	(pc) =	sbr.rel @p0 .LBB2_2-.Ltmp0, $4  }
0x29: {  	s19 =	sadd.s32 $0x2780, s20;
	[sflag:s16] =	ssyncadd.s32 $0xFFFFE000  }
0x2a: {  	[spmem:s2] =	stream.indirect.scatter.add.f32 [tilespmem:s15], [sflag:$0x2], $0x40, s19, s14, $0xb8;
	[tilespmem:$0x10D00] =	vst v63  }
0x2b: {  	_ =	swait.ge [sflag:s12], $0x2000  }
0x2c: {  	s19 =	smov.u32 s21;
	[sflag:s12] =	ssyncset.done $0x0  }
0x2d: {  	s18 =	sshra.s32 s18, $0x2;
	[sflag:s12] =	ssyncadd.s32 $0xFFFFE000  }
0x2e: {  	[tilespmem:s15], [sflag:$0x1] =	stream.indirect.gather [hbm4b:s4+s14], $0x40, s18, s14, $0xb8;
	[tilespmem:$0x10D00] =	vst v63  }
0x2f: {  	_ =	swait.ge [sflag:s16], $0x2000  }
0x30: {  	[sflag:s16] =	ssyncset.done $0x0  }
0x31: {  	s18 =	sadd.s32 $0x2780, s18;
	[sflag:s16] =	ssyncadd.s32 $0xFFFFE000  }
0x32: {  	[spmem:s2] =	stream.indirect.scatter.add.f32 [tilespmem:s15], [sflag:$0x2], $0x40, s18, s14, $0xb8;
	[tilespmem:$0x10D00] =	vst v63  }
0x33: {  	_ =	swait.ge [sflag:s12], $0x2000  }
0x34: {  	s17 =	sadd.s32 $0x1, s17;
	[sflag:s12] =	ssyncset.done $0x0  }
0x35: {  	p0 =	sne.s32 s17, s10;
	[sflag:s12] =	ssyncadd.s32 $0xFFFFE000  }
.Ltmp1:
0x36: {  	[bflag:$0x0] =	sbarrier.arrive $0xFFFF;
	(pc) =	sbr.rel @p0 .LBB2_1-.Ltmp1, $4  }
0x37: {  	[hbm:s9], [sflag:s6] =	dma.local [spmem:s11], $0x13C0  }
0x38: {  	_ =	swait.ge [sflag:s12], $0x13C0  }
0x39: {  	[sflag:s12] =	ssyncset.done $0x0  }
0x3a: {  	[sflag:s12] =	ssyncadd.s32 $0xFFFFEC40  }
0x3b: {  	_ =	sfence.sel $0x180000  }
0x3c: {  	[bflag:$0x0] =	sbarrier.arrive $0xFFFF  }
0x3d: {  	p0 =	sne.s32 s0, $0x0;
	_ =	strace $0x90000050  }
0x3e: {  	s0 =	sadd.s32 @!p0 $0x100000, s1;
	[bflag:$0x2] =	sbarrier.arrive $0xFFFF  }
0x3f: {  	[sflag:s0] =	ssyncadd.tile.s32 @!p0 $0x1;
	_ =	shalt  }
.Lfunc_end2:
_tile_overlayer_lowered:
.L_overlay_start_2:
0x40: {  	(tag) =	ssettag $0x2  }
0x41: {  	s0 =	rddreg [dreg:$0x0];
	s2 =	stileid.u32  }
0x42: {  	s1 =	rddreg [dreg:$0x1];
	p0 =	sne.s32 s2, $0x0  }
0x43: {  	s3 =	rddreg [dreg:$0x2];
	[bflag:$0x3] =	sbarrier.arrive $0xFFFF;
	s2 =	simm.s32 @!p0 $0x1C02  }
0x44: {  	[timem:s3], [sflag:s2] =	dma.local @!p0 [hbm:s0], s1  }
0x45: {  	s0 =	simm.s32 @!p0 $0x2  }
0x46: {  	_ =	swait.ge @!p0 [sflag:s0], s1  }
0x47: {  	s1 =	ssub.s32 @!p0 $0x0, s1;
	[sflag:s0] =	ssyncset.done @!p0 $0x0  }
0x48: {  	[sflag:s0] =	ssyncadd.s32 @!p0 s1  }
0x49: {  	[bflag:$0x3] =	sbarrier.arrive $0xFFFF  }
0x4a: {  	_ =	shalt  }

// kernel: edge_agg_64.9.cloned.1.call-start
scs
__scs_entry_jumppad:
0x0: {  	(pc) =	sbr.rel $0x88, $3  }
0x1: {  	(tag) =	ssettag $0x0;
	lr =	simm.s32 $0x1  }
0x2: {  	[smem:$0x3F84] =	sst lr;
	_ =	strace $0xD0000000  }
0x3: {  	_ = 	snop  }
0x4: {  	_ = 	snop  }
0x5: {  	_ = 	snop  }
0x6: {  	_ = 	snop  }
0x7: {  	_ = 	snop  }
__scs_overlays_trampoline_lowered:
0x8: {  	[smem:$0x3F93] =	sst s0  }
0x9: {  	[smem:$0x3F94] =	sst s1  }
0xa: {  	[smem:$0x3F95] =	sst s2  }
0xb: {  	[smem:$0x3F96] =	sst s3  }
0xc: {  	[smem:$0x3F97] =	sst s4  }
0xd: {  	[smem:$0x3F98] =	sst s5  }
0xe: {  	[smem:$0x3F99] =	sst s6  }
0xf: {  	[smem:$0x3F9A] =	sst s7  }
0x10: {  	[smem:$0x3F9B] =	sst s8  }
0x11: {  	[smem:$0x3F9C] =	sst s9;
	s0 =	simm.s32 @!p0 $0x0  }
0x12: {  	s1 =	sld [smem:$0x3F82];
	s0 =	simm.s32 @p0 $0x1  }
0x13: {  	[smem:$0x3F9D] =	sst s0;
	s0 =	simm.s32 @!p1 $0x0  }
0x14: {  	s2 =	sld [smem:$0x3F81];
	s0 =	simm.s32 @p1 $0x1  }
0x15: {  	[smem:$0x3F9E] =	sst s0;
	s0 =	simm.s32 @!p2 $0x0  }
0x16: {  	s3 =	sld [smem:$0x3FDB];
	s0 =	simm.s32 @p2 $0x1  }
0x17: {  	s4 =	simm.s32 $0x1BF5;
	[smem:$0x3FA0] =	sst s0  }
0x18: {  	s0 =	sld [smem:$0x3F83];
	_ =	swait.ge [sflag:s4], $0x0  }
0x19: {  	s7 =	sld [smem:$0x3F84]  }
0x1a: {  	s8 =	sadd.s32 $0xFFFFE003, lr  }
0x1b: {  	s9 =	sadd.s32 $0xFFFFFEF7, lr;
	s5 =	simm.s32 $0xFFFFFFFF;
	p2 =	slt.u32 s8, $0xFFFFF086  }
0x1c: {  	p1 =	slt.u32 s9, $0xF7A;
	s5 =	simm.s32 @!p2 $0x0  }
0x1d: {  	s5 =	simm.s32 @p1 $0x1;
	p0 =	seq.s32 s7, s2  }
0x1e: {  	s7 =	smul.u32 @!p0 $0xF7A, s2;
	p2 =	seq.s32 @!p0 s5, $0x0  }
0x1f: {  	s9 =	smul.u32 $0xF7A, s1;
	s8 =	simm.s32 @!p0 $0x1BF5;
	p2 =	por !p2, p0  }
0x20: {  	[sflag:s8] =	ssyncset.s32 @!p0 $0xFFFFF086;
	s6 =	sadd.s32 @!p0 s3, s7;
	s7 =	simm.s32 @!p0 $0x108  }
0x21: {  	s3 =	sadd.s32 s3, s9;
	s6 =	sadd.s32 @!p0 $0x88, s6;
	s7 =	simm.s32 @p2 $0x1082  }
0x22: {  	[simem:s7], [sflag:s8] =	dma.local @!p0 [hbm:s6], $0xF7A  }
0x23: {  	s9 =	sor.u32 $0xD0000000, s2;
	s6 =	simm.s32 $0x108;
	_ =	swait.ge @!p0 [sflag:s8], $0x0  }
0x24: {  	s3 =	sadd.s32 $0x88, s3;
	s6 =	simm.s32 @!p1 $0x1082;
	[sflag:s4] =	ssyncset.s32 $0xFFFFF086  }
0x25: {  	[simem:s6], [sflag:s4] =	dma.local [hbm:s3], $0xF7A  }
0x26: {  	[smem:$0x3F84] =	sst s1;
	(tag) =	ssettag s2;
	_ =	strace s9  }
0x27: {  	s1 =	sld [smem:$0x3F94]  }
0x28: {  	s2 =	sld [smem:$0x3F95]  }
0x29: {  	s4 =	sld [smem:$0x3F97]  }
0x2a: {  	p0 =	seq.s32 s5, $0x0;
	s5 =	sld [smem:$0x3F98]  }
0x2b: {  	s6 =	sld [smem:$0x3F99]  }
0x2c: {  	s7 =	sld [smem:$0x3F9A]  }
0x2d: {  	s3 =	simm.s32 $0x108;
	s8 =	sld [smem:$0x3F9B]  }
0x2e: {  	s3 =	simm.s32 @!p0 $0x1082;
	s9 =	sld [smem:$0x3F9C]  }
0x2f: {  	lr =	sadd.s32 s0, s3;
	s0 =	sld [smem:$0x3F93]  }
0x30: {  	s3 =	sld [smem:$0x3F96]  }
0x31: {  	[smem:$0x3F9F] =	sst s10  }
0x32: {  	s10 =	sld [smem:$0x3F9D];
	_ =	sdelay $0x3  }
0x33: {  	p0 =	seq.s32 s10, $0x1;
	s10 =	sld [smem:$0x3F9F];
	_ =	sdelay $0x3  }
0x34: {  	[smem:$0x3F9F] =	sst s10  }
0x35: {  	s10 =	sld [smem:$0x3F9E];
	_ =	sdelay $0x3  }
0x36: {  	p1 =	seq.s32 s10, $0x1;
	s10 =	sld [smem:$0x3F9F];
	_ =	sdelay $0x3  }
0x37: {  	[smem:$0x3F9F] =	sst s10  }
0x38: {  	s10 =	sld [smem:$0x3FA0]  }
0x39: {  	_ = 	snop;
	(pc) =	sbr.ind lr, $3  }
0x3a: {  	_ = 	snop  }
0x3b: {  	_ = 	snop  }
0x3c: {  	p2 =	seq.s32 s10, $0x1;
	s10 =	sld [smem:$0x3F9F]  }
0x3d: {  	_ =	shalt  }
0x3e: {  	_ =	shalt  }
0x3f: {  	_ =	shalt  }
0x40: {  	_ =	shalt  }
0x41: {  	_ =	shalt  }
0x42: {  	_ =	shalt  }
0x43: {  	_ =	shalt  }
0x44: {  	_ =	shalt  }
0x45: {  	_ =	shalt  }
0x46: {  	_ =	shalt  }
0x47: {  	_ =	shalt  }
0x48: {  	_ =	shalt  }
0x49: {  	_ =	shalt  }
0x4a: {  	_ =	shalt  }
0x4b: {  	_ =	shalt  }
0x4c: {  	_ =	shalt  }
0x4d: {  	_ =	shalt  }
0x4e: {  	_ =	shalt  }
0x4f: {  	_ =	shalt  }
0x50: {  	_ =	shalt  }
0x51: {  	_ =	shalt  }
0x52: {  	_ =	shalt  }
0x53: {  	_ =	shalt  }
0x54: {  	_ =	shalt  }
0x55: {  	_ =	shalt  }
0x56: {  	_ =	shalt  }
0x57: {  	_ =	shalt  }
0x58: {  	_ =	shalt  }
0x59: {  	_ =	shalt  }
0x5a: {  	_ =	shalt  }
0x5b: {  	_ =	shalt  }
0x5c: {  	_ =	shalt  }
0x5d: {  	_ =	shalt  }
0x5e: {  	_ =	shalt  }
0x5f: {  	_ =	shalt  }
0x60: {  	_ =	shalt  }
0x61: {  	_ =	shalt  }
0x62: {  	_ =	shalt  }
0x63: {  	_ =	shalt  }
0x64: {  	_ =	shalt  }
0x65: {  	_ =	shalt  }
0x66: {  	_ =	shalt  }
0x67: {  	_ =	shalt  }
0x68: {  	_ =	shalt  }
0x69: {  	_ =	shalt  }
0x6a: {  	_ =	shalt  }
0x6b: {  	_ =	shalt  }
0x6c: {  	_ =	shalt  }
0x6d: {  	_ =	shalt  }
0x6e: {  	_ =	shalt  }
0x6f: {  	_ =	shalt  }
0x70: {  	_ =	shalt  }
0x71: {  	_ =	shalt  }
0x72: {  	_ =	shalt  }
0x73: {  	_ =	shalt  }
0x74: {  	_ =	shalt  }
0x75: {  	_ =	shalt  }
0x76: {  	_ =	shalt  }
0x77: {  	_ =	shalt  }
0x78: {  	_ =	shalt  }
0x79: {  	_ =	shalt  }
0x7a: {  	_ =	shalt  }
0x7b: {  	_ =	shalt  }
0x7c: {  	_ =	shalt  }
0x7d: {  	_ =	shalt  }
0x7e: {  	_ =	shalt  }
0x7f: {  	_ =	shalt  }
0x80: {  	_ =	shalt  }
0x81: {  	_ =	shalt  }
0x82: {  	_ =	shalt  }
0x83: {  	_ =	shalt  }
0x84: {  	_ =	shalt  }
0x85: {  	_ =	shalt  }
0x86: {  	_ =	shalt  }
0x87: {  	_ =	shalt  }
.Lfunc_end0:
.L_simem_size_0:
called_computation.3_lowered:
.L_overlay_start_0:
0x88: {  	s2 =	sld [smem:$0x3FD9]  }
0x89: {  	s3 =	sld [smem:$0x3FFE];
	_ =	sdelay $0x1  }
0x8a: {  	s1 =	srdreg.scid  }
0x8b: {  	s0 =	sand.u32 $0x1, s1  }
0x8c: {  	s17 =	sshll.u32 s0, $0xA;
	s2 =	sadd.s32 s3, s2  }
0x8d: {  	s2 =	sadd.s32 s2, s17  }
0x8e: {  	[smem:$0x3FAB] =	sst s2  }
0x8f: {  	_ = 	snop  }
0x90: {  	(tm) =	ssettm $0x1  }
0x91: {  	s18 =	sld [smem:$0x3FFB];
	_ =	sdelay $0x3  }
0x92: {  	_ =	strace s18  }
0x93: {  	s2 =	sld [smem:$0x3FFC];
	_ =	sdelay $0x3  }
0x94: {  	_ =	strace s2  }
0x95: {  	s2 =	sld [smem:$0x3FFD];
	_ =	sdelay $0x3  }
0x96: {  	_ =	strace s2  }
0x97: {  	_ =	strace $0x8FFFFFFF  }
0x98: {  	s19 =	sld [smem:$0x3FDB];
	_ =	sdelay $0x1  }
0x99: {  	s20 =	simm.s32 $_scs_section_size  }
0x9a: {  	s4 =	simm.s32 $_size__tile_overlayer_lowered;
	s5 =	simm.s32 $_tile_overlayer_lowered  }
0x9b: {  	s6 =	simm.s32 $0x1BFF;
	s21 =	sshll.u32 s5, $0x1;
	s3 =	sadd.s32 s20, s19  }
0x9c: {  	s22 =	simm.s32 $0x0;
	s4 =	sshll.u32 s4, $0x1;
	s5 =	sadd.s32 s21, s3  }
0x9d: {  	[timem:s22], [sflag:s6] =	dma.local [hbm:s5], s4  }
0x9e: {  	_ =	swait.ge [sflag:s6], s4  }
0x9f: {  	s4 =	ssub.s32 $0x0, s4;
	[sflag:s6] =	ssyncset.done $0x0  }
0xa0: {  	[sflag:s6] =	ssyncadd.s32 s4;
	_ =	sdelay $0x1  }
0xa1: {  	s23 =	simm.s32 $0x1B8B  }
0xa2: {  	_ =	swait.ge [sflag:s23], $0x1  }
0xa3: {  	[sflag:s23] =	ssyncset.done $0x0  }
0xa4: {  	[sflag:s23] =	ssyncadd.s32 $0xFFFFFFFF  }
0xa5: {  	s4 =	sld [smem:$0x0]  }
0xa6: {  	s5 =	sand.u32 $0xFFFFFFFE, s1  }
0xa7: {  	p0 =	sne.s32 s1, s5  }
0xa8: {  	s5 =	sshll.u32 @p0 s5, $0xE  }
0xa9: {  	s5 =	sadd.s32 @p0 $0x11B8D, s5;
	s6 =	sshll.u32 @p0 s4, $0x11  }
0xaa: {  	s5 =	sor.u32 @p0 s6, s5  }
0xab: {  	[sflag:s5] =	ssyncadd.remote.s32 @p0 $0x1;
	_ =	sdelay $0x1  }
0xac: {  	s5 =	simm.s32 @p0 $0x1B8D  }
0xad: {  	_ =	swait.eq @p0 [sflag:s5], $0x1  }
0xae: {  	[sflag:s5] =	ssyncadd.s32 @p0 $0xFFFFFFFF  }
0xaf: {  	s6 =	sshll.u32 @!p0 s1, $0xE  }
0xb0: {  	s6 =	sor.u32 @!p0 $0x4000, s6;
	s5 =	simm.s32 @!p0 $0x1B8D  }
0xb1: {  	s4 =	sshll.u32 @!p0 s4, $0x11;
	s6 =	sadd.s32 @!p0 $0x11B8D, s6;
	_ =	swait.eq @!p0 [sflag:s5], $0x1  }
0xb2: {  	s4 =	sor.u32 @!p0 s4, s6;
	[sflag:s5] =	ssyncadd.s32 @!p0 $0xFFFFFFFF  }
0xb3: {  	s25 =	simm.s32 $0x1B8E;
	s24 =	sld [smem:$0x3FFE];
	[sflag:s4] =	ssyncadd.remote.s32 @!p0 $0x1  }
0xb4: {  	s26 =	simm.s32 $execute0_lowered;
	[smem:$0x3FD2] =	sst s25  }
0xb5: {  	s5 =	sshll.u32 s26, $0x1;
	_ =	strace $0x8000004C;
	[dreg:$0x1] =	wrdreg $0xFFFFFFFF  }
0xb6: {  	s28 =	simm.s32 $_size_execute0_lowered;
	s3 =	sadd.s32 s3, s5;
	[dreg:$0x0] =	wrdreg $0x0  }
0xb7: {  	s5 =	sshll.u32 s28, $0x1;
	[dreg:$0x2] =	wrdreg s3  }
0xb8: {  	[dreg:$0x3] =	wrdreg s5  }
0xb9: {  	[dreg:$0x4] =	wrdreg $0xC0  }
0xba: {  	_ =	task [dreg:s22], $0x5FFFF  }
0xbb: {  	[dreg:$0x1] =	wrdreg $0xFFFFFFFF  }
0xbc: {  	[dreg:$0x0] =	wrdreg $0x60  }
0xbd: {  	[dreg:$0x2] =	wrdreg s24  }
0xbe: {  	[dreg:$0x3] =	wrdreg $0x6F000  }
0xbf: {  	[dreg:$0x4] =	wrdreg $0xA  }
0xc0: {  	_ =	task.clear_ibuf [dreg:s22], $0x5FFFF;
	_ =	strace $0x9000004C  }
0xc1: {  	s29 =	simm.s32 $0xA;
	_ =	strace $0x8000004E  }
0xc2: {  	_ =	swait.ge [sflag:s29], $0x1  }
0xc3: {  	[sflag:s29] =	ssyncadd.s32 $0xFFFFFFFF  }
0xc4: {  	_ =	strace $0x9000004E  }
0xc5: {  	_ =	sfence  }
0xc6: {  	s30 =	sld [smem:$0x0];
	_ =	sdelay $0x2  }
0xc7: {  	s31 =	sshll.u32 s1, $0xD;
	s1 =	sshrl.u32 s1, $0x2  }
0xc8: {  	s4 =	sand.u32 $0x4000, s31;
	s1 =	sadd.s32 s1, s30  }
0xc9: {  	s0 =	sor.u32 s4, s0;
	s1 =	sshll.u32 s1, $0x11  }
0xca: {  	s0 =	sor.u32 s1, s0  }
0xcb: {  	s0 =	sadd.s32 $0x8F2B, s0  }
0xcc: {  	[sflag:s0] =	ssyncadd.remote.s32 $0x1  }
0xcd: {  	_ =	sfence.sel $0xFFFF  }
0xce: {  	[dreg:$0x0] =	wrdreg $0xFFFFFFFF;
	(pc) =	sbr.abs _section_cstart, $3  }
0xcf: {  	[dreg:$0x1] =	wrdreg $0xFFFFFFFF  }
0xd0: {  	_ =	task.clear_ibuf [dreg:s22], $0x2FFFF;
	_ =	strace $0x9FFFFFFF  }
0xd1: {  	(tm) =	ssettm $0x7FFFFFFF  }
tec
execute0_lowered:
.L_overlay_start_1:
0x0: {  	(tag) =	ssettag $0x1  }
0x1: {  	s5 =	rddreg [dreg:$0x0]  }
0x2: {  	s0 =	srdreg.scid;
	s2 =	rddreg [dreg:$0x1]  }
0x3: {  	s1 =	rddreg [dreg:$0x2];
	s6 =	sand.u32 $0x1, s0  }
0x4: {  	s0 =	stileid.u32;
	s4 =	smul.u32 $0x27800, s6  }
0x5: {  	s3 =	simm.s32 $0x0;
	s14 =	simm.s32 $0x80;
	s7 =	smul.u32 $0x2780, s0  }
0x6: {  	s15 =	simm.s32 $0x4F00;
	s16 =	simm.s32 $0x1;
	s8 =	smul.u32 $0x9E00, s0  }
0x7: {  	s17 =	simm.s32 $0x0;
	[smem:$0x7FF] =	sst s3;
	s9 =	smul.u32 $0x9E000, s6  }
0x8: {  	_ =	strace $0x8000004D;
	s6 =	ssub.s32 $0x2, s6;
	s31 =	sshll.u32 s0, $0x6  }
0x9: {  	s11 =	sshrl.u32 s6, $0x1;
	s7 =	sadd.s32 s7, s4;
	s4 =	sadd.s32 $0x49E00, s5  }
0xa: {  	s29 =	sadd.s32 s8, s9;
	s30 =	sshrl.u32 s8, $0x3;
	s11 =	ssub.s32 s6, s11  }
0xb: {  	s13 =	sadd.s32 s8, s2;
	s6 =	sor.u32 $0x1C02, s31;
	s7 =	sshrl.u32 s7, $0x3  }
0xc: {  	s9 =	sadd.s32 s30, s5;
	s10 =	sadd.s32 s7, s5;
	s7 =	sshrl.u32 s29, $0x3  }
0xd: {  	s12 =	sadd.s32 s7, s5;
	s5 =	sadd.s32 $0x5D800, s9;
	s7 =	sadd.s32 $0x4C00, s10  }
0xe: {  	s8 =	sadd.s32 $0xEA00, s10;
	s10 =	smax.u32 s11, $0x1;
	s11 =	sshrl.u32 s13, $0x3  }
0xf: {  	s13 =	simm.s32 $0x2780;
	s9 =	sadd.s32 $0x71400, s12;
	s12 =	simm.s32 $0x2  }
.LBB2_1:
0x10: {  	[spmem:s11], [sflag:s6] =	dma.local [hbm:s5], $0x13C0  }
0x11: {  	_ =	swait.ge [sflag:s12], $0x13C0  }
0x12: {  	[sflag:s12] =	ssyncset.done $0x0  }
0x13: {  	[sflag:s12] =	ssyncadd.s32 $0xFFFFEC40  }
0x14: {  	[tilespmem:s3], [sflag:$0x2] =	stream.linear.gather [hbm4b:s7+s3], $0x2780, $0x38;
	[tilespmem:$0x10D00] =	vst v63  }
0x15: {  	_ =	swait.ge [sflag:s12], $0x2780  }
0x16: {  	[sflag:s12] =	ssyncset.done $0x0  }
0x17: {  	[sflag:s12] =	ssyncadd.s32 $0xFFFFD880  }
0x18: {  	[tilespmem:s13], [sflag:$0x2] =	stream.linear.gather [hbm4b:s8+s3], $0x2780, $0x38;
	[tilespmem:$0x10D00] =	vst v63  }
0x19: {  	_ =	swait.ge [sflag:s12], $0x2780  }
0x1a: {  	[sflag:s12] =	ssyncset.done $0x0  }
0x1b: {  	[sflag:s12] =	ssyncadd.s32 $0xFFFFD880  }
0x1c: {  	s18 =	simm.s32 $0x0;
	[bflag:$0x0] =	sbarrier.arrive $0xFFFF  }
0x1d: {  	[tilespmem:s15], [sflag:$0x1] =	stream.indirect.gather [hbm4b:s4+s14], $0x40, s18, s14, $0xb8;
	[tilespmem:$0x10D00] =	vst v63  }
0x1e: {  	_ =	swait.ge [sflag:s16], $0x2000  }
0x1f: {  	[sflag:s16] =	ssyncset.done $0x0  }
0x20: {  	s31 =	simm.s32 $0x2780;
	[sflag:s16] =	ssyncadd.s32 $0xFFFFE000  }
0x21: {  	[spmem:s2] =	stream.indirect.scatter.add.f32 [tilespmem:s15], [sflag:$0x2], $0x40, s31, s14, $0xb8;
	[tilespmem:$0x10D00] =	vst v63  }
0x22: {  	_ =	swait.ge [sflag:s12], $0x2000  }
0x23: {  	s19 =	simm.s32 $0x400;
	s18 =	simm.s32 $0x200;
	[sflag:s12] =	ssyncset.done $0x0  }
.LBB2_2:
0x24: {  	s20 =	sshra.s32 s18, $0x2  }
0x25: {  	[sflag:s12] =	ssyncadd.s32 $0xFFFFE000;
	s18 =	smov.u32 s19;
	s21 =	sadd.s32 $0x200, s19  }
0x26: {  	[tilespmem:s15], [sflag:$0x1] =	stream.indirect.gather [hbm4b:s4+s14], $0x40, s20, s14, $0xb8;
	[tilespmem:$0x10D00] =	vst v63  }
0x27: {  	p0 =	sne.s32 s19, $0x9C00;
	_ =	swait.ge [sflag:s16], $0x2000  }
.Ltmp0:
0x28: {  	[sflag:s16] =	ssyncset.done $0x0;
	(pc) =	sbr.rel @p0 .LBB2_2-.Ltmp0, $4  }
0x29: {  	s19 =	sadd.s32 $0x2780, s20;
	[sflag:s16] =	ssyncadd.s32 $0xFFFFE000  }
0x2a: {  	[spmem:s2] =	stream.indirect.scatter.add.f32 [tilespmem:s15], [sflag:$0x2], $0x40, s19, s14, $0xb8;
	[tilespmem:$0x10D00] =	vst v63  }
0x2b: {  	_ =	swait.ge [sflag:s12], $0x2000  }
0x2c: {  	s19 =	smov.u32 s21;
	[sflag:s12] =	ssyncset.done $0x0  }
0x2d: {  	s18 =	sshra.s32 s18, $0x2;
	[sflag:s12] =	ssyncadd.s32 $0xFFFFE000  }
0x2e: {  	[tilespmem:s15], [sflag:$0x1] =	stream.indirect.gather [hbm4b:s4+s14], $0x40, s18, s14, $0xb8;
	[tilespmem:$0x10D00] =	vst v63  }
0x2f: {  	_ =	swait.ge [sflag:s16], $0x2000  }
0x30: {  	[sflag:s16] =	ssyncset.done $0x0  }
0x31: {  	s18 =	sadd.s32 $0x2780, s18;
	[sflag:s16] =	ssyncadd.s32 $0xFFFFE000  }
0x32: {  	[spmem:s2] =	stream.indirect.scatter.add.f32 [tilespmem:s15], [sflag:$0x2], $0x40, s18, s14, $0xb8;
	[tilespmem:$0x10D00] =	vst v63  }
0x33: {  	_ =	swait.ge [sflag:s12], $0x2000  }
0x34: {  	s17 =	sadd.s32 $0x1, s17;
	[sflag:s12] =	ssyncset.done $0x0  }
0x35: {  	p0 =	sne.s32 s17, s10;
	[sflag:s12] =	ssyncadd.s32 $0xFFFFE000  }
.Ltmp1:
0x36: {  	[bflag:$0x0] =	sbarrier.arrive $0xFFFF;
	(pc) =	sbr.rel @p0 .LBB2_1-.Ltmp1, $4  }
0x37: {  	[hbm:s9], [sflag:s6] =	dma.local [spmem:s11], $0x13C0  }
0x38: {  	_ =	swait.ge [sflag:s12], $0x13C0  }
0x39: {  	[sflag:s12] =	ssyncset.done $0x0  }
0x3a: {  	[sflag:s12] =	ssyncadd.s32 $0xFFFFEC40  }
0x3b: {  	_ =	sfence.sel $0x180000  }
0x3c: {  	[bflag:$0x0] =	sbarrier.arrive $0xFFFF  }
0x3d: {  	p0 =	sne.s32 s0, $0x0;
	_ =	strace $0x9000004D  }
0x3e: {  	s0 =	sadd.s32 @!p0 $0x100000, s1;
	[bflag:$0x2] =	sbarrier.arrive $0xFFFF  }
0x3f: {  	[sflag:s0] =	ssyncadd.tile.s32 @!p0 $0x1;
	_ =	shalt  }
.Lfunc_end2:
_tile_overlayer_lowered:
.L_overlay_start_2:
0x40: {  	(tag) =	ssettag $0x2  }
0x41: {  	s0 =	rddreg [dreg:$0x0];
	s2 =	stileid.u32  }
0x42: {  	s1 =	rddreg [dreg:$0x1];
	p0 =	sne.s32 s2, $0x0  }
0x43: {  	s3 =	rddreg [dreg:$0x2];
	[bflag:$0x3] =	sbarrier.arrive $0xFFFF;
	s2 =	simm.s32 @!p0 $0x1C02  }
0x44: {  	[timem:s3], [sflag:s2] =	dma.local @!p0 [hbm:s0], s1  }
0x45: {  	s0 =	simm.s32 @!p0 $0x2  }
0x46: {  	_ =	swait.ge @!p0 [sflag:s0], s1  }
0x47: {  	s1 =	ssub.s32 @!p0 $0x0, s1;
	[sflag:s0] =	ssyncset.done @!p0 $0x0  }
0x48: {  	[sflag:s0] =	ssyncadd.s32 @!p0 s1  }
0x49: {  	[bflag:$0x3] =	sbarrier.arrive $0xFFFF  }
0x4a: {  	_ =	shalt  }

</sc_bundles>
